<compile_context>
chip_gen: v7x
topology: tpu7x:2x2x1
jax: 0.10.2.dev20260603
libtpu: 0.0.44.dev20260713+nightly
codegen_flags: <defaults>
</compile_context>

<pallas_src>
import functools

import jax
import jax.numpy as jnp
from jax import lax
from jax.experimental import pallas as pl
from jax.experimental.pallas import tpu as pltpu
from jax.experimental.pallas import tpu_sc as plsc

NC = 2
NS = 16
LANES = 16
NW = NC * NS


def _pad_up(n, m):
    return (n + m - 1) // m * m


def _sc_degree_kernel(e_pad, u_blk, extra, ch, n_pad, rows_per_tile):
    mesh = plsc.VectorSubcoreMesh(core_axis_name="c", subcore_axis_name="s")
    chw = ch * 128

    @functools.partial(
        pl.kernel,
        out_type=[
            jax.ShapeDtypeStruct((NC, n_pad), jnp.float32),
            jax.ShapeDtypeStruct((e_pad,), jnp.int32),
            jax.ShapeDtypeStruct((e_pad,), jnp.int32),
        ],
        mesh=mesh,
        scratch_types=[
            pltpu.VMEM((2, chw), jnp.int32),
            pltpu.VMEM((2, 128), jnp.int32),
            pltpu.VMEM((chw,), jnp.int32),
            pltpu.VMEM((128,), jnp.int32),
            pltpu.VMEM((chw,), jnp.float32),
            pltpu.VMEM((rows_per_tile,), jnp.float32),
            pltpu.VMEM_SHARED((n_pad,), jnp.float32),
        ],
    )
    def deg_kernel(edge_hbm, out_hbm, src_hbm, dst_hbm, ebuf_v, ebuf2_v,
                   dbuf_v, dbuf2_v, ones_v, zero_v, deg_sh):
        cid = lax.axis_index("c")
        sid = lax.axis_index("s")
        wid = cid * NS + sid
        base = sid * rows_per_tile
        eoff = pl.multiple_of((wid * u_blk + jnp.minimum(wid, extra)) * 128,
                              128)

        def fill_zero(r, carry):
            zero_v[pl.ds(r * LANES, LANES)] = jnp.zeros((LANES,), jnp.float32)
            return carry

        lax.fori_loop(0, rows_per_tile // LANES, fill_zero, 0)
        pltpu.sync_copy(zero_v, deg_sh.at[pl.ds(base, rows_per_tile)])

        def fill_one(r, carry):
            ones_v[pl.ds(r * LANES, LANES)] = jnp.ones((LANES,), jnp.float32)
            return carry

        lax.fori_loop(0, chw // LANES, fill_one, 0)
        plsc.subcore_barrier()
        for j in range(u_blk // ch):
            o = pl.multiple_of(eoff + j * chw, 128)
            pltpu.sync_copy(edge_hbm.at[:, pl.ds(o, chw)], ebuf_v)
            pltpu.sync_copy(ebuf_v.at[0], src_hbm.at[pl.ds(o, chw)])
            pltpu.sync_copy(ebuf_v.at[1], dst_hbm.at[pl.ds(o, chw)])

            def vcopy(i, carry):
                dbuf_v[pl.ds(i * LANES, LANES)] = ebuf_v[1, pl.ds(i * LANES,
                                                                  LANES)]
                return carry

            lax.fori_loop(0, chw // LANES, vcopy, 0)
            pltpu.sync_copy(ones_v, deg_sh.at[dbuf_v], add=True)

        if extra:
            @pl.when(wid < extra)
            def _():
                o = pl.multiple_of(eoff + u_blk * 128, 128)
                pltpu.sync_copy(edge_hbm.at[:, pl.ds(o, 128)], ebuf2_v)
                pltpu.sync_copy(ebuf2_v.at[0], src_hbm.at[pl.ds(o, 128)])
                pltpu.sync_copy(ebuf2_v.at[1], dst_hbm.at[pl.ds(o, 128)])

                def vcopy2(i, carry):
                    dbuf2_v[pl.ds(i * LANES, LANES)] = ebuf2_v[
                        1, pl.ds(i * LANES, LANES)]
                    return carry

                lax.fori_loop(0, 128 // LANES, vcopy2, 0)
                pltpu.sync_copy(ones_v.at[pl.ds(0, 128)],
                                deg_sh.at[dbuf2_v], add=True)

        plsc.subcore_barrier()
        pltpu.sync_copy(
            deg_sh.at[pl.ds(base, rows_per_tile)],
            out_hbm.at[cid, pl.ds(base, rows_per_tile)],
        )

    return deg_kernel


def _sc_aggregate_kernel(n_mega, chunk, n_pad, rows_per_tile, d):
    mesh = plsc.VectorSubcoreMesh(core_axis_name="c", subcore_axis_name="s")

    @functools.partial(
        pl.kernel,
        out_type=jax.ShapeDtypeStruct((NC, n_pad, d), jnp.float32),
        mesh=mesh,
        scratch_types=[
            pltpu.VMEM((n_mega, chunk), jnp.int32),
            pltpu.VMEM((n_mega, chunk), jnp.int32),
            pltpu.VMEM((chunk, d), jnp.float32),
            pltpu.VMEM((chunk, d), jnp.float32),
            pltpu.VMEM((rows_per_tile, d), jnp.float32),
            pltpu.VMEM_SHARED((n_pad, d), jnp.float32),
            pltpu.SemaphoreType.DMA,
            pltpu.SemaphoreType.DMA,
            pltpu.SemaphoreType.DMA,
            pltpu.SemaphoreType.DMA,
        ],
        compiler_params=pltpu.CompilerParams(use_tc_tiling_on_sc=False),
    )
    def agg_kernel(src_hbm, dst_hbm, g_hbm, out_hbm,
                   sidx_v, didx_v, rows0_v, rows1_v, zero_v, acc_sh,
                   sg0, sg1, ss0, ss1):
        cid = lax.axis_index("c")
        sid = lax.axis_index("s")
        wid = cid * NS + sid
        base = sid * rows_per_tile

        def fill_zero(r, carry):
            zero_v[r, :] = jnp.zeros((LANES,), jnp.float32)
            return carry

        lax.fori_loop(0, rows_per_tile, fill_zero, 0)
        pltpu.sync_copy(zero_v, acc_sh.at[pl.ds(base, rows_per_tile)])
        ept = n_mega * chunk
        for m in range(n_mega):
            pltpu.sync_copy(
                src_hbm.at[pl.ds(wid * ept + m * chunk, chunk)], sidx_v.at[m])
            pltpu.sync_copy(
                dst_hbm.at[pl.ds(wid * ept + m * chunk, chunk)], didx_v.at[m])
        plsc.subcore_barrier()

        rows = (rows0_v, rows1_v)
        sgs = (sg0, sg1)
        sss = (ss0, ss1)

        gat = [None, None]
        sca = [None, None]
        gat[0] = pltpu.async_copy(g_hbm.at[sidx_v.at[0]], rows[0], sgs[0])
        for m in range(n_mega):
            b = m & 1
            if m + 1 < n_mega:
                b2 = (m + 1) & 1
                if sca[b2] is not None:
                    sca[b2].wait()
                gat[b2] = pltpu.async_copy(
                    g_hbm.at[sidx_v.at[m + 1]], rows[b2], sgs[b2])
            gat[b].wait()
            sca[b] = pltpu.async_copy(
                rows[b], acc_sh.at[didx_v.at[m]], sss[b], add=True)
        for b in range(2):
            if sca[b] is not None:
                sca[b].wait()
        plsc.subcore_barrier()
        pltpu.sync_copy(
            acc_sh.at[pl.ds(base, rows_per_tile)],
            out_hbm.at[cid, pl.ds(base, rows_per_tile)],
        )

    return agg_kernel


def _tc_matmul_scale(x, w1, degp):
    n, k = x.shape
    d = w1.shape[1]
    blk = 2560
    grid = -(-n // blk)

    def mm_kernel(x_ref, w_ref, deg_ref, o_ref):
        deg = deg_ref[0, :] + deg_ref[1, :] + 1.0
        dinv = lax.rsqrt(deg)
        h = jnp.dot(x_ref[...], w_ref[...], preferred_element_type=jnp.float32)
        o_ref[...] = h * dinv[:, None]

    return pl.pallas_call(
        mm_kernel,
        grid=(grid,),
        in_specs=[
            pl.BlockSpec((blk, k), lambda i: (i, 0)),
            pl.BlockSpec((k, d), lambda i: (0, 0)),
            pl.BlockSpec((2, blk), lambda i: (0, i)),
        ],
        out_specs=pl.BlockSpec((blk, d), lambda i: (i, 0)),
        out_shape=jax.ShapeDtypeStruct((n, d), jnp.float32),
    )(x, w1, degp)


def _tc_final(accp, g, degp, b1, w2, b2):
    n, d = g.shape
    blk = 2560
    grid = -(-n // blk)

    def fin_kernel(acc_ref, g_ref, deg_ref, b1_ref, w2_ref, b2_ref, o_ref):
        deg = deg_ref[0, :] + deg_ref[1, :] + 1.0
        dinv = lax.rsqrt(deg)
        tot = acc_ref[0] + acc_ref[1] + g_ref[...]
        agg = tot * dinv[:, None] + b1_ref[0, :]
        h1 = jnp.maximum(agg, 0.0)
        o_ref[...] = (
            jnp.dot(h1, w2_ref[...], preferred_element_type=jnp.float32)
            + b2_ref[0, :]
        )

    return pl.pallas_call(
        fin_kernel,
        grid=(grid,),
        in_specs=[
            pl.BlockSpec((2, blk, d), lambda i: (0, i, 0)),
            pl.BlockSpec((blk, d), lambda i: (i, 0)),
            pl.BlockSpec((2, blk), lambda i: (0, i)),
            pl.BlockSpec((1, d), lambda i: (0, 0)),
            pl.BlockSpec((d, d), lambda i: (0, 0)),
            pl.BlockSpec((1, d), lambda i: (0, 0)),
        ],
        out_specs=pl.BlockSpec((blk, d), lambda i: (i, 0)),
        out_shape=jax.ShapeDtypeStruct((n, d), jnp.float32),
    )(accp, g, degp, b1, w2, b2)


def kernel(x, edge_index, W1, b1, W2, b2):
    n, k_in = x.shape
    d = W1.shape[1]
    e = edge_index.shape[1]

    n_pad = _pad_up(n + 1, 128 * NS)
    rows_per_tile = n_pad // NS

    edges = edge_index.astype(jnp.int32)
    e_pad = _pad_up(e, 256)
    if e_pad != e:
        pad = e_pad - e
        trash = n + jnp.arange(pad, dtype=jnp.int32) % (n_pad - n)
        edges = jnp.concatenate(
            [edges, jnp.stack([jnp.zeros((pad,), jnp.int32), trash])], axis=1)

    nblk = e_pad // 128
    u_blk = nblk // NW
    extra = nblk % NW
    ch = max(c for c in range(1, min(u_blk, 16) + 1) if u_blk % c == 0)

    ept = e_pad // NW
    n_mega = next(m for m in range(-(-ept // 2048), ept + 1)
                  if ept % m == 0 and (ept // m) % 8 == 0)
    chunk = ept // n_mega

    degp, src, dst = _sc_degree_kernel(
        e_pad, u_blk, extra, ch, n_pad, rows_per_tile)(edges)

    g = _tc_matmul_scale(x, W1, degp)

    accp = _sc_aggregate_kernel(n_mega, chunk, n_pad, rows_per_tile, d)(
        src, dst, g)

    return _tc_final(accp, g, degp, b1.reshape(1, d), W2, b2.reshape(1, d))

# --- scband reference (transcript-rebuilt; emitter-appended) ---
"""Pipeline reference for scband-gnnfeature-extractor-25821343383965 (READ-ONLY COPY).

The authoritative reference and input builder live on the scoring server;
editing this copy changes nothing except your own understanding.
"""

import jax, jax.numpy as jnp
import numpy as np

N_NODES = 10000
N_EDGES = 320000
IN_DIM = 128
EMB_DIM = 16

def setup_inputs(seed: int = 0) -> dict:
    key = jax.random.key(seed)
    k1, k2, k3, k4, k5, k6 = jax.random.split(key, 6)
    x = jax.random.normal(k1, (N_NODES, IN_DIM), dtype=jnp.float32)
    edge_index = jax.random.randint(k2, (2, N_EDGES), 0, N_NODES, dtype=jnp.int64)
    # GCNConv weight [in, out] + bias; Linear out weight [emb, emb] + bias
    W1 = jax.random.normal(k3, (IN_DIM, EMB_DIM), dtype=jnp.float32) * (1.0 / np.sqrt(IN_DIM))
    b1 = jnp.zeros((EMB_DIM,), dtype=jnp.float32)
    W2 = jax.random.normal(k4, (EMB_DIM, EMB_DIM), dtype=jnp.float32) * (1.0 / np.sqrt(EMB_DIM))
    b2 = jax.random.uniform(k5, (EMB_DIM,), dtype=jnp.float32, minval=-1.0/np.sqrt(EMB_DIM), maxval=1.0/np.sqrt(EMB_DIM))
    return {"x": x, "edge_index": edge_index, "W1": W1, "b1": b1, "W2": W2, "b2": b2}

def reference(x, edge_index, W1, b1, W2, b2):
    N = x.shape[0]
    src = edge_index[0]
    dst = edge_index[1]
    # GCNConv default: add self-loops, symmetric normalization
    loop = jnp.arange(N, dtype=edge_index.dtype)
    row = jnp.concatenate([src, loop])
    col = jnp.concatenate([dst, loop])
    deg = jnp.zeros((N,), dtype=jnp.float32).at[col].add(1.0)
    deg_inv_sqrt = jnp.where(deg > 0, jax.lax.rsqrt(deg), 0.0)
    norm = deg_inv_sqrt[row] * deg_inv_sqrt[col]
    h = x @ W1
    msg = h[row] * norm[:, None]
    agg = jnp.zeros((N, h.shape[1]), dtype=h.dtype).at[col].add(msg)
    agg = agg + b1
    h1 = jax.nn.relu(agg)
    out = h1 @ W2 + b2
    return out

if __name__ == "__main__":
    import jax
    _d = setup_inputs()
    print(jax.jit(kernel)(*tuple(_d.values())))

</pallas_src>

<mosaic_0001>
#map = affine_map<(d0, d1) -> (0, 0)>
#map1 = affine_map<(d0, d1) -> (0)>
module attributes {stable_mosaic.version = 14 : i64} {
  func.func @deg_kernel(%arg0: i32, %arg1: i32, %arg2: memref<2x320000xi32, #tpu.memory_space<hbm>>, %arg3: memref<2x10240xf32, #tpu.memory_space<hbm>>, %arg4: memref<320000xi32, #tpu.memory_space<hbm>>, %arg5: memref<320000xi32, #tpu.memory_space<hbm>>, %arg6: memref<2x1664xi32, #tpu.memory_space<vmem>>, %arg7: memref<2x128xi32, #tpu.memory_space<vmem>>, %arg8: memref<1664xi32, #tpu.memory_space<vmem>>, %arg9: memref<128xi32, #tpu.memory_space<vmem>>, %arg10: memref<1664xf32, #tpu.memory_space<vmem>>, %arg11: memref<640xf32, #tpu.memory_space<vmem>>, %arg12: memref<10240xf32, #tpu.memory_space<vmem_shared>>) attributes {dimension_semantics = [#tpu.dimension_semantics<core_parallel>, #tpu.dimension_semantics<subcore_parallel>], iteration_bounds = array<i64: 2, 16>, scalar_prefetch = 0 : i64, scratch_operands = 7 : i64, tpu.core_type = #tpu.core_type<sc_vector_subcore>, window_params = [{transform_indices = #map}, {transform_indices = #map}, {transform_indices = #map1}, {transform_indices = #map1}]} {
    %mul3A = arith.constant 16 : i32
    %mul3A_0 = arith.muli %arg0, %mul3A : i32
    %add3A = arith.addi %mul3A_0, %arg1 : i32
    %mul3A_1 = arith.constant 640 : i32
    %mul3A_2 = arith.muli %arg1, %mul3A_1 : i32
    %mul3A_3 = arith.constant 78 : i32
    %mul3A_4 = arith.muli %add3A, %mul3A_3 : i32
    %min3A = arith.constant 4 : i32
    %min3A_5 = arith.minsi %add3A, %min3A : i32
    %add3A_6 = arith.addi %mul3A_4, %min3A_5 : i32
    %mul3A_7 = arith.constant 128 : i32
    %mul3A_8 = arith.muli %add3A_6, %mul3A_7 : i32
    %multiple_of3A = tpu.assume_multiple %mul3A_8, 128 : i32
    %scan3A = arith.constant 0 : i32
    %scan3A_9 = arith.constant 0 : i32
    %scan3A_10 = arith.constant 40 : i32
    %scan3A_11 = arith.addi %scan3A_9, %scan3A_10 : i32
    %scan3A_12 = arith.constant 1 : i32
    scf.for %scan3A_88 = %scan3A_9 to %scan3A_11 step %scan3A_12  : i32 {
      %broadcast_in_dim3A = arith.constant 0.000000e+00 : f32
      %broadcast_in_dim3A_89 = vector.broadcast %broadcast_in_dim3A : f32 to vector<16xf32>
      %mul3A_90 = arith.constant 16 : i32
      %mul3A_91 = arith.muli %scan3A_88, %mul3A_90 : i32
      %swap3A = arith.index_cast %mul3A_91 : i32 to index
      %swap3A_92 = tpu.vector_load %arg11[%swap3A] {strides = array<i32>} : memref<640xf32, #tpu.memory_space<vmem>>, vector<16xf32>,
      %swap3A_93 = vector.shape_cast %swap3A_92 : vector<16xf32> to vector<16xf32>
      %swap3A_94 = vector.shape_cast %broadcast_in_dim3A_89 : vector<16xf32> to vector<16xf32>
      tpu.vector_store %arg11[%swap3A], %swap3A_94 {strides = array<i32>} : memref<640xf32, #tpu.memory_space<vmem>>, vector<16xf32>,
    }
    %scan3A_13 = arith.constant 40 : i32
    "tpu.region"() ({
      %run_scoped3A_88 = tpu.sem_alloc : memref<!tpu.dma_semaphore, #tpu.memory_space<semaphore_mem>>
      %dma_start3A = tpu.memref_slice %arg12[%mul3A_2] : memref<10240xf32, #tpu.memory_space<vmem_shared>> -> memref<640xf32, #tpu.memory_space<vmem_shared>>
      %dma_start3A_89 = tpu.memref_slice %arg12[%mul3A_2] : memref<10240xf32, #tpu.memory_space<vmem_shared>> -> memref<640xf32, #tpu.memory_space<vmem_shared>>
      tpu.enqueue_dma source(%arg11 : memref<640xf32, #tpu.memory_space<vmem>>) target(%dma_start3A_89 : memref<640xf32, #tpu.memory_space<vmem_shared>>) target_semaphore(%run_scoped3A_88 : memref<!tpu.dma_semaphore, #tpu.memory_space<semaphore_mem>>)
      %dma_wait3A = tpu.memref_slice %arg12[%mul3A_2] : memref<10240xf32, #tpu.memory_space<vmem_shared>> -> memref<640xf32, #tpu.memory_space<vmem_shared>>
      %dma_wait3A_90 = tpu.memref_slice %arg12[%mul3A_2] : memref<10240xf32, #tpu.memory_space<vmem_shared>> -> memref<640xf32, #tpu.memory_space<vmem_shared>>
      tpu.wait_dma2 semaphore(%run_scoped3A_88 : memref<!tpu.dma_semaphore, #tpu.memory_space<semaphore_mem>>) src(%arg11 : memref<640xf32, #tpu.memory_space<vmem>>) dst(%dma_wait3A_90 : memref<640xf32, #tpu.memory_space<vmem_shared>>)
      tpu.yield
    }) : () -> ()
    %scan3A_14 = arith.constant 0 : i32
    %scan3A_15 = arith.constant 0 : i32
    %scan3A_16 = arith.constant 104 : i32
    %scan3A_17 = arith.addi %scan3A_15, %scan3A_16 : i32
    %scan3A_18 = arith.constant 1 : i32
    scf.for %scan3A_88 = %scan3A_15 to %scan3A_17 step %scan3A_18  : i32 {
      %broadcast_in_dim3A = arith.constant 1.000000e+00 : f32
      %broadcast_in_dim3A_89 = vector.broadcast %broadcast_in_dim3A : f32 to vector<16xf32>
      %mul3A_90 = arith.constant 16 : i32
      %mul3A_91 = arith.muli %scan3A_88, %mul3A_90 : i32
      %swap3A = arith.index_cast %mul3A_91 : i32 to index
      %swap3A_92 = tpu.vector_load %arg10[%swap3A] {strides = array<i32>} : memref<1664xf32, #tpu.memory_space<vmem>>, vector<16xf32>,
      %swap3A_93 = vector.shape_cast %swap3A_92 : vector<16xf32> to vector<16xf32>
      %swap3A_94 = vector.shape_cast %broadcast_in_dim3A_89 : vector<16xf32> to vector<16xf32>
      tpu.vector_store %arg10[%swap3A], %swap3A_94 {strides = array<i32>} : memref<1664xf32, #tpu.memory_space<vmem>>, vector<16xf32>,
    }
    %scan3A_19 = arith.constant 104 : i32
    %barrier3A = arith.constant 0 : index
    tpu.barrier barrier_id(%barrier3A)
    %add3A_20 = arith.constant 0 : i32
    %add3A_21 = arith.addi %multiple_of3A, %add3A_20 : i32
    %multiple_of3A_22 = tpu.assume_multiple %add3A_21, 128 : i32
    "tpu.region"() ({
      %run_scoped3A_88 = tpu.sem_alloc : memref<!tpu.dma_semaphore, #tpu.memory_space<semaphore_mem>>
      %dma_start3A = arith.constant 0 : i32
      %dma_start3A_89 = tpu.memref_slice %arg2[%dma_start3A, %multiple_of3A_22] : memref<2x320000xi32, #tpu.memory_space<hbm>> -> memref<2x1664xi32, #tpu.memory_space<hbm>>
      %dma_start3A_90 = arith.constant 0 : i32
      %dma_start3A_91 = tpu.memref_slice %arg2[%dma_start3A_90, %multiple_of3A_22] : memref<2x320000xi32, #tpu.memory_space<hbm>> -> memref<2x1664xi32, #tpu.memory_space<hbm>>
      tpu.enqueue_dma source(%dma_start3A_91 : memref<2x1664xi32, #tpu.memory_space<hbm>>) target(%arg6 : memref<2x1664xi32, #tpu.memory_space<vmem>>) target_semaphore(%run_scoped3A_88 : memref<!tpu.dma_semaphore, #tpu.memory_space<semaphore_mem>>)
      %dma_wait3A = arith.constant 0 : i32
      %dma_wait3A_92 = tpu.memref_slice %arg2[%dma_wait3A, %multiple_of3A_22] : memref<2x320000xi32, #tpu.memory_space<hbm>> -> memref<2x1664xi32, #tpu.memory_space<hbm>>
      %dma_wait3A_93 = arith.constant 0 : i32
      %dma_wait3A_94 = tpu.memref_slice %arg2[%dma_wait3A_93, %multiple_of3A_22] : memref<2x320000xi32, #tpu.memory_space<hbm>> -> memref<2x1664xi32, #tpu.memory_space<hbm>>
      tpu.wait_dma2 semaphore(%run_scoped3A_88 : memref<!tpu.dma_semaphore, #tpu.memory_space<semaphore_mem>>) src(%dma_wait3A_94 : memref<2x1664xi32, #tpu.memory_space<hbm>>) dst(%arg6 : memref<2x1664xi32, #tpu.memory_space<vmem>>)
      tpu.yield
    }) : () -> ()
    %run_scoped3A = arith.constant 0 : i32
    "tpu.region"() ({
      %run_scoped3A_88 = tpu.sem_alloc : memref<!tpu.dma_semaphore, #tpu.memory_space<semaphore_mem>>
      %dma_start3A = arith.constant 0 : i32
      %dma_start3A_89 = tpu.memref_slice %arg6[%run_scoped3A, %dma_start3A] : memref<2x1664xi32, #tpu.memory_space<vmem>> -> memref<1x1664xi32, #tpu.memory_space<vmem>>
      %dma_start3A_90 = tpu.memref_squeeze %dma_start3A_89 : memref<1x1664xi32, #tpu.memory_space<vmem>> -> memref<1664xi32, #tpu.memory_space<vmem>>
      %dma_start3A_91 = tpu.memref_slice %arg4[%multiple_of3A_22] : memref<320000xi32, #tpu.memory_space<hbm>> -> memref<1664xi32, #tpu.memory_space<hbm>>
      %dma_start3A_92 = tpu.memref_slice %arg4[%multiple_of3A_22] : memref<320000xi32, #tpu.memory_space<hbm>> -> memref<1664xi32, #tpu.memory_space<hbm>>
      %dma_start3A_93 = arith.constant 0 : i32
      %dma_start3A_94 = tpu.memref_slice %arg6[%run_scoped3A, %dma_start3A_93] : memref<2x1664xi32, #tpu.memory_space<vmem>> -> memref<1x1664xi32, #tpu.memory_space<vmem>>
      %dma_start3A_95 = tpu.memref_squeeze %dma_start3A_94 : memref<1x1664xi32, #tpu.memory_space<vmem>> -> memref<1664xi32, #tpu.memory_space<vmem>>
      tpu.enqueue_dma source(%dma_start3A_95 : memref<1664xi32, #tpu.memory_space<vmem>>) target(%dma_start3A_92 : memref<1664xi32, #tpu.memory_space<hbm>>) target_semaphore(%run_scoped3A_88 : memref<!tpu.dma_semaphore, #tpu.memory_space<semaphore_mem>>)
      %dma_wait3A = arith.constant 0 : i32
      %dma_wait3A_96 = tpu.memref_slice %arg6[%run_scoped3A, %dma_wait3A] : memref<2x1664xi32, #tpu.memory_space<vmem>> -> memref<1x1664xi32, #tpu.memory_space<vmem>>
      %dma_wait3A_97 = tpu.memref_squeeze %dma_wait3A_96 : memref<1x1664xi32, #tpu.memory_space<vmem>> -> memref<1664xi32, #tpu.memory_space<vmem>>
      %dma_wait3A_98 = tpu.memref_slice %arg4[%multiple_of3A_22] : memref<320000xi32, #tpu.memory_space<hbm>> -> memref<1664xi32, #tpu.memory_space<hbm>>
      %dma_wait3A_99 = tpu.memref_slice %arg4[%multiple_of3A_22] : memref<320000xi32, #tpu.memory_space<hbm>> -> memref<1664xi32, #tpu.memory_space<hbm>>
      %dma_wait3A_100 = arith.constant 0 : i32
      %dma_wait3A_101 = tpu.memref_slice %arg6[%run_scoped3A, %dma_wait3A_100] : memref<2x1664xi32, #tpu.memory_space<vmem>> -> memref<1x1664xi32, #tpu.memory_space<vmem>>
      %dma_wait3A_102 = tpu.memref_squeeze %dma_wait3A_101 : memref<1x1664xi32, #tpu.memory_space<vmem>> -> memref<1664xi32, #tpu.memory_space<vmem>>
      tpu.wait_dma2 semaphore(%run_scoped3A_88 : memref<!tpu.dma_semaphore, #tpu.memory_space<semaphore_mem>>) src(%dma_wait3A_102 : memref<1664xi32, #tpu.memory_space<vmem>>) dst(%dma_wait3A_99 : memref<1664xi32, #tpu.memory_space<hbm>>)
      tpu.yield
    }) : () -> ()
    %run_scoped3A_23 = arith.constant 1 : i32
    "tpu.region"() ({
      %run_scoped3A_88 = tpu.sem_alloc : memref<!tpu.dma_semaphore, #tpu.memory_space<semaphore_mem>>
      %dma_start3A = arith.constant 0 : i32
      %dma_start3A_89 = tpu.memref_slice %arg6[%run_scoped3A_23, %dma_start3A] : memref<2x1664xi32, #tpu.memory_space<vmem>> -> memref<1x1664xi32, #tpu.memory_space<vmem>>
      %dma_start3A_90 = tpu.memref_squeeze %dma_start3A_89 : memref<1x1664xi32, #tpu.memory_space<vmem>> -> memref<1664xi32, #tpu.memory_space<vmem>>
      %dma_start3A_91 = tpu.memref_slice %arg5[%multiple_of3A_22] : memref<320000xi32, #tpu.memory_space<hbm>> -> memref<1664xi32, #tpu.memory_space<hbm>>
      %dma_start3A_92 = tpu.memref_slice %arg5[%multiple_of3A_22] : memref<320000xi32, #tpu.memory_space<hbm>> -> memref<1664xi32, #tpu.memory_space<hbm>>
      %dma_start3A_93 = arith.constant 0 : i32
      %dma_start3A_94 = tpu.memref_slice %arg6[%run_scoped3A_23, %dma_start3A_93] : memref<2x1664xi32, #tpu.memory_space<vmem>> -> memref<1x1664xi32, #tpu.memory_space<vmem>>
      %dma_start3A_95 = tpu.memref_squeeze %dma_start3A_94 : memref<1x1664xi32, #tpu.memory_space<vmem>> -> memref<1664xi32, #tpu.memory_space<vmem>>
      tpu.enqueue_dma source(%dma_start3A_95 : memref<1664xi32, #tpu.memory_space<vmem>>) target(%dma_start3A_92 : memref<1664xi32, #tpu.memory_space<hbm>>) target_semaphore(%run_scoped3A_88 : memref<!tpu.dma_semaphore, #tpu.memory_space<semaphore_mem>>)
      %dma_wait3A = arith.constant 0 : i32
      %dma_wait3A_96 = tpu.memref_slice %arg6[%run_scoped3A_23, %dma_wait3A] : memref<2x1664xi32, #tpu.memory_space<vmem>> -> memref<1x1664xi32, #tpu.memory_space<vmem>>
      %dma_wait3A_97 = tpu.memref_squeeze %dma_wait3A_96 : memref<1x1664xi32, #tpu.memory_space<vmem>> -> memref<1664xi32, #tpu.memory_space<vmem>>
      %dma_wait3A_98 = tpu.memref_slice %arg5[%multiple_of3A_22] : memref<320000xi32, #tpu.memory_space<hbm>> -> memref<1664xi32, #tpu.memory_space<hbm>>
      %dma_wait3A_99 = tpu.memref_slice %arg5[%multiple_of3A_22] : memref<320000xi32, #tpu.memory_space<hbm>> -> memref<1664xi32, #tpu.memory_space<hbm>>
      %dma_wait3A_100 = arith.constant 0 : i32
      %dma_wait3A_101 = tpu.memref_slice %arg6[%run_scoped3A_23, %dma_wait3A_100] : memref<2x1664xi32, #tpu.memory_space<vmem>> -> memref<1x1664xi32, #tpu.memory_space<vmem>>
      %dma_wait3A_102 = tpu.memref_squeeze %dma_wait3A_101 : memref<1x1664xi32, #tpu.memory_space<vmem>> -> memref<1664xi32, #tpu.memory_space<vmem>>
      tpu.wait_dma2 semaphore(%run_scoped3A_88 : memref<!tpu.dma_semaphore, #tpu.memory_space<semaphore_mem>>) src(%dma_wait3A_102 : memref<1664xi32, #tpu.memory_space<vmem>>) dst(%dma_wait3A_99 : memref<1664xi32, #tpu.memory_space<hbm>>)
      tpu.yield
    }) : () -> ()
    %scan3A_24 = arith.constant 0 : i32
    %scan3A_25 = arith.constant 0 : i32
    %scan3A_26 = arith.constant 104 : i32
    %scan3A_27 = arith.addi %scan3A_25, %scan3A_26 : i32
    %scan3A_28 = arith.constant 1 : i32
    scf.for %scan3A_88 = %scan3A_25 to %scan3A_27 step %scan3A_28  : i32 {
      %mul3A_89 = arith.constant 16 : i32
      %mul3A_90 = arith.muli %scan3A_88, %mul3A_89 : i32
      %get3A = arith.constant 1 : i32
      %get3A_91 = arith.index_cast %get3A : i32 to index
      %get3A_92 = arith.index_cast %mul3A_90 : i32 to index
      %get3A_93 = tpu.vector_load %arg6[%get3A_91, %get3A_92] {strides = array<i32>} : memref<2x1664xi32, #tpu.memory_space<vmem>>, vector<1x16xi32>,
      %get3A_94 = vector.shape_cast %get3A_93 : vector<1x16xi32> to vector<16xi32>
      %mul3A_95 = arith.constant 16 : i32
      %mul3A_96 = arith.muli %scan3A_88, %mul3A_95 : i32
      %swap3A = arith.index_cast %mul3A_96 : i32 to index
      %swap3A_97 = tpu.vector_load %arg8[%swap3A] {strides = array<i32>} : memref<1664xi32, #tpu.memory_space<vmem>>, vector<16xi32>,
      %swap3A_98 = vector.shape_cast %swap3A_97 : vector<16xi32> to vector<16xi32>
      %swap3A_99 = vector.shape_cast %get3A_94 : vector<16xi32> to vector<16xi32>
      tpu.vector_store %arg8[%swap3A], %swap3A_99 {strides = array<i32>} : memref<1664xi32, #tpu.memory_space<vmem>>, vector<16xi32>,
    }
    %scan3A_29 = arith.constant 104 : i32
    "tpu.region"() ({
      %run_scoped3A_88 = tpu.sem_alloc : memref<!tpu.dma_semaphore, #tpu.memory_space<semaphore_mem>>
      %dma_start3A = arith.constant 0 : i32
      %dma_start3A_89 = tpu.memref_slice %arg12[%dma_start3A] : memref<10240xf32, #tpu.memory_space<vmem_shared>> -> memref<10240xf32, #tpu.memory_space<vmem_shared>>
      tpu.enqueue_indirect_dma source(%arg10 : memref<1664xf32, #tpu.memory_space<vmem>>) target(%dma_start3A_89 : memref<10240xf32, #tpu.memory_space<vmem_shared>>) offsets(%arg8 : memref<1664xi32, #tpu.memory_space<vmem>>) semaphore(%run_scoped3A_88 : memref<!tpu.dma_semaphore, #tpu.memory_space<semaphore_mem>>) {add = true}
      %dma_wait3A = arith.constant 0 : i32
      %dma_wait3A_90 = tpu.memref_slice %arg12[%dma_wait3A] : memref<10240xf32, #tpu.memory_space<vmem_shared>> -> memref<10240xf32, #tpu.memory_space<vmem_shared>>
      tpu.wait_indirect_dma semaphore(%run_scoped3A_88 : memref<!tpu.dma_semaphore, #tpu.memory_space<semaphore_mem>>) src(%arg10 : memref<1664xf32, #tpu.memory_space<vmem>>) dst(%dma_wait3A_90 : memref<10240xf32, #tpu.memory_space<vmem_shared>>)
      tpu.yield
    }) : () -> ()
    %add3A_30 = arith.constant 1664 : i32
    %add3A_31 = arith.addi %multiple_of3A, %add3A_30 : i32
    %multiple_of3A_32 = tpu.assume_multiple %add3A_31, 128 : i32
    "tpu.region"() ({
      %run_scoped3A_88 = tpu.sem_alloc : memref<!tpu.dma_semaphore, #tpu.memory_space<semaphore_mem>>
      %dma_start3A = arith.constant 0 : i32
      %dma_start3A_89 = tpu.memref_slice %arg2[%dma_start3A, %multiple_of3A_32] : memref<2x320000xi32, #tpu.memory_space<hbm>> -> memref<2x1664xi32, #tpu.memory_space<hbm>>
      %dma_start3A_90 = arith.constant 0 : i32
      %dma_start3A_91 = tpu.memref_slice %arg2[%dma_start3A_90, %multiple_of3A_32] : memref<2x320000xi32, #tpu.memory_space<hbm>> -> memref<2x1664xi32, #tpu.memory_space<hbm>>
      tpu.enqueue_dma source(%dma_start3A_91 : memref<2x1664xi32, #tpu.memory_space<hbm>>) target(%arg6 : memref<2x1664xi32, #tpu.memory_space<vmem>>) target_semaphore(%run_scoped3A_88 : memref<!tpu.dma_semaphore, #tpu.memory_space<semaphore_mem>>)
      %dma_wait3A = arith.constant 0 : i32
      %dma_wait3A_92 = tpu.memref_slice %arg2[%dma_wait3A, %multiple_of3A_32] : memref<2x320000xi32, #tpu.memory_space<hbm>> -> memref<2x1664xi32, #tpu.memory_space<hbm>>
      %dma_wait3A_93 = arith.constant 0 : i32
      %dma_wait3A_94 = tpu.memref_slice %arg2[%dma_wait3A_93, %multiple_of3A_32] : memref<2x320000xi32, #tpu.memory_space<hbm>> -> memref<2x1664xi32, #tpu.memory_space<hbm>>
      tpu.wait_dma2 semaphore(%run_scoped3A_88 : memref<!tpu.dma_semaphore, #tpu.memory_space<semaphore_mem>>) src(%dma_wait3A_94 : memref<2x1664xi32, #tpu.memory_space<hbm>>) dst(%arg6 : memref<2x1664xi32, #tpu.memory_space<vmem>>)
      tpu.yield
    }) : () -> ()
    %run_scoped3A_33 = arith.constant 0 : i32
    "tpu.region"() ({
      %run_scoped3A_88 = tpu.sem_alloc : memref<!tpu.dma_semaphore, #tpu.memory_space<semaphore_mem>>
      %dma_start3A = arith.constant 0 : i32
      %dma_start3A_89 = tpu.memref_slice %arg6[%run_scoped3A_33, %dma_start3A] : memref<2x1664xi32, #tpu.memory_space<vmem>> -> memref<1x1664xi32, #tpu.memory_space<vmem>>
      %dma_start3A_90 = tpu.memref_squeeze %dma_start3A_89 : memref<1x1664xi32, #tpu.memory_space<vmem>> -> memref<1664xi32, #tpu.memory_space<vmem>>
      %dma_start3A_91 = tpu.memref_slice %arg4[%multiple_of3A_32] : memref<320000xi32, #tpu.memory_space<hbm>> -> memref<1664xi32, #tpu.memory_space<hbm>>
      %dma_start3A_92 = tpu.memref_slice %arg4[%multiple_of3A_32] : memref<320000xi32, #tpu.memory_space<hbm>> -> memref<1664xi32, #tpu.memory_space<hbm>>
      %dma_start3A_93 = arith.constant 0 : i32
      %dma_start3A_94 = tpu.memref_slice %arg6[%run_scoped3A_33, %dma_start3A_93] : memref<2x1664xi32, #tpu.memory_space<vmem>> -> memref<1x1664xi32, #tpu.memory_space<vmem>>
      %dma_start3A_95 = tpu.memref_squeeze %dma_start3A_94 : memref<1x1664xi32, #tpu.memory_space<vmem>> -> memref<1664xi32, #tpu.memory_space<vmem>>
      tpu.enqueue_dma source(%dma_start3A_95 : memref<1664xi32, #tpu.memory_space<vmem>>) target(%dma_start3A_92 : memref<1664xi32, #tpu.memory_space<hbm>>) target_semaphore(%run_scoped3A_88 : memref<!tpu.dma_semaphore, #tpu.memory_space<semaphore_mem>>)
      %dma_wait3A = arith.constant 0 : i32
      %dma_wait3A_96 = tpu.memref_slice %arg6[%run_scoped3A_33, %dma_wait3A] : memref<2x1664xi32, #tpu.memory_space<vmem>> -> memref<1x1664xi32, #tpu.memory_space<vmem>>
      %dma_wait3A_97 = tpu.memref_squeeze %dma_wait3A_96 : memref<1x1664xi32, #tpu.memory_space<vmem>> -> memref<1664xi32, #tpu.memory_space<vmem>>
      %dma_wait3A_98 = tpu.memref_slice %arg4[%multiple_of3A_32] : memref<320000xi32, #tpu.memory_space<hbm>> -> memref<1664xi32, #tpu.memory_space<hbm>>
      %dma_wait3A_99 = tpu.memref_slice %arg4[%multiple_of3A_32] : memref<320000xi32, #tpu.memory_space<hbm>> -> memref<1664xi32, #tpu.memory_space<hbm>>
      %dma_wait3A_100 = arith.constant 0 : i32
      %dma_wait3A_101 = tpu.memref_slice %arg6[%run_scoped3A_33, %dma_wait3A_100] : memref<2x1664xi32, #tpu.memory_space<vmem>> -> memref<1x1664xi32, #tpu.memory_space<vmem>>
      %dma_wait3A_102 = tpu.memref_squeeze %dma_wait3A_101 : memref<1x1664xi32, #tpu.memory_space<vmem>> -> memref<1664xi32, #tpu.memory_space<vmem>>
      tpu.wait_dma2 semaphore(%run_scoped3A_88 : memref<!tpu.dma_semaphore, #tpu.memory_space<semaphore_mem>>) src(%dma_wait3A_102 : memref<1664xi32, #tpu.memory_space<vmem>>) dst(%dma_wait3A_99 : memref<1664xi32, #tpu.memory_space<hbm>>)
      tpu.yield
    }) : () -> ()
    %run_scoped3A_34 = arith.constant 1 : i32
    "tpu.region"() ({
      %run_scoped3A_88 = tpu.sem_alloc : memref<!tpu.dma_semaphore, #tpu.memory_space<semaphore_mem>>
      %dma_start3A = arith.constant 0 : i32
      %dma_start3A_89 = tpu.memref_slice %arg6[%run_scoped3A_34, %dma_start3A] : memref<2x1664xi32, #tpu.memory_space<vmem>> -> memref<1x1664xi32, #tpu.memory_space<vmem>>
      %dma_start3A_90 = tpu.memref_squeeze %dma_start3A_89 : memref<1x1664xi32, #tpu.memory_space<vmem>> -> memref<1664xi32, #tpu.memory_space<vmem>>
      %dma_start3A_91 = tpu.memref_slice %arg5[%multiple_of3A_32] : memref<320000xi32, #tpu.memory_space<hbm>> -> memref<1664xi32, #tpu.memory_space<hbm>>
      %dma_start3A_92 = tpu.memref_slice %arg5[%multiple_of3A_32] : memref<320000xi32, #tpu.memory_space<hbm>> -> memref<1664xi32, #tpu.memory_space<hbm>>
      %dma_start3A_93 = arith.constant 0 : i32
      %dma_start3A_94 = tpu.memref_slice %arg6[%run_scoped3A_34, %dma_start3A_93] : memref<2x1664xi32, #tpu.memory_space<vmem>> -> memref<1x1664xi32, #tpu.memory_space<vmem>>
      %dma_start3A_95 = tpu.memref_squeeze %dma_start3A_94 : memref<1x1664xi32, #tpu.memory_space<vmem>> -> memref<1664xi32, #tpu.memory_space<vmem>>
      tpu.enqueue_dma source(%dma_start3A_95 : memref<1664xi32, #tpu.memory_space<vmem>>) target(%dma_start3A_92 : memref<1664xi32, #tpu.memory_space<hbm>>) target_semaphore(%run_scoped3A_88 : memref<!tpu.dma_semaphore, #tpu.memory_space<semaphore_mem>>)
      %dma_wait3A = arith.constant 0 : i32
      %dma_wait3A_96 = tpu.memref_slice %arg6[%run_scoped3A_34, %dma_wait3A] : memref<2x1664xi32, #tpu.memory_space<vmem>> -> memref<1x1664xi32, #tpu.memory_space<vmem>>
      %dma_wait3A_97 = tpu.memref_squeeze %dma_wait3A_96 : memref<1x1664xi32, #tpu.memory_space<vmem>> -> memref<1664xi32, #tpu.memory_space<vmem>>
      %dma_wait3A_98 = tpu.memref_slice %arg5[%multiple_of3A_32] : memref<320000xi32, #tpu.memory_space<hbm>> -> memref<1664xi32, #tpu.memory_space<hbm>>
      %dma_wait3A_99 = tpu.memref_slice %arg5[%multiple_of3A_32] : memref<320000xi32, #tpu.memory_space<hbm>> -> memref<1664xi32, #tpu.memory_space<hbm>>
      %dma_wait3A_100 = arith.constant 0 : i32
      %dma_wait3A_101 = tpu.memref_slice %arg6[%run_scoped3A_34, %dma_wait3A_100] : memref<2x1664xi32, #tpu.memory_space<vmem>> -> memref<1x1664xi32, #tpu.memory_space<vmem>>
      %dma_wait3A_102 = tpu.memref_squeeze %dma_wait3A_101 : memref<1x1664xi32, #tpu.memory_space<vmem>> -> memref<1664xi32, #tpu.memory_space<vmem>>
      tpu.wait_dma2 semaphore(%run_scoped3A_88 : memref<!tpu.dma_semaphore, #tpu.memory_space<semaphore_mem>>) src(%dma_wait3A_102 : memref<1664xi32, #tpu.memory_space<vmem>>) dst(%dma_wait3A_99 : memref<1664xi32, #tpu.memory_space<hbm>>)
      tpu.yield
    }) : () -> ()
    %scan3A_35 = arith.constant 0 : i32
    %scan3A_36 = arith.constant 0 : i32
    %scan3A_37 = arith.constant 104 : i32
    %scan3A_38 = arith.addi %scan3A_36, %scan3A_37 : i32
    %scan3A_39 = arith.constant 1 : i32
    scf.for %scan3A_88 = %scan3A_36 to %scan3A_38 step %scan3A_39  : i32 {
      %mul3A_89 = arith.constant 16 : i32
      %mul3A_90 = arith.muli %scan3A_88, %mul3A_89 : i32
      %get3A = arith.constant 1 : i32
      %get3A_91 = arith.index_cast %get3A : i32 to index
      %get3A_92 = arith.index_cast %mul3A_90 : i32 to index
      %get3A_93 = tpu.vector_load %arg6[%get3A_91, %get3A_92] {strides = array<i32>} : memref<2x1664xi32, #tpu.memory_space<vmem>>, vector<1x16xi32>,
      %get3A_94 = vector.shape_cast %get3A_93 : vector<1x16xi32> to vector<16xi32>
      %mul3A_95 = arith.constant 16 : i32
      %mul3A_96 = arith.muli %scan3A_88, %mul3A_95 : i32
      %swap3A = arith.index_cast %mul3A_96 : i32 to index
      %swap3A_97 = tpu.vector_load %arg8[%swap3A] {strides = array<i32>} : memref<1664xi32, #tpu.memory_space<vmem>>, vector<16xi32>,
      %swap3A_98 = vector.shape_cast %swap3A_97 : vector<16xi32> to vector<16xi32>
      %swap3A_99 = vector.shape_cast %get3A_94 : vector<16xi32> to vector<16xi32>
      tpu.vector_store %arg8[%swap3A], %swap3A_99 {strides = array<i32>} : memref<1664xi32, #tpu.memory_space<vmem>>, vector<16xi32>,
    }
    %scan3A_40 = arith.constant 104 : i32
    "tpu.region"() ({
      %run_scoped3A_88 = tpu.sem_alloc : memref<!tpu.dma_semaphore, #tpu.memory_space<semaphore_mem>>
      %dma_start3A = arith.constant 0 : i32
      %dma_start3A_89 = tpu.memref_slice %arg12[%dma_start3A] : memref<10240xf32, #tpu.memory_space<vmem_shared>> -> memref<10240xf32, #tpu.memory_space<vmem_shared>>
      tpu.enqueue_indirect_dma source(%arg10 : memref<1664xf32, #tpu.memory_space<vmem>>) target(%dma_start3A_89 : memref<10240xf32, #tpu.memory_space<vmem_shared>>) offsets(%arg8 : memref<1664xi32, #tpu.memory_space<vmem>>) semaphore(%run_scoped3A_88 : memref<!tpu.dma_semaphore, #tpu.memory_space<semaphore_mem>>) {add = true}
      %dma_wait3A = arith.constant 0 : i32
      %dma_wait3A_90 = tpu.memref_slice %arg12[%dma_wait3A] : memref<10240xf32, #tpu.memory_space<vmem_shared>> -> memref<10240xf32, #tpu.memory_space<vmem_shared>>
      tpu.wait_indirect_dma semaphore(%run_scoped3A_88 : memref<!tpu.dma_semaphore, #tpu.memory_space<semaphore_mem>>) src(%arg10 : memref<1664xf32, #tpu.memory_space<vmem>>) dst(%dma_wait3A_90 : memref<10240xf32, #tpu.memory_space<vmem_shared>>)
      tpu.yield
    }) : () -> ()
    %add3A_41 = arith.constant 3328 : i32
    %add3A_42 = arith.addi %multiple_of3A, %add3A_41 : i32
    %multiple_of3A_43 = tpu.assume_multiple %add3A_42, 128 : i32
    "tpu.region"() ({
      %run_scoped3A_88 = tpu.sem_alloc : memref<!tpu.dma_semaphore, #tpu.memory_space<semaphore_mem>>
      %dma_start3A = arith.constant 0 : i32
      %dma_start3A_89 = tpu.memref_slice %arg2[%dma_start3A, %multiple_of3A_43] : memref<2x320000xi32, #tpu.memory_space<hbm>> -> memref<2x1664xi32, #tpu.memory_space<hbm>>
      %dma_start3A_90 = arith.constant 0 : i32
      %dma_start3A_91 = tpu.memref_slice %arg2[%dma_start3A_90, %multiple_of3A_43] : memref<2x320000xi32, #tpu.memory_space<hbm>> -> memref<2x1664xi32, #tpu.memory_space<hbm>>
      tpu.enqueue_dma source(%dma_start3A_91 : memref<2x1664xi32, #tpu.memory_space<hbm>>) target(%arg6 : memref<2x1664xi32, #tpu.memory_space<vmem>>) target_semaphore(%run_scoped3A_88 : memref<!tpu.dma_semaphore, #tpu.memory_space<semaphore_mem>>)
      %dma_wait3A = arith.constant 0 : i32
      %dma_wait3A_92 = tpu.memref_slice %arg2[%dma_wait3A, %multiple_of3A_43] : memref<2x320000xi32, #tpu.memory_space<hbm>> -> memref<2x1664xi32, #tpu.memory_space<hbm>>
      %dma_wait3A_93 = arith.constant 0 : i32
      %dma_wait3A_94 = tpu.memref_slice %arg2[%dma_wait3A_93, %multiple_of3A_43] : memref<2x320000xi32, #tpu.memory_space<hbm>> -> memref<2x1664xi32, #tpu.memory_space<hbm>>
      tpu.wait_dma2 semaphore(%run_scoped3A_88 : memref<!tpu.dma_semaphore, #tpu.memory_space<semaphore_mem>>) src(%dma_wait3A_94 : memref<2x1664xi32, #tpu.memory_space<hbm>>) dst(%arg6 : memref<2x1664xi32, #tpu.memory_space<vmem>>)
      tpu.yield
    }) : () -> ()
    %run_scoped3A_44 = arith.constant 0 : i32
    "tpu.region"() ({
      %run_scoped3A_88 = tpu.sem_alloc : memref<!tpu.dma_semaphore, #tpu.memory_space<semaphore_mem>>
      %dma_start3A = arith.constant 0 : i32
      %dma_start3A_89 = tpu.memref_slice %arg6[%run_scoped3A_44, %dma_start3A] : memref<2x1664xi32, #tpu.memory_space<vmem>> -> memref<1x1664xi32, #tpu.memory_space<vmem>>
      %dma_start3A_90 = tpu.memref_squeeze %dma_start3A_89 : memref<1x1664xi32, #tpu.memory_space<vmem>> -> memref<1664xi32, #tpu.memory_space<vmem>>
      %dma_start3A_91 = tpu.memref_slice %arg4[%multiple_of3A_43] : memref<320000xi32, #tpu.memory_space<hbm>> -> memref<1664xi32, #tpu.memory_space<hbm>>
      %dma_start3A_92 = tpu.memref_slice %arg4[%multiple_of3A_43] : memref<320000xi32, #tpu.memory_space<hbm>> -> memref<1664xi32, #tpu.memory_space<hbm>>
      %dma_start3A_93 = arith.constant 0 : i32
      %dma_start3A_94 = tpu.memref_slice %arg6[%run_scoped3A_44, %dma_start3A_93] : memref<2x1664xi32, #tpu.memory_space<vmem>> -> memref<1x1664xi32, #tpu.memory_space<vmem>>
      %dma_start3A_95 = tpu.memref_squeeze %dma_start3A_94 : memref<1x1664xi32, #tpu.memory_space<vmem>> -> memref<1664xi32, #tpu.memory_space<vmem>>
      tpu.enqueue_dma source(%dma_start3A_95 : memref<1664xi32, #tpu.memory_space<vmem>>) target(%dma_start3A_92 : memref<1664xi32, #tpu.memory_space<hbm>>) target_semaphore(%run_scoped3A_88 : memref<!tpu.dma_semaphore, #tpu.memory_space<semaphore_mem>>)
      %dma_wait3A = arith.constant 0 : i32
      %dma_wait3A_96 = tpu.memref_slice %arg6[%run_scoped3A_44, %dma_wait3A] : memref<2x1664xi32, #tpu.memory_space<vmem>> -> memref<1x1664xi32, #tpu.memory_space<vmem>>
      %dma_wait3A_97 = tpu.memref_squeeze %dma_wait3A_96 : memref<1x1664xi32, #tpu.memory_space<vmem>> -> memref<1664xi32, #tpu.memory_space<vmem>>
      %dma_wait3A_98 = tpu.memref_slice %arg4[%multiple_of3A_43] : memref<320000xi32, #tpu.memory_space<hbm>> -> memref<1664xi32, #tpu.memory_space<hbm>>
      %dma_wait3A_99 = tpu.memref_slice %arg4[%multiple_of3A_43] : memref<320000xi32, #tpu.memory_space<hbm>> -> memref<1664xi32, #tpu.memory_space<hbm>>
      %dma_wait3A_100 = arith.constant 0 : i32
      %dma_wait3A_101 = tpu.memref_slice %arg6[%run_scoped3A_44, %dma_wait3A_100] : memref<2x1664xi32, #tpu.memory_space<vmem>> -> memref<1x1664xi32, #tpu.memory_space<vmem>>
      %dma_wait3A_102 = tpu.memref_squeeze %dma_wait3A_101 : memref<1x1664xi32, #tpu.memory_space<vmem>> -> memref<1664xi32, #tpu.memory_space<vmem>>
      tpu.wait_dma2 semaphore(%run_scoped3A_88 : memref<!tpu.dma_semaphore, #tpu.memory_space<semaphore_mem>>) src(%dma_wait3A_102 : memref<1664xi32, #tpu.memory_space<vmem>>) dst(%dma_wait3A_99 : memref<1664xi32, #tpu.memory_space<hbm>>)
      tpu.yield
    }) : () -> ()
    %run_scoped3A_45 = arith.constant 1 : i32
    "tpu.region"() ({
      %run_scoped3A_88 = tpu.sem_alloc : memref<!tpu.dma_semaphore, #tpu.memory_space<semaphore_mem>>
      %dma_start3A = arith.constant 0 : i32
      %dma_start3A_89 = tpu.memref_slice %arg6[%run_scoped3A_45, %dma_start3A] : memref<2x1664xi32, #tpu.memory_space<vmem>> -> memref<1x1664xi32, #tpu.memory_space<vmem>>
      %dma_start3A_90 = tpu.memref_squeeze %dma_start3A_89 : memref<1x1664xi32, #tpu.memory_space<vmem>> -> memref<1664xi32, #tpu.memory_space<vmem>>
      %dma_start3A_91 = tpu.memref_slice %arg5[%multiple_of3A_43] : memref<320000xi32, #tpu.memory_space<hbm>> -> memref<1664xi32, #tpu.memory_space<hbm>>
      %dma_start3A_92 = tpu.memref_slice %arg5[%multiple_of3A_43] : memref<320000xi32, #tpu.memory_space<hbm>> -> memref<1664xi32, #tpu.memory_space<hbm>>
      %dma_start3A_93 = arith.constant 0 : i32
      %dma_start3A_94 = tpu.memref_slice %arg6[%run_scoped3A_45, %dma_start3A_93] : memref<2x1664xi32, #tpu.memory_space<vmem>> -> memref<1x1664xi32, #tpu.memory_space<vmem>>
      %dma_start3A_95 = tpu.memref_squeeze %dma_start3A_94 : memref<1x1664xi32, #tpu.memory_space<vmem>> -> memref<1664xi32, #tpu.memory_space<vmem>>
      tpu.enqueue_dma source(%dma_start3A_95 : memref<1664xi32, #tpu.memory_space<vmem>>) target(%dma_start3A_92 : memref<1664xi32, #tpu.memory_space<hbm>>) target_semaphore(%run_scoped3A_88 : memref<!tpu.dma_semaphore, #tpu.memory_space<semaphore_mem>>)
      %dma_wait3A = arith.constant 0 : i32
      %dma_wait3A_96 = tpu.memref_slice %arg6[%run_scoped3A_45, %dma_wait3A] : memref<2x1664xi32, #tpu.memory_space<vmem>> -> memref<1x1664xi32, #tpu.memory_space<vmem>>
      %dma_wait3A_97 = tpu.memref_squeeze %dma_wait3A_96 : memref<1x1664xi32, #tpu.memory_space<vmem>> -> memref<1664xi32, #tpu.memory_space<vmem>>
      %dma_wait3A_98 = tpu.memref_slice %arg5[%multiple_of3A_43] : memref<320000xi32, #tpu.memory_space<hbm>> -> memref<1664xi32, #tpu.memory_space<hbm>>
      %dma_wait3A_99 = tpu.memref_slice %arg5[%multiple_of3A_43] : memref<320000xi32, #tpu.memory_space<hbm>> -> memref<1664xi32, #tpu.memory_space<hbm>>
      %dma_wait3A_100 = arith.constant 0 : i32
      %dma_wait3A_101 = tpu.memref_slice %arg6[%run_scoped3A_45, %dma_wait3A_100] : memref<2x1664xi32, #tpu.memory_space<vmem>> -> memref<1x1664xi32, #tpu.memory_space<vmem>>
      %dma_wait3A_102 = tpu.memref_squeeze %dma_wait3A_101 : memref<1x1664xi32, #tpu.memory_space<vmem>> -> memref<1664xi32, #tpu.memory_space<vmem>>
      tpu.wait_dma2 semaphore(%run_scoped3A_88 : memref<!tpu.dma_semaphore, #tpu.memory_space<semaphore_mem>>) src(%dma_wait3A_102 : memref<1664xi32, #tpu.memory_space<vmem>>) dst(%dma_wait3A_99 : memref<1664xi32, #tpu.memory_space<hbm>>)
      tpu.yield
    }) : () -> ()
    %scan3A_46 = arith.constant 0 : i32
    %scan3A_47 = arith.constant 0 : i32
    %scan3A_48 = arith.constant 104 : i32
    %scan3A_49 = arith.addi %scan3A_47, %scan3A_48 : i32
    %scan3A_50 = arith.constant 1 : i32
    scf.for %scan3A_88 = %scan3A_47 to %scan3A_49 step %scan3A_50  : i32 {
      %mul3A_89 = arith.constant 16 : i32
      %mul3A_90 = arith.muli %scan3A_88, %mul3A_89 : i32
      %get3A = arith.constant 1 : i32
      %get3A_91 = arith.index_cast %get3A : i32 to index
      %get3A_92 = arith.index_cast %mul3A_90 : i32 to index
      %get3A_93 = tpu.vector_load %arg6[%get3A_91, %get3A_92] {strides = array<i32>} : memref<2x1664xi32, #tpu.memory_space<vmem>>, vector<1x16xi32>,
      %get3A_94 = vector.shape_cast %get3A_93 : vector<1x16xi32> to vector<16xi32>
      %mul3A_95 = arith.constant 16 : i32
      %mul3A_96 = arith.muli %scan3A_88, %mul3A_95 : i32
      %swap3A = arith.index_cast %mul3A_96 : i32 to index
      %swap3A_97 = tpu.vector_load %arg8[%swap3A] {strides = array<i32>} : memref<1664xi32, #tpu.memory_space<vmem>>, vector<16xi32>,
      %swap3A_98 = vector.shape_cast %swap3A_97 : vector<16xi32> to vector<16xi32>
      %swap3A_99 = vector.shape_cast %get3A_94 : vector<16xi32> to vector<16xi32>
      tpu.vector_store %arg8[%swap3A], %swap3A_99 {strides = array<i32>} : memref<1664xi32, #tpu.memory_space<vmem>>, vector<16xi32>,
    }
    %scan3A_51 = arith.constant 104 : i32
    "tpu.region"() ({
      %run_scoped3A_88 = tpu.sem_alloc : memref<!tpu.dma_semaphore, #tpu.memory_space<semaphore_mem>>
      %dma_start3A = arith.constant 0 : i32
      %dma_start3A_89 = tpu.memref_slice %arg12[%dma_start3A] : memref<10240xf32, #tpu.memory_space<vmem_shared>> -> memref<10240xf32, #tpu.memory_space<vmem_shared>>
      tpu.enqueue_indirect_dma source(%arg10 : memref<1664xf32, #tpu.memory_space<vmem>>) target(%dma_start3A_89 : memref<10240xf32, #tpu.memory_space<vmem_shared>>) offsets(%arg8 : memref<1664xi32, #tpu.memory_space<vmem>>) semaphore(%run_scoped3A_88 : memref<!tpu.dma_semaphore, #tpu.memory_space<semaphore_mem>>) {add = true}
      %dma_wait3A = arith.constant 0 : i32
      %dma_wait3A_90 = tpu.memref_slice %arg12[%dma_wait3A] : memref<10240xf32, #tpu.memory_space<vmem_shared>> -> memref<10240xf32, #tpu.memory_space<vmem_shared>>
      tpu.wait_indirect_dma semaphore(%run_scoped3A_88 : memref<!tpu.dma_semaphore, #tpu.memory_space<semaphore_mem>>) src(%arg10 : memref<1664xf32, #tpu.memory_space<vmem>>) dst(%dma_wait3A_90 : memref<10240xf32, #tpu.memory_space<vmem_shared>>)
      tpu.yield
    }) : () -> ()
    %add3A_52 = arith.constant 4992 : i32
    %add3A_53 = arith.addi %multiple_of3A, %add3A_52 : i32
    %multiple_of3A_54 = tpu.assume_multiple %add3A_53, 128 : i32
    "tpu.region"() ({
      %run_scoped3A_88 = tpu.sem_alloc : memref<!tpu.dma_semaphore, #tpu.memory_space<semaphore_mem>>
      %dma_start3A = arith.constant 0 : i32
      %dma_start3A_89 = tpu.memref_slice %arg2[%dma_start3A, %multiple_of3A_54] : memref<2x320000xi32, #tpu.memory_space<hbm>> -> memref<2x1664xi32, #tpu.memory_space<hbm>>
      %dma_start3A_90 = arith.constant 0 : i32
      %dma_start3A_91 = tpu.memref_slice %arg2[%dma_start3A_90, %multiple_of3A_54] : memref<2x320000xi32, #tpu.memory_space<hbm>> -> memref<2x1664xi32, #tpu.memory_space<hbm>>
      tpu.enqueue_dma source(%dma_start3A_91 : memref<2x1664xi32, #tpu.memory_space<hbm>>) target(%arg6 : memref<2x1664xi32, #tpu.memory_space<vmem>>) target_semaphore(%run_scoped3A_88 : memref<!tpu.dma_semaphore, #tpu.memory_space<semaphore_mem>>)
      %dma_wait3A = arith.constant 0 : i32
      %dma_wait3A_92 = tpu.memref_slice %arg2[%dma_wait3A, %multiple_of3A_54] : memref<2x320000xi32, #tpu.memory_space<hbm>> -> memref<2x1664xi32, #tpu.memory_space<hbm>>
      %dma_wait3A_93 = arith.constant 0 : i32
      %dma_wait3A_94 = tpu.memref_slice %arg2[%dma_wait3A_93, %multiple_of3A_54] : memref<2x320000xi32, #tpu.memory_space<hbm>> -> memref<2x1664xi32, #tpu.memory_space<hbm>>
      tpu.wait_dma2 semaphore(%run_scoped3A_88 : memref<!tpu.dma_semaphore, #tpu.memory_space<semaphore_mem>>) src(%dma_wait3A_94 : memref<2x1664xi32, #tpu.memory_space<hbm>>) dst(%arg6 : memref<2x1664xi32, #tpu.memory_space<vmem>>)
      tpu.yield
    }) : () -> ()
    %run_scoped3A_55 = arith.constant 0 : i32
    "tpu.region"() ({
      %run_scoped3A_88 = tpu.sem_alloc : memref<!tpu.dma_semaphore, #tpu.memory_space<semaphore_mem>>
      %dma_start3A = arith.constant 0 : i32
      %dma_start3A_89 = tpu.memref_slice %arg6[%run_scoped3A_55, %dma_start3A] : memref<2x1664xi32, #tpu.memory_space<vmem>> -> memref<1x1664xi32, #tpu.memory_space<vmem>>
      %dma_start3A_90 = tpu.memref_squeeze %dma_start3A_89 : memref<1x1664xi32, #tpu.memory_space<vmem>> -> memref<1664xi32, #tpu.memory_space<vmem>>
      %dma_start3A_91 = tpu.memref_slice %arg4[%multiple_of3A_54] : memref<320000xi32, #tpu.memory_space<hbm>> -> memref<1664xi32, #tpu.memory_space<hbm>>
      %dma_start3A_92 = tpu.memref_slice %arg4[%multiple_of3A_54] : memref<320000xi32, #tpu.memory_space<hbm>> -> memref<1664xi32, #tpu.memory_space<hbm>>
      %dma_start3A_93 = arith.constant 0 : i32
      %dma_start3A_94 = tpu.memref_slice %arg6[%run_scoped3A_55, %dma_start3A_93] : memref<2x1664xi32, #tpu.memory_space<vmem>> -> memref<1x1664xi32, #tpu.memory_space<vmem>>
      %dma_start3A_95 = tpu.memref_squeeze %dma_start3A_94 : memref<1x1664xi32, #tpu.memory_space<vmem>> -> memref<1664xi32, #tpu.memory_space<vmem>>
      tpu.enqueue_dma source(%dma_start3A_95 : memref<1664xi32, #tpu.memory_space<vmem>>) target(%dma_start3A_92 : memref<1664xi32, #tpu.memory_space<hbm>>) target_semaphore(%run_scoped3A_88 : memref<!tpu.dma_semaphore, #tpu.memory_space<semaphore_mem>>)
      %dma_wait3A = arith.constant 0 : i32
      %dma_wait3A_96 = tpu.memref_slice %arg6[%run_scoped3A_55, %dma_wait3A] : memref<2x1664xi32, #tpu.memory_space<vmem>> -> memref<1x1664xi32, #tpu.memory_space<vmem>>
      %dma_wait3A_97 = tpu.memref_squeeze %dma_wait3A_96 : memref<1x1664xi32, #tpu.memory_space<vmem>> -> memref<1664xi32, #tpu.memory_space<vmem>>
      %dma_wait3A_98 = tpu.memref_slice %arg4[%multiple_of3A_54] : memref<320000xi32, #tpu.memory_space<hbm>> -> memref<1664xi32, #tpu.memory_space<hbm>>
      %dma_wait3A_99 = tpu.memref_slice %arg4[%multiple_of3A_54] : memref<320000xi32, #tpu.memory_space<hbm>> -> memref<1664xi32, #tpu.memory_space<hbm>>
      %dma_wait3A_100 = arith.constant 0 : i32
      %dma_wait3A_101 = tpu.memref_slice %arg6[%run_scoped3A_55, %dma_wait3A_100] : memref<2x1664xi32, #tpu.memory_space<vmem>> -> memref<1x1664xi32, #tpu.memory_space<vmem>>
      %dma_wait3A_102 = tpu.memref_squeeze %dma_wait3A_101 : memref<1x1664xi32, #tpu.memory_space<vmem>> -> memref<1664xi32, #tpu.memory_space<vmem>>
      tpu.wait_dma2 semaphore(%run_scoped3A_88 : memref<!tpu.dma_semaphore, #tpu.memory_space<semaphore_mem>>) src(%dma_wait3A_102 : memref<1664xi32, #tpu.memory_space<vmem>>) dst(%dma_wait3A_99 : memref<1664xi32, #tpu.memory_space<hbm>>)
      tpu.yield
    }) : () -> ()
    %run_scoped3A_56 = arith.constant 1 : i32
    "tpu.region"() ({
      %run_scoped3A_88 = tpu.sem_alloc : memref<!tpu.dma_semaphore, #tpu.memory_space<semaphore_mem>>
      %dma_start3A = arith.constant 0 : i32
      %dma_start3A_89 = tpu.memref_slice %arg6[%run_scoped3A_56, %dma_start3A] : memref<2x1664xi32, #tpu.memory_space<vmem>> -> memref<1x1664xi32, #tpu.memory_space<vmem>>
      %dma_start3A_90 = tpu.memref_squeeze %dma_start3A_89 : memref<1x1664xi32, #tpu.memory_space<vmem>> -> memref<1664xi32, #tpu.memory_space<vmem>>
      %dma_start3A_91 = tpu.memref_slice %arg5[%multiple_of3A_54] : memref<320000xi32, #tpu.memory_space<hbm>> -> memref<1664xi32, #tpu.memory_space<hbm>>
      %dma_start3A_92 = tpu.memref_slice %arg5[%multiple_of3A_54] : memref<320000xi32, #tpu.memory_space<hbm>> -> memref<1664xi32, #tpu.memory_space<hbm>>
      %dma_start3A_93 = arith.constant 0 : i32
      %dma_start3A_94 = tpu.memref_slice %arg6[%run_scoped3A_56, %dma_start3A_93] : memref<2x1664xi32, #tpu.memory_space<vmem>> -> memref<1x1664xi32, #tpu.memory_space<vmem>>
      %dma_start3A_95 = tpu.memref_squeeze %dma_start3A_94 : memref<1x1664xi32, #tpu.memory_space<vmem>> -> memref<1664xi32, #tpu.memory_space<vmem>>
      tpu.enqueue_dma source(%dma_start3A_95 : memref<1664xi32, #tpu.memory_space<vmem>>) target(%dma_start3A_92 : memref<1664xi32, #tpu.memory_space<hbm>>) target_semaphore(%run_scoped3A_88 : memref<!tpu.dma_semaphore, #tpu.memory_space<semaphore_mem>>)
      %dma_wait3A = arith.constant 0 : i32
      %dma_wait3A_96 = tpu.memref_slice %arg6[%run_scoped3A_56, %dma_wait3A] : memref<2x1664xi32, #tpu.memory_space<vmem>> -> memref<1x1664xi32, #tpu.memory_space<vmem>>
      %dma_wait3A_97 = tpu.memref_squeeze %dma_wait3A_96 : memref<1x1664xi32, #tpu.memory_space<vmem>> -> memref<1664xi32, #tpu.memory_space<vmem>>
      %dma_wait3A_98 = tpu.memref_slice %arg5[%multiple_of3A_54] : memref<320000xi32, #tpu.memory_space<hbm>> -> memref<1664xi32, #tpu.memory_space<hbm>>
      %dma_wait3A_99 = tpu.memref_slice %arg5[%multiple_of3A_54] : memref<320000xi32, #tpu.memory_space<hbm>> -> memref<1664xi32, #tpu.memory_space<hbm>>
      %dma_wait3A_100 = arith.constant 0 : i32
      %dma_wait3A_101 = tpu.memref_slice %arg6[%run_scoped3A_56, %dma_wait3A_100] : memref<2x1664xi32, #tpu.memory_space<vmem>> -> memref<1x1664xi32, #tpu.memory_space<vmem>>
      %dma_wait3A_102 = tpu.memref_squeeze %dma_wait3A_101 : memref<1x1664xi32, #tpu.memory_space<vmem>> -> memref<1664xi32, #tpu.memory_space<vmem>>
      tpu.wait_dma2 semaphore(%run_scoped3A_88 : memref<!tpu.dma_semaphore, #tpu.memory_space<semaphore_mem>>) src(%dma_wait3A_102 : memref<1664xi32, #tpu.memory_space<vmem>>) dst(%dma_wait3A_99 : memref<1664xi32, #tpu.memory_space<hbm>>)
      tpu.yield
    }) : () -> ()
    %scan3A_57 = arith.constant 0 : i32
    %scan3A_58 = arith.constant 0 : i32
    %scan3A_59 = arith.constant 104 : i32
    %scan3A_60 = arith.addi %scan3A_58, %scan3A_59 : i32
    %scan3A_61 = arith.constant 1 : i32
    scf.for %scan3A_88 = %scan3A_58 to %scan3A_60 step %scan3A_61  : i32 {
      %mul3A_89 = arith.constant 16 : i32
      %mul3A_90 = arith.muli %scan3A_88, %mul3A_89 : i32
      %get3A = arith.constant 1 : i32
      %get3A_91 = arith.index_cast %get3A : i32 to index
      %get3A_92 = arith.index_cast %mul3A_90 : i32 to index
      %get3A_93 = tpu.vector_load %arg6[%get3A_91, %get3A_92] {strides = array<i32>} : memref<2x1664xi32, #tpu.memory_space<vmem>>, vector<1x16xi32>,
      %get3A_94 = vector.shape_cast %get3A_93 : vector<1x16xi32> to vector<16xi32>
      %mul3A_95 = arith.constant 16 : i32
      %mul3A_96 = arith.muli %scan3A_88, %mul3A_95 : i32
      %swap3A = arith.index_cast %mul3A_96 : i32 to index
      %swap3A_97 = tpu.vector_load %arg8[%swap3A] {strides = array<i32>} : memref<1664xi32, #tpu.memory_space<vmem>>, vector<16xi32>,
      %swap3A_98 = vector.shape_cast %swap3A_97 : vector<16xi32> to vector<16xi32>
      %swap3A_99 = vector.shape_cast %get3A_94 : vector<16xi32> to vector<16xi32>
      tpu.vector_store %arg8[%swap3A], %swap3A_99 {strides = array<i32>} : memref<1664xi32, #tpu.memory_space<vmem>>, vector<16xi32>,
    }
    %scan3A_62 = arith.constant 104 : i32
    "tpu.region"() ({
      %run_scoped3A_88 = tpu.sem_alloc : memref<!tpu.dma_semaphore, #tpu.memory_space<semaphore_mem>>
      %dma_start3A = arith.constant 0 : i32
      %dma_start3A_89 = tpu.memref_slice %arg12[%dma_start3A] : memref<10240xf32, #tpu.memory_space<vmem_shared>> -> memref<10240xf32, #tpu.memory_space<vmem_shared>>
      tpu.enqueue_indirect_dma source(%arg10 : memref<1664xf32, #tpu.memory_space<vmem>>) target(%dma_start3A_89 : memref<10240xf32, #tpu.memory_space<vmem_shared>>) offsets(%arg8 : memref<1664xi32, #tpu.memory_space<vmem>>) semaphore(%run_scoped3A_88 : memref<!tpu.dma_semaphore, #tpu.memory_space<semaphore_mem>>) {add = true}
      %dma_wait3A = arith.constant 0 : i32
      %dma_wait3A_90 = tpu.memref_slice %arg12[%dma_wait3A] : memref<10240xf32, #tpu.memory_space<vmem_shared>> -> memref<10240xf32, #tpu.memory_space<vmem_shared>>
      tpu.wait_indirect_dma semaphore(%run_scoped3A_88 : memref<!tpu.dma_semaphore, #tpu.memory_space<semaphore_mem>>) src(%arg10 : memref<1664xf32, #tpu.memory_space<vmem>>) dst(%dma_wait3A_90 : memref<10240xf32, #tpu.memory_space<vmem_shared>>)
      tpu.yield
    }) : () -> ()
    %add3A_63 = arith.constant 6656 : i32
    %add3A_64 = arith.addi %multiple_of3A, %add3A_63 : i32
    %multiple_of3A_65 = tpu.assume_multiple %add3A_64, 128 : i32
    "tpu.region"() ({
      %run_scoped3A_88 = tpu.sem_alloc : memref<!tpu.dma_semaphore, #tpu.memory_space<semaphore_mem>>
      %dma_start3A = arith.constant 0 : i32
      %dma_start3A_89 = tpu.memref_slice %arg2[%dma_start3A, %multiple_of3A_65] : memref<2x320000xi32, #tpu.memory_space<hbm>> -> memref<2x1664xi32, #tpu.memory_space<hbm>>
      %dma_start3A_90 = arith.constant 0 : i32
      %dma_start3A_91 = tpu.memref_slice %arg2[%dma_start3A_90, %multiple_of3A_65] : memref<2x320000xi32, #tpu.memory_space<hbm>> -> memref<2x1664xi32, #tpu.memory_space<hbm>>
      tpu.enqueue_dma source(%dma_start3A_91 : memref<2x1664xi32, #tpu.memory_space<hbm>>) target(%arg6 : memref<2x1664xi32, #tpu.memory_space<vmem>>) target_semaphore(%run_scoped3A_88 : memref<!tpu.dma_semaphore, #tpu.memory_space<semaphore_mem>>)
      %dma_wait3A = arith.constant 0 : i32
      %dma_wait3A_92 = tpu.memref_slice %arg2[%dma_wait3A, %multiple_of3A_65] : memref<2x320000xi32, #tpu.memory_space<hbm>> -> memref<2x1664xi32, #tpu.memory_space<hbm>>
      %dma_wait3A_93 = arith.constant 0 : i32
      %dma_wait3A_94 = tpu.memref_slice %arg2[%dma_wait3A_93, %multiple_of3A_65] : memref<2x320000xi32, #tpu.memory_space<hbm>> -> memref<2x1664xi32, #tpu.memory_space<hbm>>
      tpu.wait_dma2 semaphore(%run_scoped3A_88 : memref<!tpu.dma_semaphore, #tpu.memory_space<semaphore_mem>>) src(%dma_wait3A_94 : memref<2x1664xi32, #tpu.memory_space<hbm>>) dst(%arg6 : memref<2x1664xi32, #tpu.memory_space<vmem>>)
      tpu.yield
    }) : () -> ()
    %run_scoped3A_66 = arith.constant 0 : i32
    "tpu.region"() ({
      %run_scoped3A_88 = tpu.sem_alloc : memref<!tpu.dma_semaphore, #tpu.memory_space<semaphore_mem>>
      %dma_start3A = arith.constant 0 : i32
      %dma_start3A_89 = tpu.memref_slice %arg6[%run_scoped3A_66, %dma_start3A] : memref<2x1664xi32, #tpu.memory_space<vmem>> -> memref<1x1664xi32, #tpu.memory_space<vmem>>
      %dma_start3A_90 = tpu.memref_squeeze %dma_start3A_89 : memref<1x1664xi32, #tpu.memory_space<vmem>> -> memref<1664xi32, #tpu.memory_space<vmem>>
      %dma_start3A_91 = tpu.memref_slice %arg4[%multiple_of3A_65] : memref<320000xi32, #tpu.memory_space<hbm>> -> memref<1664xi32, #tpu.memory_space<hbm>>
      %dma_start3A_92 = tpu.memref_slice %arg4[%multiple_of3A_65] : memref<320000xi32, #tpu.memory_space<hbm>> -> memref<1664xi32, #tpu.memory_space<hbm>>
      %dma_start3A_93 = arith.constant 0 : i32
      %dma_start3A_94 = tpu.memref_slice %arg6[%run_scoped3A_66, %dma_start3A_93] : memref<2x1664xi32, #tpu.memory_space<vmem>> -> memref<1x1664xi32, #tpu.memory_space<vmem>>
      %dma_start3A_95 = tpu.memref_squeeze %dma_start3A_94 : memref<1x1664xi32, #tpu.memory_space<vmem>> -> memref<1664xi32, #tpu.memory_space<vmem>>
      tpu.enqueue_dma source(%dma_start3A_95 : memref<1664xi32, #tpu.memory_space<vmem>>) target(%dma_start3A_92 : memref<1664xi32, #tpu.memory_space<hbm>>) target_semaphore(%run_scoped3A_88 : memref<!tpu.dma_semaphore, #tpu.memory_space<semaphore_mem>>)
      %dma_wait3A = arith.constant 0 : i32
      %dma_wait3A_96 = tpu.memref_slice %arg6[%run_scoped3A_66, %dma_wait3A] : memref<2x1664xi32, #tpu.memory_space<vmem>> -> memref<1x1664xi32, #tpu.memory_space<vmem>>
      %dma_wait3A_97 = tpu.memref_squeeze %dma_wait3A_96 : memref<1x1664xi32, #tpu.memory_space<vmem>> -> memref<1664xi32, #tpu.memory_space<vmem>>
      %dma_wait3A_98 = tpu.memref_slice %arg4[%multiple_of3A_65] : memref<320000xi32, #tpu.memory_space<hbm>> -> memref<1664xi32, #tpu.memory_space<hbm>>
      %dma_wait3A_99 = tpu.memref_slice %arg4[%multiple_of3A_65] : memref<320000xi32, #tpu.memory_space<hbm>> -> memref<1664xi32, #tpu.memory_space<hbm>>
      %dma_wait3A_100 = arith.constant 0 : i32
      %dma_wait3A_101 = tpu.memref_slice %arg6[%run_scoped3A_66, %dma_wait3A_100] : memref<2x1664xi32, #tpu.memory_space<vmem>> -> memref<1x1664xi32, #tpu.memory_space<vmem>>
      %dma_wait3A_102 = tpu.memref_squeeze %dma_wait3A_101 : memref<1x1664xi32, #tpu.memory_space<vmem>> -> memref<1664xi32, #tpu.memory_space<vmem>>
      tpu.wait_dma2 semaphore(%run_scoped3A_88 : memref<!tpu.dma_semaphore, #tpu.memory_space<semaphore_mem>>) src(%dma_wait3A_102 : memref<1664xi32, #tpu.memory_space<vmem>>) dst(%dma_wait3A_99 : memref<1664xi32, #tpu.memory_space<hbm>>)
      tpu.yield
    }) : () -> ()
    %run_scoped3A_67 = arith.constant 1 : i32
    "tpu.region"() ({
      %run_scoped3A_88 = tpu.sem_alloc : memref<!tpu.dma_semaphore, #tpu.memory_space<semaphore_mem>>
      %dma_start3A = arith.constant 0 : i32
      %dma_start3A_89 = tpu.memref_slice %arg6[%run_scoped3A_67, %dma_start3A] : memref<2x1664xi32, #tpu.memory_space<vmem>> -> memref<1x1664xi32, #tpu.memory_space<vmem>>
      %dma_start3A_90 = tpu.memref_squeeze %dma_start3A_89 : memref<1x1664xi32, #tpu.memory_space<vmem>> -> memref<1664xi32, #tpu.memory_space<vmem>>
      %dma_start3A_91 = tpu.memref_slice %arg5[%multiple_of3A_65] : memref<320000xi32, #tpu.memory_space<hbm>> -> memref<1664xi32, #tpu.memory_space<hbm>>
      %dma_start3A_92 = tpu.memref_slice %arg5[%multiple_of3A_65] : memref<320000xi32, #tpu.memory_space<hbm>> -> memref<1664xi32, #tpu.memory_space<hbm>>
      %dma_start3A_93 = arith.constant 0 : i32
      %dma_start3A_94 = tpu.memref_slice %arg6[%run_scoped3A_67, %dma_start3A_93] : memref<2x1664xi32, #tpu.memory_space<vmem>> -> memref<1x1664xi32, #tpu.memory_space<vmem>>
      %dma_start3A_95 = tpu.memref_squeeze %dma_start3A_94 : memref<1x1664xi32, #tpu.memory_space<vmem>> -> memref<1664xi32, #tpu.memory_space<vmem>>
      tpu.enqueue_dma source(%dma_start3A_95 : memref<1664xi32, #tpu.memory_space<vmem>>) target(%dma_start3A_92 : memref<1664xi32, #tpu.memory_space<hbm>>) target_semaphore(%run_scoped3A_88 : memref<!tpu.dma_semaphore, #tpu.memory_space<semaphore_mem>>)
      %dma_wait3A = arith.constant 0 : i32
      %dma_wait3A_96 = tpu.memref_slice %arg6[%run_scoped3A_67, %dma_wait3A] : memref<2x1664xi32, #tpu.memory_space<vmem>> -> memref<1x1664xi32, #tpu.memory_space<vmem>>
      %dma_wait3A_97 = tpu.memref_squeeze %dma_wait3A_96 : memref<1x1664xi32, #tpu.memory_space<vmem>> -> memref<1664xi32, #tpu.memory_space<vmem>>
      %dma_wait3A_98 = tpu.memref_slice %arg5[%multiple_of3A_65] : memref<320000xi32, #tpu.memory_space<hbm>> -> memref<1664xi32, #tpu.memory_space<hbm>>
      %dma_wait3A_99 = tpu.memref_slice %arg5[%multiple_of3A_65] : memref<320000xi32, #tpu.memory_space<hbm>> -> memref<1664xi32, #tpu.memory_space<hbm>>
      %dma_wait3A_100 = arith.constant 0 : i32
      %dma_wait3A_101 = tpu.memref_slice %arg6[%run_scoped3A_67, %dma_wait3A_100] : memref<2x1664xi32, #tpu.memory_space<vmem>> -> memref<1x1664xi32, #tpu.memory_space<vmem>>
      %dma_wait3A_102 = tpu.memref_squeeze %dma_wait3A_101 : memref<1x1664xi32, #tpu.memory_space<vmem>> -> memref<1664xi32, #tpu.memory_space<vmem>>
      tpu.wait_dma2 semaphore(%run_scoped3A_88 : memref<!tpu.dma_semaphore, #tpu.memory_space<semaphore_mem>>) src(%dma_wait3A_102 : memref<1664xi32, #tpu.memory_space<vmem>>) dst(%dma_wait3A_99 : memref<1664xi32, #tpu.memory_space<hbm>>)
      tpu.yield
    }) : () -> ()
    %scan3A_68 = arith.constant 0 : i32
    %scan3A_69 = arith.constant 0 : i32
    %scan3A_70 = arith.constant 104 : i32
    %scan3A_71 = arith.addi %scan3A_69, %scan3A_70 : i32
    %scan3A_72 = arith.constant 1 : i32
    scf.for %scan3A_88 = %scan3A_69 to %scan3A_71 step %scan3A_72  : i32 {
      %mul3A_89 = arith.constant 16 : i32
      %mul3A_90 = arith.muli %scan3A_88, %mul3A_89 : i32
      %get3A = arith.constant 1 : i32
      %get3A_91 = arith.index_cast %get3A : i32 to index
      %get3A_92 = arith.index_cast %mul3A_90 : i32 to index
      %get3A_93 = tpu.vector_load %arg6[%get3A_91, %get3A_92] {strides = array<i32>} : memref<2x1664xi32, #tpu.memory_space<vmem>>, vector<1x16xi32>,
      %get3A_94 = vector.shape_cast %get3A_93 : vector<1x16xi32> to vector<16xi32>
      %mul3A_95 = arith.constant 16 : i32
      %mul3A_96 = arith.muli %scan3A_88, %mul3A_95 : i32
      %swap3A = arith.index_cast %mul3A_96 : i32 to index
      %swap3A_97 = tpu.vector_load %arg8[%swap3A] {strides = array<i32>} : memref<1664xi32, #tpu.memory_space<vmem>>, vector<16xi32>,
      %swap3A_98 = vector.shape_cast %swap3A_97 : vector<16xi32> to vector<16xi32>
      %swap3A_99 = vector.shape_cast %get3A_94 : vector<16xi32> to vector<16xi32>
      tpu.vector_store %arg8[%swap3A], %swap3A_99 {strides = array<i32>} : memref<1664xi32, #tpu.memory_space<vmem>>, vector<16xi32>,
    }
    %scan3A_73 = arith.constant 104 : i32
    "tpu.region"() ({
      %run_scoped3A_88 = tpu.sem_alloc : memref<!tpu.dma_semaphore, #tpu.memory_space<semaphore_mem>>
      %dma_start3A = arith.constant 0 : i32
      %dma_start3A_89 = tpu.memref_slice %arg12[%dma_start3A] : memref<10240xf32, #tpu.memory_space<vmem_shared>> -> memref<10240xf32, #tpu.memory_space<vmem_shared>>
      tpu.enqueue_indirect_dma source(%arg10 : memref<1664xf32, #tpu.memory_space<vmem>>) target(%dma_start3A_89 : memref<10240xf32, #tpu.memory_space<vmem_shared>>) offsets(%arg8 : memref<1664xi32, #tpu.memory_space<vmem>>) semaphore(%run_scoped3A_88 : memref<!tpu.dma_semaphore, #tpu.memory_space<semaphore_mem>>) {add = true}
      %dma_wait3A = arith.constant 0 : i32
      %dma_wait3A_90 = tpu.memref_slice %arg12[%dma_wait3A] : memref<10240xf32, #tpu.memory_space<vmem_shared>> -> memref<10240xf32, #tpu.memory_space<vmem_shared>>
      tpu.wait_indirect_dma semaphore(%run_scoped3A_88 : memref<!tpu.dma_semaphore, #tpu.memory_space<semaphore_mem>>) src(%arg10 : memref<1664xf32, #tpu.memory_space<vmem>>) dst(%dma_wait3A_90 : memref<10240xf32, #tpu.memory_space<vmem_shared>>)
      tpu.yield
    }) : () -> ()
    %add3A_74 = arith.constant 8320 : i32
    %add3A_75 = arith.addi %multiple_of3A, %add3A_74 : i32
    %multiple_of3A_76 = tpu.assume_multiple %add3A_75, 128 : i32
    "tpu.region"() ({
      %run_scoped3A_88 = tpu.sem_alloc : memref<!tpu.dma_semaphore, #tpu.memory_space<semaphore_mem>>
      %dma_start3A = arith.constant 0 : i32
      %dma_start3A_89 = tpu.memref_slice %arg2[%dma_start3A, %multiple_of3A_76] : memref<2x320000xi32, #tpu.memory_space<hbm>> -> memref<2x1664xi32, #tpu.memory_space<hbm>>
      %dma_start3A_90 = arith.constant 0 : i32
      %dma_start3A_91 = tpu.memref_slice %arg2[%dma_start3A_90, %multiple_of3A_76] : memref<2x320000xi32, #tpu.memory_space<hbm>> -> memref<2x1664xi32, #tpu.memory_space<hbm>>
      tpu.enqueue_dma source(%dma_start3A_91 : memref<2x1664xi32, #tpu.memory_space<hbm>>) target(%arg6 : memref<2x1664xi32, #tpu.memory_space<vmem>>) target_semaphore(%run_scoped3A_88 : memref<!tpu.dma_semaphore, #tpu.memory_space<semaphore_mem>>)
      %dma_wait3A = arith.constant 0 : i32
      %dma_wait3A_92 = tpu.memref_slice %arg2[%dma_wait3A, %multiple_of3A_76] : memref<2x320000xi32, #tpu.memory_space<hbm>> -> memref<2x1664xi32, #tpu.memory_space<hbm>>
      %dma_wait3A_93 = arith.constant 0 : i32
      %dma_wait3A_94 = tpu.memref_slice %arg2[%dma_wait3A_93, %multiple_of3A_76] : memref<2x320000xi32, #tpu.memory_space<hbm>> -> memref<2x1664xi32, #tpu.memory_space<hbm>>
      tpu.wait_dma2 semaphore(%run_scoped3A_88 : memref<!tpu.dma_semaphore, #tpu.memory_space<semaphore_mem>>) src(%dma_wait3A_94 : memref<2x1664xi32, #tpu.memory_space<hbm>>) dst(%arg6 : memref<2x1664xi32, #tpu.memory_space<vmem>>)
      tpu.yield
    }) : () -> ()
    %run_scoped3A_77 = arith.constant 0 : i32
    "tpu.region"() ({
      %run_scoped3A_88 = tpu.sem_alloc : memref<!tpu.dma_semaphore, #tpu.memory_space<semaphore_mem>>
      %dma_start3A = arith.constant 0 : i32
      %dma_start3A_89 = tpu.memref_slice %arg6[%run_scoped3A_77, %dma_start3A] : memref<2x1664xi32, #tpu.memory_space<vmem>> -> memref<1x1664xi32, #tpu.memory_space<vmem>>
      %dma_start3A_90 = tpu.memref_squeeze %dma_start3A_89 : memref<1x1664xi32, #tpu.memory_space<vmem>> -> memref<1664xi32, #tpu.memory_space<vmem>>
      %dma_start3A_91 = tpu.memref_slice %arg4[%multiple_of3A_76] : memref<320000xi32, #tpu.memory_space<hbm>> -> memref<1664xi32, #tpu.memory_space<hbm>>
      %dma_start3A_92 = tpu.memref_slice %arg4[%multiple_of3A_76] : memref<320000xi32, #tpu.memory_space<hbm>> -> memref<1664xi32, #tpu.memory_space<hbm>>
      %dma_start3A_93 = arith.constant 0 : i32
      %dma_start3A_94 = tpu.memref_slice %arg6[%run_scoped3A_77, %dma_start3A_93] : memref<2x1664xi32, #tpu.memory_space<vmem>> -> memref<1x1664xi32, #tpu.memory_space<vmem>>
      %dma_start3A_95 = tpu.memref_squeeze %dma_start3A_94 : memref<1x1664xi32, #tpu.memory_space<vmem>> -> memref<1664xi32, #tpu.memory_space<vmem>>
      tpu.enqueue_dma source(%dma_start3A_95 : memref<1664xi32, #tpu.memory_space<vmem>>) target(%dma_start3A_92 : memref<1664xi32, #tpu.memory_space<hbm>>) target_semaphore(%run_scoped3A_88 : memref<!tpu.dma_semaphore, #tpu.memory_space<semaphore_mem>>)
      %dma_wait3A = arith.constant 0 : i32
      %dma_wait3A_96 = tpu.memref_slice %arg6[%run_scoped3A_77, %dma_wait3A] : memref<2x1664xi32, #tpu.memory_space<vmem>> -> memref<1x1664xi32, #tpu.memory_space<vmem>>
      %dma_wait3A_97 = tpu.memref_squeeze %dma_wait3A_96 : memref<1x1664xi32, #tpu.memory_space<vmem>> -> memref<1664xi32, #tpu.memory_space<vmem>>
      %dma_wait3A_98 = tpu.memref_slice %arg4[%multiple_of3A_76] : memref<320000xi32, #tpu.memory_space<hbm>> -> memref<1664xi32, #tpu.memory_space<hbm>>
      %dma_wait3A_99 = tpu.memref_slice %arg4[%multiple_of3A_76] : memref<320000xi32, #tpu.memory_space<hbm>> -> memref<1664xi32, #tpu.memory_space<hbm>>
      %dma_wait3A_100 = arith.constant 0 : i32
      %dma_wait3A_101 = tpu.memref_slice %arg6[%run_scoped3A_77, %dma_wait3A_100] : memref<2x1664xi32, #tpu.memory_space<vmem>> -> memref<1x1664xi32, #tpu.memory_space<vmem>>
      %dma_wait3A_102 = tpu.memref_squeeze %dma_wait3A_101 : memref<1x1664xi32, #tpu.memory_space<vmem>> -> memref<1664xi32, #tpu.memory_space<vmem>>
      tpu.wait_dma2 semaphore(%run_scoped3A_88 : memref<!tpu.dma_semaphore, #tpu.memory_space<semaphore_mem>>) src(%dma_wait3A_102 : memref<1664xi32, #tpu.memory_space<vmem>>) dst(%dma_wait3A_99 : memref<1664xi32, #tpu.memory_space<hbm>>)
      tpu.yield
    }) : () -> ()
    %run_scoped3A_78 = arith.constant 1 : i32
    "tpu.region"() ({
      %run_scoped3A_88 = tpu.sem_alloc : memref<!tpu.dma_semaphore, #tpu.memory_space<semaphore_mem>>
      %dma_start3A = arith.constant 0 : i32
      %dma_start3A_89 = tpu.memref_slice %arg6[%run_scoped3A_78, %dma_start3A] : memref<2x1664xi32, #tpu.memory_space<vmem>> -> memref<1x1664xi32, #tpu.memory_space<vmem>>
      %dma_start3A_90 = tpu.memref_squeeze %dma_start3A_89 : memref<1x1664xi32, #tpu.memory_space<vmem>> -> memref<1664xi32, #tpu.memory_space<vmem>>
      %dma_start3A_91 = tpu.memref_slice %arg5[%multiple_of3A_76] : memref<320000xi32, #tpu.memory_space<hbm>> -> memref<1664xi32, #tpu.memory_space<hbm>>
      %dma_start3A_92 = tpu.memref_slice %arg5[%multiple_of3A_76] : memref<320000xi32, #tpu.memory_space<hbm>> -> memref<1664xi32, #tpu.memory_space<hbm>>
      %dma_start3A_93 = arith.constant 0 : i32
      %dma_start3A_94 = tpu.memref_slice %arg6[%run_scoped3A_78, %dma_start3A_93] : memref<2x1664xi32, #tpu.memory_space<vmem>> -> memref<1x1664xi32, #tpu.memory_space<vmem>>
      %dma_start3A_95 = tpu.memref_squeeze %dma_start3A_94 : memref<1x1664xi32, #tpu.memory_space<vmem>> -> memref<1664xi32, #tpu.memory_space<vmem>>
      tpu.enqueue_dma source(%dma_start3A_95 : memref<1664xi32, #tpu.memory_space<vmem>>) target(%dma_start3A_92 : memref<1664xi32, #tpu.memory_space<hbm>>) target_semaphore(%run_scoped3A_88 : memref<!tpu.dma_semaphore, #tpu.memory_space<semaphore_mem>>)
      %dma_wait3A = arith.constant 0 : i32
      %dma_wait3A_96 = tpu.memref_slice %arg6[%run_scoped3A_78, %dma_wait3A] : memref<2x1664xi32, #tpu.memory_space<vmem>> -> memref<1x1664xi32, #tpu.memory_space<vmem>>
      %dma_wait3A_97 = tpu.memref_squeeze %dma_wait3A_96 : memref<1x1664xi32, #tpu.memory_space<vmem>> -> memref<1664xi32, #tpu.memory_space<vmem>>
      %dma_wait3A_98 = tpu.memref_slice %arg5[%multiple_of3A_76] : memref<320000xi32, #tpu.memory_space<hbm>> -> memref<1664xi32, #tpu.memory_space<hbm>>
      %dma_wait3A_99 = tpu.memref_slice %arg5[%multiple_of3A_76] : memref<320000xi32, #tpu.memory_space<hbm>> -> memref<1664xi32, #tpu.memory_space<hbm>>
      %dma_wait3A_100 = arith.constant 0 : i32
      %dma_wait3A_101 = tpu.memref_slice %arg6[%run_scoped3A_78, %dma_wait3A_100] : memref<2x1664xi32, #tpu.memory_space<vmem>> -> memref<1x1664xi32, #tpu.memory_space<vmem>>
      %dma_wait3A_102 = tpu.memref_squeeze %dma_wait3A_101 : memref<1x1664xi32, #tpu.memory_space<vmem>> -> memref<1664xi32, #tpu.memory_space<vmem>>
      tpu.wait_dma2 semaphore(%run_scoped3A_88 : memref<!tpu.dma_semaphore, #tpu.memory_space<semaphore_mem>>) src(%dma_wait3A_102 : memref<1664xi32, #tpu.memory_space<vmem>>) dst(%dma_wait3A_99 : memref<1664xi32, #tpu.memory_space<hbm>>)
      tpu.yield
    }) : () -> ()
    %scan3A_79 = arith.constant 0 : i32
    %scan3A_80 = arith.constant 0 : i32
    %scan3A_81 = arith.constant 104 : i32
    %scan3A_82 = arith.addi %scan3A_80, %scan3A_81 : i32
    %scan3A_83 = arith.constant 1 : i32
    scf.for %scan3A_88 = %scan3A_80 to %scan3A_82 step %scan3A_83  : i32 {
      %mul3A_89 = arith.constant 16 : i32
      %mul3A_90 = arith.muli %scan3A_88, %mul3A_89 : i32
      %get3A = arith.constant 1 : i32
      %get3A_91 = arith.index_cast %get3A : i32 to index
      %get3A_92 = arith.index_cast %mul3A_90 : i32 to index
      %get3A_93 = tpu.vector_load %arg6[%get3A_91, %get3A_92] {strides = array<i32>} : memref<2x1664xi32, #tpu.memory_space<vmem>>, vector<1x16xi32>,
      %get3A_94 = vector.shape_cast %get3A_93 : vector<1x16xi32> to vector<16xi32>
      %mul3A_95 = arith.constant 16 : i32
      %mul3A_96 = arith.muli %scan3A_88, %mul3A_95 : i32
      %swap3A = arith.index_cast %mul3A_96 : i32 to index
      %swap3A_97 = tpu.vector_load %arg8[%swap3A] {strides = array<i32>} : memref<1664xi32, #tpu.memory_space<vmem>>, vector<16xi32>,
      %swap3A_98 = vector.shape_cast %swap3A_97 : vector<16xi32> to vector<16xi32>
      %swap3A_99 = vector.shape_cast %get3A_94 : vector<16xi32> to vector<16xi32>
      tpu.vector_store %arg8[%swap3A], %swap3A_99 {strides = array<i32>} : memref<1664xi32, #tpu.memory_space<vmem>>, vector<16xi32>,
    }
    %scan3A_84 = arith.constant 104 : i32
    "tpu.region"() ({
      %run_scoped3A_88 = tpu.sem_alloc : memref<!tpu.dma_semaphore, #tpu.memory_space<semaphore_mem>>
      %dma_start3A = arith.constant 0 : i32
      %dma_start3A_89 = tpu.memref_slice %arg12[%dma_start3A] : memref<10240xf32, #tpu.memory_space<vmem_shared>> -> memref<10240xf32, #tpu.memory_space<vmem_shared>>
      tpu.enqueue_indirect_dma source(%arg10 : memref<1664xf32, #tpu.memory_space<vmem>>) target(%dma_start3A_89 : memref<10240xf32, #tpu.memory_space<vmem_shared>>) offsets(%arg8 : memref<1664xi32, #tpu.memory_space<vmem>>) semaphore(%run_scoped3A_88 : memref<!tpu.dma_semaphore, #tpu.memory_space<semaphore_mem>>) {add = true}
      %dma_wait3A = arith.constant 0 : i32
      %dma_wait3A_90 = tpu.memref_slice %arg12[%dma_wait3A] : memref<10240xf32, #tpu.memory_space<vmem_shared>> -> memref<10240xf32, #tpu.memory_space<vmem_shared>>
      tpu.wait_indirect_dma semaphore(%run_scoped3A_88 : memref<!tpu.dma_semaphore, #tpu.memory_space<semaphore_mem>>) src(%arg10 : memref<1664xf32, #tpu.memory_space<vmem>>) dst(%dma_wait3A_90 : memref<10240xf32, #tpu.memory_space<vmem_shared>>)
      tpu.yield
    }) : () -> ()
    %lt3A = arith.constant 4 : i32
    %lt3A_85 = arith.cmpi slt, %add3A, %lt3A : i32
    %convert_element_type3A = arith.extui %lt3A_85 : i1 to i32
    %cond3A = arith.constant 0 : i32
    %cond3A_86 = arith.cmpi ne, %convert_element_type3A, %cond3A : i32
    scf.if %cond3A_86 {
      %add3A_88 = arith.constant 9984 : i32
      %add3A_89 = arith.addi %multiple_of3A, %add3A_88 : i32
      %multiple_of3A_90 = tpu.assume_multiple %add3A_89, 128 : i32
      "tpu.region"() ({
        %run_scoped3A_99 = tpu.sem_alloc : memref<!tpu.dma_semaphore, #tpu.memory_space<semaphore_mem>>
        %dma_start3A = arith.constant 0 : i32
        %dma_start3A_100 = tpu.memref_slice %arg2[%dma_start3A, %multiple_of3A_90] : memref<2x320000xi32, #tpu.memory_space<hbm>> -> memref<2x128xi32, #tpu.memory_space<hbm>>
        %dma_start3A_101 = arith.constant 0 : i32
        %dma_start3A_102 = tpu.memref_slice %arg2[%dma_start3A_101, %multiple_of3A_90] : memref<2x320000xi32, #tpu.memory_space<hbm>> -> memref<2x128xi32, #tpu.memory_space<hbm>>
        tpu.enqueue_dma source(%dma_start3A_102 : memref<2x128xi32, #tpu.memory_space<hbm>>) target(%arg7 : memref<2x128xi32, #tpu.memory_space<vmem>>) target_semaphore(%run_scoped3A_99 : memref<!tpu.dma_semaphore, #tpu.memory_space<semaphore_mem>>)
        %dma_wait3A = arith.constant 0 : i32
        %dma_wait3A_103 = tpu.memref_slice %arg2[%dma_wait3A, %multiple_of3A_90] : memref<2x320000xi32, #tpu.memory_space<hbm>> -> memref<2x128xi32, #tpu.memory_space<hbm>>
        %dma_wait3A_104 = arith.constant 0 : i32
        %dma_wait3A_105 = tpu.memref_slice %arg2[%dma_wait3A_104, %multiple_of3A_90] : memref<2x320000xi32, #tpu.memory_space<hbm>> -> memref<2x128xi32, #tpu.memory_space<hbm>>
        tpu.wait_dma2 semaphore(%run_scoped3A_99 : memref<!tpu.dma_semaphore, #tpu.memory_space<semaphore_mem>>) src(%dma_wait3A_105 : memref<2x128xi32, #tpu.memory_space<hbm>>) dst(%arg7 : memref<2x128xi32, #tpu.memory_space<vmem>>)
        tpu.yield
      }) : () -> ()
      %run_scoped3A_91 = arith.constant 0 : i32
      "tpu.region"() ({
        %run_scoped3A_99 = tpu.sem_alloc : memref<!tpu.dma_semaphore, #tpu.memory_space<semaphore_mem>>
        %dma_start3A = arith.constant 0 : i32
        %dma_start3A_100 = tpu.memref_slice %arg7[%run_scoped3A_91, %dma_start3A] : memref<2x128xi32, #tpu.memory_space<vmem>> -> memref<1x128xi32, #tpu.memory_space<vmem>>
        %dma_start3A_101 = tpu.memref_squeeze %dma_start3A_100 : memref<1x128xi32, #tpu.memory_space<vmem>> -> memref<128xi32, #tpu.memory_space<vmem>>
        %dma_start3A_102 = tpu.memref_slice %arg4[%multiple_of3A_90] : memref<320000xi32, #tpu.memory_space<hbm>> -> memref<128xi32, #tpu.memory_space<hbm>>
        %dma_start3A_103 = tpu.memref_slice %arg4[%multiple_of3A_90] : memref<320000xi32, #tpu.memory_space<hbm>> -> memref<128xi32, #tpu.memory_space<hbm>>
        %dma_start3A_104 = arith.constant 0 : i32
        %dma_start3A_105 = tpu.memref_slice %arg7[%run_scoped3A_91, %dma_start3A_104] : memref<2x128xi32, #tpu.memory_space<vmem>> -> memref<1x128xi32, #tpu.memory_space<vmem>>
        %dma_start3A_106 = tpu.memref_squeeze %dma_start3A_105 : memref<1x128xi32, #tpu.memory_space<vmem>> -> memref<128xi32, #tpu.memory_space<vmem>>
        tpu.enqueue_dma source(%dma_start3A_106 : memref<128xi32, #tpu.memory_space<vmem>>) target(%dma_start3A_103 : memref<128xi32, #tpu.memory_space<hbm>>) target_semaphore(%run_scoped3A_99 : memref<!tpu.dma_semaphore, #tpu.memory_space<semaphore_mem>>)
        %dma_wait3A = arith.constant 0 : i32
        %dma_wait3A_107 = tpu.memref_slice %arg7[%run_scoped3A_91, %dma_wait3A] : memref<2x128xi32, #tpu.memory_space<vmem>> -> memref<1x128xi32, #tpu.memory_space<vmem>>
        %dma_wait3A_108 = tpu.memref_squeeze %dma_wait3A_107 : memref<1x128xi32, #tpu.memory_space<vmem>> -> memref<128xi32, #tpu.memory_space<vmem>>
        %dma_wait3A_109 = tpu.memref_slice %arg4[%multiple_of3A_90] : memref<320000xi32, #tpu.memory_space<hbm>> -> memref<128xi32, #tpu.memory_space<hbm>>
        %dma_wait3A_110 = tpu.memref_slice %arg4[%multiple_of3A_90] : memref<320000xi32, #tpu.memory_space<hbm>> -> memref<128xi32, #tpu.memory_space<hbm>>
        %dma_wait3A_111 = arith.constant 0 : i32
        %dma_wait3A_112 = tpu.memref_slice %arg7[%run_scoped3A_91, %dma_wait3A_111] : memref<2x128xi32, #tpu.memory_space<vmem>> -> memref<1x128xi32, #tpu.memory_space<vmem>>
        %dma_wait3A_113 = tpu.memref_squeeze %dma_wait3A_112 : memref<1x128xi32, #tpu.memory_space<vmem>> -> memref<128xi32, #tpu.memory_space<vmem>>
        tpu.wait_dma2 semaphore(%run_scoped3A_99 : memref<!tpu.dma_semaphore, #tpu.memory_space<semaphore_mem>>) src(%dma_wait3A_113 : memref<128xi32, #tpu.memory_space<vmem>>) dst(%dma_wait3A_110 : memref<128xi32, #tpu.memory_space<hbm>>)
        tpu.yield
      }) : () -> ()
      %run_scoped3A_92 = arith.constant 1 : i32
      "tpu.region"() ({
        %run_scoped3A_99 = tpu.sem_alloc : memref<!tpu.dma_semaphore, #tpu.memory_space<semaphore_mem>>
        %dma_start3A = arith.constant 0 : i32
        %dma_start3A_100 = tpu.memref_slice %arg7[%run_scoped3A_92, %dma_start3A] : memref<2x128xi32, #tpu.memory_space<vmem>> -> memref<1x128xi32, #tpu.memory_space<vmem>>
        %dma_start3A_101 = tpu.memref_squeeze %dma_start3A_100 : memref<1x128xi32, #tpu.memory_space<vmem>> -> memref<128xi32, #tpu.memory_space<vmem>>
        %dma_start3A_102 = tpu.memref_slice %arg5[%multiple_of3A_90] : memref<320000xi32, #tpu.memory_space<hbm>> -> memref<128xi32, #tpu.memory_space<hbm>>
        %dma_start3A_103 = tpu.memref_slice %arg5[%multiple_of3A_90] : memref<320000xi32, #tpu.memory_space<hbm>> -> memref<128xi32, #tpu.memory_space<hbm>>
        %dma_start3A_104 = arith.constant 0 : i32
        %dma_start3A_105 = tpu.memref_slice %arg7[%run_scoped3A_92, %dma_start3A_104] : memref<2x128xi32, #tpu.memory_space<vmem>> -> memref<1x128xi32, #tpu.memory_space<vmem>>
        %dma_start3A_106 = tpu.memref_squeeze %dma_start3A_105 : memref<1x128xi32, #tpu.memory_space<vmem>> -> memref<128xi32, #tpu.memory_space<vmem>>
        tpu.enqueue_dma source(%dma_start3A_106 : memref<128xi32, #tpu.memory_space<vmem>>) target(%dma_start3A_103 : memref<128xi32, #tpu.memory_space<hbm>>) target_semaphore(%run_scoped3A_99 : memref<!tpu.dma_semaphore, #tpu.memory_space<semaphore_mem>>)
        %dma_wait3A = arith.constant 0 : i32
        %dma_wait3A_107 = tpu.memref_slice %arg7[%run_scoped3A_92, %dma_wait3A] : memref<2x128xi32, #tpu.memory_space<vmem>> -> memref<1x128xi32, #tpu.memory_space<vmem>>
        %dma_wait3A_108 = tpu.memref_squeeze %dma_wait3A_107 : memref<1x128xi32, #tpu.memory_space<vmem>> -> memref<128xi32, #tpu.memory_space<vmem>>
        %dma_wait3A_109 = tpu.memref_slice %arg5[%multiple_of3A_90] : memref<320000xi32, #tpu.memory_space<hbm>> -> memref<128xi32, #tpu.memory_space<hbm>>
        %dma_wait3A_110 = tpu.memref_slice %arg5[%multiple_of3A_90] : memref<320000xi32, #tpu.memory_space<hbm>> -> memref<128xi32, #tpu.memory_space<hbm>>
        %dma_wait3A_111 = arith.constant 0 : i32
        %dma_wait3A_112 = tpu.memref_slice %arg7[%run_scoped3A_92, %dma_wait3A_111] : memref<2x128xi32, #tpu.memory_space<vmem>> -> memref<1x128xi32, #tpu.memory_space<vmem>>
        %dma_wait3A_113 = tpu.memref_squeeze %dma_wait3A_112 : memref<1x128xi32, #tpu.memory_space<vmem>> -> memref<128xi32, #tpu.memory_space<vmem>>
        tpu.wait_dma2 semaphore(%run_scoped3A_99 : memref<!tpu.dma_semaphore, #tpu.memory_space<semaphore_mem>>) src(%dma_wait3A_113 : memref<128xi32, #tpu.memory_space<vmem>>) dst(%dma_wait3A_110 : memref<128xi32, #tpu.memory_space<hbm>>)
        tpu.yield
      }) : () -> ()
      %scan3A_93 = arith.constant 0 : i32
      %scan3A_94 = arith.constant 0 : i32
      %scan3A_95 = arith.constant 8 : i32
      %scan3A_96 = arith.addi %scan3A_94, %scan3A_95 : i32
      %scan3A_97 = arith.constant 1 : i32
      scf.for %scan3A_99 = %scan3A_94 to %scan3A_96 step %scan3A_97  : i32 {
        %mul3A_100 = arith.constant 16 : i32
        %mul3A_101 = arith.muli %scan3A_99, %mul3A_100 : i32
        %get3A = arith.constant 1 : i32
        %get3A_102 = arith.index_cast %get3A : i32 to index
        %get3A_103 = arith.index_cast %mul3A_101 : i32 to index
        %get3A_104 = tpu.vector_load %arg7[%get3A_102, %get3A_103] {strides = array<i32>} : memref<2x128xi32, #tpu.memory_space<vmem>>, vector<1x16xi32>,
        %get3A_105 = vector.shape_cast %get3A_104 : vector<1x16xi32> to vector<16xi32>
        %mul3A_106 = arith.constant 16 : i32
        %mul3A_107 = arith.muli %scan3A_99, %mul3A_106 : i32
        %swap3A = arith.index_cast %mul3A_107 : i32 to index
        %swap3A_108 = tpu.vector_load %arg9[%swap3A] {strides = array<i32>} : memref<128xi32, #tpu.memory_space<vmem>>, vector<16xi32>,
        %swap3A_109 = vector.shape_cast %swap3A_108 : vector<16xi32> to vector<16xi32>
        %swap3A_110 = vector.shape_cast %get3A_105 : vector<16xi32> to vector<16xi32>
        tpu.vector_store %arg9[%swap3A], %swap3A_110 {strides = array<i32>} : memref<128xi32, #tpu.memory_space<vmem>>, vector<16xi32>,
      }
      %scan3A_98 = arith.constant 8 : i32
      "tpu.region"() ({
        %run_scoped3A_99 = tpu.sem_alloc : memref<!tpu.dma_semaphore, #tpu.memory_space<semaphore_mem>>
        %dma_start3A = arith.constant 0 : i32
        %dma_start3A_100 = tpu.memref_slice %arg10[%dma_start3A] : memref<1664xf32, #tpu.memory_space<vmem>> -> memref<128xf32, #tpu.memory_space<vmem>>
        %dma_start3A_101 = arith.constant 0 : i32
        %dma_start3A_102 = tpu.memref_slice %arg12[%dma_start3A_101] : memref<10240xf32, #tpu.memory_space<vmem_shared>> -> memref<10240xf32, #tpu.memory_space<vmem_shared>>
        tpu.enqueue_indirect_dma source(%dma_start3A_100 : memref<128xf32, #tpu.memory_space<vmem>>) target(%dma_start3A_102 : memref<10240xf32, #tpu.memory_space<vmem_shared>>) offsets(%arg9 : memref<128xi32, #tpu.memory_space<vmem>>) semaphore(%run_scoped3A_99 : memref<!tpu.dma_semaphore, #tpu.memory_space<semaphore_mem>>) {add = true}
        %dma_wait3A = arith.constant 0 : i32
        %dma_wait3A_103 = tpu.memref_slice %arg10[%dma_wait3A] : memref<1664xf32, #tpu.memory_space<vmem>> -> memref<128xf32, #tpu.memory_space<vmem>>
        %dma_wait3A_104 = arith.constant 0 : i32
        %dma_wait3A_105 = tpu.memref_slice %arg12[%dma_wait3A_104] : memref<10240xf32, #tpu.memory_space<vmem_shared>> -> memref<10240xf32, #tpu.memory_space<vmem_shared>>
        tpu.wait_indirect_dma semaphore(%run_scoped3A_99 : memref<!tpu.dma_semaphore, #tpu.memory_space<semaphore_mem>>) src(%dma_wait3A_103 : memref<128xf32, #tpu.memory_space<vmem>>) dst(%dma_wait3A_105 : memref<10240xf32, #tpu.memory_space<vmem_shared>>)
        tpu.yield
      }) : () -> ()
    } else {
    }
    %barrier3A_87 = arith.constant 0 : index
    tpu.barrier barrier_id(%barrier3A_87)
    "tpu.region"() ({
      %run_scoped3A_88 = tpu.sem_alloc : memref<!tpu.dma_semaphore, #tpu.memory_space<semaphore_mem>>
      %dma_start3A = tpu.memref_slice %arg3[%arg0, %mul3A_2] : memref<2x10240xf32, #tpu.memory_space<hbm>> -> memref<1x640xf32, #tpu.memory_space<hbm>>
      %dma_start3A_89 = tpu.memref_squeeze %dma_start3A : memref<1x640xf32, #tpu.memory_space<hbm>> -> memref<640xf32, #tpu.memory_space<hbm>>
      %dma_start3A_90 = tpu.memref_slice %arg12[%mul3A_2] : memref<10240xf32, #tpu.memory_space<vmem_shared>> -> memref<640xf32, #tpu.memory_space<vmem_shared>>
      tpu.enqueue_dma source(%dma_start3A_90 : memref<640xf32, #tpu.memory_space<vmem_shared>>) target(%dma_start3A_89 : memref<640xf32, #tpu.memory_space<hbm>>) target_semaphore(%run_scoped3A_88 : memref<!tpu.dma_semaphore, #tpu.memory_space<semaphore_mem>>)
      %dma_wait3A = tpu.memref_slice %arg3[%arg0, %mul3A_2] : memref<2x10240xf32, #tpu.memory_space<hbm>> -> memref<1x640xf32, #tpu.memory_space<hbm>>
      %dma_wait3A_91 = tpu.memref_squeeze %dma_wait3A : memref<1x640xf32, #tpu.memory_space<hbm>> -> memref<640xf32, #tpu.memory_space<hbm>>
      %dma_wait3A_92 = tpu.memref_slice %arg12[%mul3A_2] : memref<10240xf32, #tpu.memory_space<vmem_shared>> -> memref<640xf32, #tpu.memory_space<vmem_shared>>
      tpu.wait_dma2 semaphore(%run_scoped3A_88 : memref<!tpu.dma_semaphore, #tpu.memory_space<semaphore_mem>>) src(%dma_wait3A_92 : memref<640xf32, #tpu.memory_space<vmem_shared>>) dst(%dma_wait3A_91 : memref<640xf32, #tpu.memory_space<hbm>>)
      tpu.yield
    }) : () -> ()
    return
  }
}

#map = affine_map<(d0, d1) -> (0)>
#map1 = affine_map<(d0, d1) -> (0, 0)>
#map2 = affine_map<(d0, d1) -> (0, 0, 0)>
module attributes {stable_mosaic.version = 14 : i64} {
  func.func @agg_kernel(%arg0: i32, %arg1: i32, %arg2: memref<320000xi32, #tpu.memory_space<hbm>>, %arg3: memref<320000xi32, #tpu.memory_space<hbm>>, %arg4: memref<10000x16xf32, #tpu.memory_space<hbm>>, %arg5: memref<2x10240x16xf32, #tpu.memory_space<hbm>>, %arg6: memref<5x2000xi32, #tpu.memory_space<vmem>>, %arg7: memref<5x2000xi32, #tpu.memory_space<vmem>>, %arg8: memref<2000x16xf32, #tpu.memory_space<vmem>>, %arg9: memref<2000x16xf32, #tpu.memory_space<vmem>>, %arg10: memref<640x16xf32, #tpu.memory_space<vmem>>, %arg11: memref<10240x16xf32, #tpu.memory_space<vmem_shared>>, %arg12: memref<!tpu.dma_semaphore, #tpu.memory_space<semaphore_mem>>, %arg13: memref<!tpu.dma_semaphore, #tpu.memory_space<semaphore_mem>>, %arg14: memref<!tpu.dma_semaphore, #tpu.memory_space<semaphore_mem>>, %arg15: memref<!tpu.dma_semaphore, #tpu.memory_space<semaphore_mem>>) attributes {dimension_semantics = [#tpu.dimension_semantics<core_parallel>, #tpu.dimension_semantics<subcore_parallel>], iteration_bounds = array<i64: 2, 16>, scalar_prefetch = 0 : i64, scratch_operands = 10 : i64, tpu.core_type = #tpu.core_type<sc_vector_subcore>, window_params = [{transform_indices = #map}, {transform_indices = #map}, {transform_indices = #map1}, {transform_indices = #map2}]} {
    %mul3A = arith.constant 16 : i32
    %mul3A_0 = arith.muli %arg0, %mul3A : i32
    %add3A = arith.addi %mul3A_0, %arg1 : i32
    %mul3A_1 = arith.constant 640 : i32
    %mul3A_2 = arith.muli %arg1, %mul3A_1 : i32
    %scan3A = arith.constant 0 : i32
    %scan3A_3 = arith.constant 0 : i32
    %scan3A_4 = arith.constant 640 : i32
    %scan3A_5 = arith.addi %scan3A_3, %scan3A_4 : i32
    %scan3A_6 = arith.constant 1 : i32
    scf.for %scan3A_196 = %scan3A_3 to %scan3A_5 step %scan3A_6  : i32 {
      %broadcast_in_dim3A = arith.constant 0.000000e+00 : f32
      %broadcast_in_dim3A_197 = vector.broadcast %broadcast_in_dim3A : f32 to vector<16xf32>
      %swap3A = arith.index_cast %scan3A_196 : i32 to index
      %swap3A_198 = arith.constant 0 : index
      %swap3A_199 = tpu.vector_load %arg10[%swap3A, %swap3A_198] {strides = array<i32>} : memref<640x16xf32, #tpu.memory_space<vmem>>, vector<1x16xf32>,
      %swap3A_200 = vector.shape_cast %swap3A_199 : vector<1x16xf32> to vector<16xf32>
      %swap3A_201 = vector.shape_cast %broadcast_in_dim3A_197 : vector<16xf32> to vector<1x16xf32>
      tpu.vector_store %arg10[%swap3A, %swap3A_198], %swap3A_201 {strides = array<i32>} : memref<640x16xf32, #tpu.memory_space<vmem>>, vector<1x16xf32>,
    }
    %scan3A_7 = arith.constant 640 : i32
    "tpu.region"() ({
      %run_scoped3A_196 = tpu.sem_alloc : memref<!tpu.dma_semaphore, #tpu.memory_space<semaphore_mem>>
      %dma_start3A_197 = arith.constant 0 : i32
      %dma_start3A_198 = tpu.memref_slice %arg11[%mul3A_2, %dma_start3A_197] : memref<10240x16xf32, #tpu.memory_space<vmem_shared>> -> memref<640x16xf32, #tpu.memory_space<vmem_shared>>
      %dma_start3A_199 = arith.constant 0 : i32
      %dma_start3A_200 = tpu.memref_slice %arg11[%mul3A_2, %dma_start3A_199] : memref<10240x16xf32, #tpu.memory_space<vmem_shared>> -> memref<640x16xf32, #tpu.memory_space<vmem_shared>>
      tpu.enqueue_dma source(%arg10 : memref<640x16xf32, #tpu.memory_space<vmem>>) target(%dma_start3A_200 : memref<640x16xf32, #tpu.memory_space<vmem_shared>>) target_semaphore(%run_scoped3A_196 : memref<!tpu.dma_semaphore, #tpu.memory_space<semaphore_mem>>)
      %dma_wait3A_201 = arith.constant 0 : i32
      %dma_wait3A_202 = tpu.memref_slice %arg11[%mul3A_2, %dma_wait3A_201] : memref<10240x16xf32, #tpu.memory_space<vmem_shared>> -> memref<640x16xf32, #tpu.memory_space<vmem_shared>>
      %dma_wait3A_203 = arith.constant 0 : i32
      %dma_wait3A_204 = tpu.memref_slice %arg11[%mul3A_2, %dma_wait3A_203] : memref<10240x16xf32, #tpu.memory_space<vmem_shared>> -> memref<640x16xf32, #tpu.memory_space<vmem_shared>>
      tpu.wait_dma2 semaphore(%run_scoped3A_196 : memref<!tpu.dma_semaphore, #tpu.memory_space<semaphore_mem>>) src(%arg10 : memref<640x16xf32, #tpu.memory_space<vmem>>) dst(%dma_wait3A_204 : memref<640x16xf32, #tpu.memory_space<vmem_shared>>)
      tpu.yield
    }) : () -> ()
    %mul3A_8 = arith.constant 10000 : i32
    %mul3A_9 = arith.muli %add3A, %mul3A_8 : i32
    %add3A_10 = arith.constant 0 : i32
    %add3A_11 = arith.addi %mul3A_9, %add3A_10 : i32
    %run_scoped3A = arith.constant 0 : i32
    "tpu.region"() ({
      %run_scoped3A_196 = tpu.sem_alloc : memref<!tpu.dma_semaphore, #tpu.memory_space<semaphore_mem>>
      %dma_start3A_197 = arith.constant 0 : i32
      %dma_start3A_198 = tpu.memref_slice %arg6[%run_scoped3A, %dma_start3A_197] : memref<5x2000xi32, #tpu.memory_space<vmem>> -> memref<1x2000xi32, #tpu.memory_space<vmem>>
      %dma_start3A_199 = tpu.memref_squeeze %dma_start3A_198 : memref<1x2000xi32, #tpu.memory_space<vmem>> -> memref<2000xi32, #tpu.memory_space<vmem>>
      %dma_start3A_200 = tpu.memref_slice %arg2[%add3A_11] : memref<320000xi32, #tpu.memory_space<hbm>> -> memref<2000xi32, #tpu.memory_space<hbm>>
      %dma_start3A_201 = arith.constant 0 : i32
      %dma_start3A_202 = tpu.memref_slice %arg6[%run_scoped3A, %dma_start3A_201] : memref<5x2000xi32, #tpu.memory_space<vmem>> -> memref<1x2000xi32, #tpu.memory_space<vmem>>
      %dma_start3A_203 = tpu.memref_squeeze %dma_start3A_202 : memref<1x2000xi32, #tpu.memory_space<vmem>> -> memref<2000xi32, #tpu.memory_space<vmem>>
      %dma_start3A_204 = tpu.memref_slice %arg2[%add3A_11] : memref<320000xi32, #tpu.memory_space<hbm>> -> memref<2000xi32, #tpu.memory_space<hbm>>
      tpu.enqueue_dma source(%dma_start3A_204 : memref<2000xi32, #tpu.memory_space<hbm>>) target(%dma_start3A_203 : memref<2000xi32, #tpu.memory_space<vmem>>) target_semaphore(%run_scoped3A_196 : memref<!tpu.dma_semaphore, #tpu.memory_space<semaphore_mem>>)
      %dma_wait3A_205 = arith.constant 0 : i32
      %dma_wait3A_206 = tpu.memref_slice %arg6[%run_scoped3A, %dma_wait3A_205] : memref<5x2000xi32, #tpu.memory_space<vmem>> -> memref<1x2000xi32, #tpu.memory_space<vmem>>
      %dma_wait3A_207 = tpu.memref_squeeze %dma_wait3A_206 : memref<1x2000xi32, #tpu.memory_space<vmem>> -> memref<2000xi32, #tpu.memory_space<vmem>>
      %dma_wait3A_208 = tpu.memref_slice %arg2[%add3A_11] : memref<320000xi32, #tpu.memory_space<hbm>> -> memref<2000xi32, #tpu.memory_space<hbm>>
      %dma_wait3A_209 = arith.constant 0 : i32
      %dma_wait3A_210 = tpu.memref_slice %arg6[%run_scoped3A, %dma_wait3A_209] : memref<5x2000xi32, #tpu.memory_space<vmem>> -> memref<1x2000xi32, #tpu.memory_space<vmem>>
      %dma_wait3A_211 = tpu.memref_squeeze %dma_wait3A_210 : memref<1x2000xi32, #tpu.memory_space<vmem>> -> memref<2000xi32, #tpu.memory_space<vmem>>
      %dma_wait3A_212 = tpu.memref_slice %arg2[%add3A_11] : memref<320000xi32, #tpu.memory_space<hbm>> -> memref<2000xi32, #tpu.memory_space<hbm>>
      tpu.wait_dma2 semaphore(%run_scoped3A_196 : memref<!tpu.dma_semaphore, #tpu.memory_space<semaphore_mem>>) src(%dma_wait3A_212 : memref<2000xi32, #tpu.memory_space<hbm>>) dst(%dma_wait3A_211 : memref<2000xi32, #tpu.memory_space<vmem>>)
      tpu.yield
    }) : () -> ()
    %mul3A_12 = arith.constant 10000 : i32
    %mul3A_13 = arith.muli %add3A, %mul3A_12 : i32
    %add3A_14 = arith.constant 0 : i32
    %add3A_15 = arith.addi %mul3A_13, %add3A_14 : i32
    %run_scoped3A_16 = arith.constant 0 : i32
    "tpu.region"() ({
      %run_scoped3A_196 = tpu.sem_alloc : memref<!tpu.dma_semaphore, #tpu.memory_space<semaphore_mem>>
      %dma_start3A_197 = arith.constant 0 : i32
      %dma_start3A_198 = tpu.memref_slice %arg7[%run_scoped3A_16, %dma_start3A_197] : memref<5x2000xi32, #tpu.memory_space<vmem>> -> memref<1x2000xi32, #tpu.memory_space<vmem>>
      %dma_start3A_199 = tpu.memref_squeeze %dma_start3A_198 : memref<1x2000xi32, #tpu.memory_space<vmem>> -> memref<2000xi32, #tpu.memory_space<vmem>>
      %dma_start3A_200 = tpu.memref_slice %arg3[%add3A_15] : memref<320000xi32, #tpu.memory_space<hbm>> -> memref<2000xi32, #tpu.memory_space<hbm>>
      %dma_start3A_201 = arith.constant 0 : i32
      %dma_start3A_202 = tpu.memref_slice %arg7[%run_scoped3A_16, %dma_start3A_201] : memref<5x2000xi32, #tpu.memory_space<vmem>> -> memref<1x2000xi32, #tpu.memory_space<vmem>>
      %dma_start3A_203 = tpu.memref_squeeze %dma_start3A_202 : memref<1x2000xi32, #tpu.memory_space<vmem>> -> memref<2000xi32, #tpu.memory_space<vmem>>
      %dma_start3A_204 = tpu.memref_slice %arg3[%add3A_15] : memref<320000xi32, #tpu.memory_space<hbm>> -> memref<2000xi32, #tpu.memory_space<hbm>>
      tpu.enqueue_dma source(%dma_start3A_204 : memref<2000xi32, #tpu.memory_space<hbm>>) target(%dma_start3A_203 : memref<2000xi32, #tpu.memory_space<vmem>>) target_semaphore(%run_scoped3A_196 : memref<!tpu.dma_semaphore, #tpu.memory_space<semaphore_mem>>)
      %dma_wait3A_205 = arith.constant 0 : i32
      %dma_wait3A_206 = tpu.memref_slice %arg7[%run_scoped3A_16, %dma_wait3A_205] : memref<5x2000xi32, #tpu.memory_space<vmem>> -> memref<1x2000xi32, #tpu.memory_space<vmem>>
      %dma_wait3A_207 = tpu.memref_squeeze %dma_wait3A_206 : memref<1x2000xi32, #tpu.memory_space<vmem>> -> memref<2000xi32, #tpu.memory_space<vmem>>
      %dma_wait3A_208 = tpu.memref_slice %arg3[%add3A_15] : memref<320000xi32, #tpu.memory_space<hbm>> -> memref<2000xi32, #tpu.memory_space<hbm>>
      %dma_wait3A_209 = arith.constant 0 : i32
      %dma_wait3A_210 = tpu.memref_slice %arg7[%run_scoped3A_16, %dma_wait3A_209] : memref<5x2000xi32, #tpu.memory_space<vmem>> -> memref<1x2000xi32, #tpu.memory_space<vmem>>
      %dma_wait3A_211 = tpu.memref_squeeze %dma_wait3A_210 : memref<1x2000xi32, #tpu.memory_space<vmem>> -> memref<2000xi32, #tpu.memory_space<vmem>>
      %dma_wait3A_212 = tpu.memref_slice %arg3[%add3A_15] : memref<320000xi32, #tpu.memory_space<hbm>> -> memref<2000xi32, #tpu.memory_space<hbm>>
      tpu.wait_dma2 semaphore(%run_scoped3A_196 : memref<!tpu.dma_semaphore, #tpu.memory_space<semaphore_mem>>) src(%dma_wait3A_212 : memref<2000xi32, #tpu.memory_space<hbm>>) dst(%dma_wait3A_211 : memref<2000xi32, #tpu.memory_space<vmem>>)
      tpu.yield
    }) : () -> ()
    %mul3A_17 = arith.constant 10000 : i32
    %mul3A_18 = arith.muli %add3A, %mul3A_17 : i32
    %add3A_19 = arith.constant 2000 : i32
    %add3A_20 = arith.addi %mul3A_18, %add3A_19 : i32
    %run_scoped3A_21 = arith.constant 1 : i32
    "tpu.region"() ({
      %run_scoped3A_196 = tpu.sem_alloc : memref<!tpu.dma_semaphore, #tpu.memory_space<semaphore_mem>>
      %dma_start3A_197 = arith.constant 0 : i32
      %dma_start3A_198 = tpu.memref_slice %arg6[%run_scoped3A_21, %dma_start3A_197] : memref<5x2000xi32, #tpu.memory_space<vmem>> -> memref<1x2000xi32, #tpu.memory_space<vmem>>
      %dma_start3A_199 = tpu.memref_squeeze %dma_start3A_198 : memref<1x2000xi32, #tpu.memory_space<vmem>> -> memref<2000xi32, #tpu.memory_space<vmem>>
      %dma_start3A_200 = tpu.memref_slice %arg2[%add3A_20] : memref<320000xi32, #tpu.memory_space<hbm>> -> memref<2000xi32, #tpu.memory_space<hbm>>
      %dma_start3A_201 = arith.constant 0 : i32
      %dma_start3A_202 = tpu.memref_slice %arg6[%run_scoped3A_21, %dma_start3A_201] : memref<5x2000xi32, #tpu.memory_space<vmem>> -> memref<1x2000xi32, #tpu.memory_space<vmem>>
      %dma_start3A_203 = tpu.memref_squeeze %dma_start3A_202 : memref<1x2000xi32, #tpu.memory_space<vmem>> -> memref<2000xi32, #tpu.memory_space<vmem>>
      %dma_start3A_204 = tpu.memref_slice %arg2[%add3A_20] : memref<320000xi32, #tpu.memory_space<hbm>> -> memref<2000xi32, #tpu.memory_space<hbm>>
      tpu.enqueue_dma source(%dma_start3A_204 : memref<2000xi32, #tpu.memory_space<hbm>>) target(%dma_start3A_203 : memref<2000xi32, #tpu.memory_space<vmem>>) target_semaphore(%run_scoped3A_196 : memref<!tpu.dma_semaphore, #tpu.memory_space<semaphore_mem>>)
      %dma_wait3A_205 = arith.constant 0 : i32
      %dma_wait3A_206 = tpu.memref_slice %arg6[%run_scoped3A_21, %dma_wait3A_205] : memref<5x2000xi32, #tpu.memory_space<vmem>> -> memref<1x2000xi32, #tpu.memory_space<vmem>>
      %dma_wait3A_207 = tpu.memref_squeeze %dma_wait3A_206 : memref<1x2000xi32, #tpu.memory_space<vmem>> -> memref<2000xi32, #tpu.memory_space<vmem>>
      %dma_wait3A_208 = tpu.memref_slice %arg2[%add3A_20] : memref<320000xi32, #tpu.memory_space<hbm>> -> memref<2000xi32, #tpu.memory_space<hbm>>
      %dma_wait3A_209 = arith.constant 0 : i32
      %dma_wait3A_210 = tpu.memref_slice %arg6[%run_scoped3A_21, %dma_wait3A_209] : memref<5x2000xi32, #tpu.memory_space<vmem>> -> memref<1x2000xi32, #tpu.memory_space<vmem>>
      %dma_wait3A_211 = tpu.memref_squeeze %dma_wait3A_210 : memref<1x2000xi32, #tpu.memory_space<vmem>> -> memref<2000xi32, #tpu.memory_space<vmem>>
      %dma_wait3A_212 = tpu.memref_slice %arg2[%add3A_20] : memref<320000xi32, #tpu.memory_space<hbm>> -> memref<2000xi32, #tpu.memory_space<hbm>>
      tpu.wait_dma2 semaphore(%run_scoped3A_196 : memref<!tpu.dma_semaphore, #tpu.memory_space<semaphore_mem>>) src(%dma_wait3A_212 : memref<2000xi32, #tpu.memory_space<hbm>>) dst(%dma_wait3A_211 : memref<2000xi32, #tpu.memory_space<vmem>>)
      tpu.yield
    }) : () -> ()
    %mul3A_22 = arith.constant 10000 : i32
    %mul3A_23 = arith.muli %add3A, %mul3A_22 : i32
    %add3A_24 = arith.constant 2000 : i32
    %add3A_25 = arith.addi %mul3A_23, %add3A_24 : i32
    %run_scoped3A_26 = arith.constant 1 : i32
    "tpu.region"() ({
      %run_scoped3A_196 = tpu.sem_alloc : memref<!tpu.dma_semaphore, #tpu.memory_space<semaphore_mem>>
      %dma_start3A_197 = arith.constant 0 : i32
      %dma_start3A_198 = tpu.memref_slice %arg7[%run_scoped3A_26, %dma_start3A_197] : memref<5x2000xi32, #tpu.memory_space<vmem>> -> memref<1x2000xi32, #tpu.memory_space<vmem>>
      %dma_start3A_199 = tpu.memref_squeeze %dma_start3A_198 : memref<1x2000xi32, #tpu.memory_space<vmem>> -> memref<2000xi32, #tpu.memory_space<vmem>>
      %dma_start3A_200 = tpu.memref_slice %arg3[%add3A_25] : memref<320000xi32, #tpu.memory_space<hbm>> -> memref<2000xi32, #tpu.memory_space<hbm>>
      %dma_start3A_201 = arith.constant 0 : i32
      %dma_start3A_202 = tpu.memref_slice %arg7[%run_scoped3A_26, %dma_start3A_201] : memref<5x2000xi32, #tpu.memory_space<vmem>> -> memref<1x2000xi32, #tpu.memory_space<vmem>>
      %dma_start3A_203 = tpu.memref_squeeze %dma_start3A_202 : memref<1x2000xi32, #tpu.memory_space<vmem>> -> memref<2000xi32, #tpu.memory_space<vmem>>
      %dma_start3A_204 = tpu.memref_slice %arg3[%add3A_25] : memref<320000xi32, #tpu.memory_space<hbm>> -> memref<2000xi32, #tpu.memory_space<hbm>>
      tpu.enqueue_dma source(%dma_start3A_204 : memref<2000xi32, #tpu.memory_space<hbm>>) target(%dma_start3A_203 : memref<2000xi32, #tpu.memory_space<vmem>>) target_semaphore(%run_scoped3A_196 : memref<!tpu.dma_semaphore, #tpu.memory_space<semaphore_mem>>)
      %dma_wait3A_205 = arith.constant 0 : i32
      %dma_wait3A_206 = tpu.memref_slice %arg7[%run_scoped3A_26, %dma_wait3A_205] : memref<5x2000xi32, #tpu.memory_space<vmem>> -> memref<1x2000xi32, #tpu.memory_space<vmem>>
      %dma_wait3A_207 = tpu.memref_squeeze %dma_wait3A_206 : memref<1x2000xi32, #tpu.memory_space<vmem>> -> memref<2000xi32, #tpu.memory_space<vmem>>
      %dma_wait3A_208 = tpu.memref_slice %arg3[%add3A_25] : memref<320000xi32, #tpu.memory_space<hbm>> -> memref<2000xi32, #tpu.memory_space<hbm>>
      %dma_wait3A_209 = arith.constant 0 : i32
      %dma_wait3A_210 = tpu.memref_slice %arg7[%run_scoped3A_26, %dma_wait3A_209] : memref<5x2000xi32, #tpu.memory_space<vmem>> -> memref<1x2000xi32, #tpu.memory_space<vmem>>
      %dma_wait3A_211 = tpu.memref_squeeze %dma_wait3A_210 : memref<1x2000xi32, #tpu.memory_space<vmem>> -> memref<2000xi32, #tpu.memory_space<vmem>>
      %dma_wait3A_212 = tpu.memref_slice %arg3[%add3A_25] : memref<320000xi32, #tpu.memory_space<hbm>> -> memref<2000xi32, #tpu.memory_space<hbm>>
      tpu.wait_dma2 semaphore(%run_scoped3A_196 : memref<!tpu.dma_semaphore, #tpu.memory_space<semaphore_mem>>) src(%dma_wait3A_212 : memref<2000xi32, #tpu.memory_space<hbm>>) dst(%dma_wait3A_211 : memref<2000xi32, #tpu.memory_space<vmem>>)
      tpu.yield
    }) : () -> ()
    %mul3A_27 = arith.constant 10000 : i32
    %mul3A_28 = arith.muli %add3A, %mul3A_27 : i32
    %add3A_29 = arith.constant 4000 : i32
    %add3A_30 = arith.addi %mul3A_28, %add3A_29 : i32
    %run_scoped3A_31 = arith.constant 2 : i32
    "tpu.region"() ({
      %run_scoped3A_196 = tpu.sem_alloc : memref<!tpu.dma_semaphore, #tpu.memory_space<semaphore_mem>>
      %dma_start3A_197 = arith.constant 0 : i32
      %dma_start3A_198 = tpu.memref_slice %arg6[%run_scoped3A_31, %dma_start3A_197] : memref<5x2000xi32, #tpu.memory_space<vmem>> -> memref<1x2000xi32, #tpu.memory_space<vmem>>
      %dma_start3A_199 = tpu.memref_squeeze %dma_start3A_198 : memref<1x2000xi32, #tpu.memory_space<vmem>> -> memref<2000xi32, #tpu.memory_space<vmem>>
      %dma_start3A_200 = tpu.memref_slice %arg2[%add3A_30] : memref<320000xi32, #tpu.memory_space<hbm>> -> memref<2000xi32, #tpu.memory_space<hbm>>
      %dma_start3A_201 = arith.constant 0 : i32
      %dma_start3A_202 = tpu.memref_slice %arg6[%run_scoped3A_31, %dma_start3A_201] : memref<5x2000xi32, #tpu.memory_space<vmem>> -> memref<1x2000xi32, #tpu.memory_space<vmem>>
      %dma_start3A_203 = tpu.memref_squeeze %dma_start3A_202 : memref<1x2000xi32, #tpu.memory_space<vmem>> -> memref<2000xi32, #tpu.memory_space<vmem>>
      %dma_start3A_204 = tpu.memref_slice %arg2[%add3A_30] : memref<320000xi32, #tpu.memory_space<hbm>> -> memref<2000xi32, #tpu.memory_space<hbm>>
      tpu.enqueue_dma source(%dma_start3A_204 : memref<2000xi32, #tpu.memory_space<hbm>>) target(%dma_start3A_203 : memref<2000xi32, #tpu.memory_space<vmem>>) target_semaphore(%run_scoped3A_196 : memref<!tpu.dma_semaphore, #tpu.memory_space<semaphore_mem>>)
      %dma_wait3A_205 = arith.constant 0 : i32
      %dma_wait3A_206 = tpu.memref_slice %arg6[%run_scoped3A_31, %dma_wait3A_205] : memref<5x2000xi32, #tpu.memory_space<vmem>> -> memref<1x2000xi32, #tpu.memory_space<vmem>>
      %dma_wait3A_207 = tpu.memref_squeeze %dma_wait3A_206 : memref<1x2000xi32, #tpu.memory_space<vmem>> -> memref<2000xi32, #tpu.memory_space<vmem>>
      %dma_wait3A_208 = tpu.memref_slice %arg2[%add3A_30] : memref<320000xi32, #tpu.memory_space<hbm>> -> memref<2000xi32, #tpu.memory_space<hbm>>
      %dma_wait3A_209 = arith.constant 0 : i32
      %dma_wait3A_210 = tpu.memref_slice %arg6[%run_scoped3A_31, %dma_wait3A_209] : memref<5x2000xi32, #tpu.memory_space<vmem>> -> memref<1x2000xi32, #tpu.memory_space<vmem>>
      %dma_wait3A_211 = tpu.memref_squeeze %dma_wait3A_210 : memref<1x2000xi32, #tpu.memory_space<vmem>> -> memref<2000xi32, #tpu.memory_space<vmem>>
      %dma_wait3A_212 = tpu.memref_slice %arg2[%add3A_30] : memref<320000xi32, #tpu.memory_space<hbm>> -> memref<2000xi32, #tpu.memory_space<hbm>>
      tpu.wait_dma2 semaphore(%run_scoped3A_196 : memref<!tpu.dma_semaphore, #tpu.memory_space<semaphore_mem>>) src(%dma_wait3A_212 : memref<2000xi32, #tpu.memory_space<hbm>>) dst(%dma_wait3A_211 : memref<2000xi32, #tpu.memory_space<vmem>>)
      tpu.yield
    }) : () -> ()
    %mul3A_32 = arith.constant 10000 : i32
    %mul3A_33 = arith.muli %add3A, %mul3A_32 : i32
    %add3A_34 = arith.constant 4000 : i32
    %add3A_35 = arith.addi %mul3A_33, %add3A_34 : i32
    %run_scoped3A_36 = arith.constant 2 : i32
    "tpu.region"() ({
      %run_scoped3A_196 = tpu.sem_alloc : memref<!tpu.dma_semaphore, #tpu.memory_space<semaphore_mem>>
      %dma_start3A_197 = arith.constant 0 : i32
      %dma_start3A_198 = tpu.memref_slice %arg7[%run_scoped3A_36, %dma_start3A_197] : memref<5x2000xi32, #tpu.memory_space<vmem>> -> memref<1x2000xi32, #tpu.memory_space<vmem>>
      %dma_start3A_199 = tpu.memref_squeeze %dma_start3A_198 : memref<1x2000xi32, #tpu.memory_space<vmem>> -> memref<2000xi32, #tpu.memory_space<vmem>>
      %dma_start3A_200 = tpu.memref_slice %arg3[%add3A_35] : memref<320000xi32, #tpu.memory_space<hbm>> -> memref<2000xi32, #tpu.memory_space<hbm>>
      %dma_start3A_201 = arith.constant 0 : i32
      %dma_start3A_202 = tpu.memref_slice %arg7[%run_scoped3A_36, %dma_start3A_201] : memref<5x2000xi32, #tpu.memory_space<vmem>> -> memref<1x2000xi32, #tpu.memory_space<vmem>>
      %dma_start3A_203 = tpu.memref_squeeze %dma_start3A_202 : memref<1x2000xi32, #tpu.memory_space<vmem>> -> memref<2000xi32, #tpu.memory_space<vmem>>
      %dma_start3A_204 = tpu.memref_slice %arg3[%add3A_35] : memref<320000xi32, #tpu.memory_space<hbm>> -> memref<2000xi32, #tpu.memory_space<hbm>>
      tpu.enqueue_dma source(%dma_start3A_204 : memref<2000xi32, #tpu.memory_space<hbm>>) target(%dma_start3A_203 : memref<2000xi32, #tpu.memory_space<vmem>>) target_semaphore(%run_scoped3A_196 : memref<!tpu.dma_semaphore, #tpu.memory_space<semaphore_mem>>)
      %dma_wait3A_205 = arith.constant 0 : i32
      %dma_wait3A_206 = tpu.memref_slice %arg7[%run_scoped3A_36, %dma_wait3A_205] : memref<5x2000xi32, #tpu.memory_space<vmem>> -> memref<1x2000xi32, #tpu.memory_space<vmem>>
      %dma_wait3A_207 = tpu.memref_squeeze %dma_wait3A_206 : memref<1x2000xi32, #tpu.memory_space<vmem>> -> memref<2000xi32, #tpu.memory_space<vmem>>
      %dma_wait3A_208 = tpu.memref_slice %arg3[%add3A_35] : memref<320000xi32, #tpu.memory_space<hbm>> -> memref<2000xi32, #tpu.memory_space<hbm>>
      %dma_wait3A_209 = arith.constant 0 : i32
      %dma_wait3A_210 = tpu.memref_slice %arg7[%run_scoped3A_36, %dma_wait3A_209] : memref<5x2000xi32, #tpu.memory_space<vmem>> -> memref<1x2000xi32, #tpu.memory_space<vmem>>
      %dma_wait3A_211 = tpu.memref_squeeze %dma_wait3A_210 : memref<1x2000xi32, #tpu.memory_space<vmem>> -> memref<2000xi32, #tpu.memory_space<vmem>>
      %dma_wait3A_212 = tpu.memref_slice %arg3[%add3A_35] : memref<320000xi32, #tpu.memory_space<hbm>> -> memref<2000xi32, #tpu.memory_space<hbm>>
      tpu.wait_dma2 semaphore(%run_scoped3A_196 : memref<!tpu.dma_semaphore, #tpu.memory_space<semaphore_mem>>) src(%dma_wait3A_212 : memref<2000xi32, #tpu.memory_space<hbm>>) dst(%dma_wait3A_211 : memref<2000xi32, #tpu.memory_space<vmem>>)
      tpu.yield
    }) : () -> ()
    %mul3A_37 = arith.constant 10000 : i32
    %mul3A_38 = arith.muli %add3A, %mul3A_37 : i32
    %add3A_39 = arith.constant 6000 : i32
    %add3A_40 = arith.addi %mul3A_38, %add3A_39 : i32
    %run_scoped3A_41 = arith.constant 3 : i32
    "tpu.region"() ({
      %run_scoped3A_196 = tpu.sem_alloc : memref<!tpu.dma_semaphore, #tpu.memory_space<semaphore_mem>>
      %dma_start3A_197 = arith.constant 0 : i32
      %dma_start3A_198 = tpu.memref_slice %arg6[%run_scoped3A_41, %dma_start3A_197] : memref<5x2000xi32, #tpu.memory_space<vmem>> -> memref<1x2000xi32, #tpu.memory_space<vmem>>
      %dma_start3A_199 = tpu.memref_squeeze %dma_start3A_198 : memref<1x2000xi32, #tpu.memory_space<vmem>> -> memref<2000xi32, #tpu.memory_space<vmem>>
      %dma_start3A_200 = tpu.memref_slice %arg2[%add3A_40] : memref<320000xi32, #tpu.memory_space<hbm>> -> memref<2000xi32, #tpu.memory_space<hbm>>
      %dma_start3A_201 = arith.constant 0 : i32
      %dma_start3A_202 = tpu.memref_slice %arg6[%run_scoped3A_41, %dma_start3A_201] : memref<5x2000xi32, #tpu.memory_space<vmem>> -> memref<1x2000xi32, #tpu.memory_space<vmem>>
      %dma_start3A_203 = tpu.memref_squeeze %dma_start3A_202 : memref<1x2000xi32, #tpu.memory_space<vmem>> -> memref<2000xi32, #tpu.memory_space<vmem>>
      %dma_start3A_204 = tpu.memref_slice %arg2[%add3A_40] : memref<320000xi32, #tpu.memory_space<hbm>> -> memref<2000xi32, #tpu.memory_space<hbm>>
      tpu.enqueue_dma source(%dma_start3A_204 : memref<2000xi32, #tpu.memory_space<hbm>>) target(%dma_start3A_203 : memref<2000xi32, #tpu.memory_space<vmem>>) target_semaphore(%run_scoped3A_196 : memref<!tpu.dma_semaphore, #tpu.memory_space<semaphore_mem>>)
      %dma_wait3A_205 = arith.constant 0 : i32
      %dma_wait3A_206 = tpu.memref_slice %arg6[%run_scoped3A_41, %dma_wait3A_205] : memref<5x2000xi32, #tpu.memory_space<vmem>> -> memref<1x2000xi32, #tpu.memory_space<vmem>>
      %dma_wait3A_207 = tpu.memref_squeeze %dma_wait3A_206 : memref<1x2000xi32, #tpu.memory_space<vmem>> -> memref<2000xi32, #tpu.memory_space<vmem>>
      %dma_wait3A_208 = tpu.memref_slice %arg2[%add3A_40] : memref<320000xi32, #tpu.memory_space<hbm>> -> memref<2000xi32, #tpu.memory_space<hbm>>
      %dma_wait3A_209 = arith.constant 0 : i32
      %dma_wait3A_210 = tpu.memref_slice %arg6[%run_scoped3A_41, %dma_wait3A_209] : memref<5x2000xi32, #tpu.memory_space<vmem>> -> memref<1x2000xi32, #tpu.memory_space<vmem>>
      %dma_wait3A_211 = tpu.memref_squeeze %dma_wait3A_210 : memref<1x2000xi32, #tpu.memory_space<vmem>> -> memref<2000xi32, #tpu.memory_space<vmem>>
      %dma_wait3A_212 = tpu.memref_slice %arg2[%add3A_40] : memref<320000xi32, #tpu.memory_space<hbm>> -> memref<2000xi32, #tpu.memory_space<hbm>>
      tpu.wait_dma2 semaphore(%run_scoped3A_196 : memref<!tpu.dma_semaphore, #tpu.memory_space<semaphore_mem>>) src(%dma_wait3A_212 : memref<2000xi32, #tpu.memory_space<hbm>>) dst(%dma_wait3A_211 : memref<2000xi32, #tpu.memory_space<vmem>>)
      tpu.yield
    }) : () -> ()
    %mul3A_42 = arith.constant 10000 : i32
    %mul3A_43 = arith.muli %add3A, %mul3A_42 : i32
    %add3A_44 = arith.constant 6000 : i32
    %add3A_45 = arith.addi %mul3A_43, %add3A_44 : i32
    %run_scoped3A_46 = arith.constant 3 : i32
    "tpu.region"() ({
      %run_scoped3A_196 = tpu.sem_alloc : memref<!tpu.dma_semaphore, #tpu.memory_space<semaphore_mem>>
      %dma_start3A_197 = arith.constant 0 : i32
      %dma_start3A_198 = tpu.memref_slice %arg7[%run_scoped3A_46, %dma_start3A_197] : memref<5x2000xi32, #tpu.memory_space<vmem>> -> memref<1x2000xi32, #tpu.memory_space<vmem>>
      %dma_start3A_199 = tpu.memref_squeeze %dma_start3A_198 : memref<1x2000xi32, #tpu.memory_space<vmem>> -> memref<2000xi32, #tpu.memory_space<vmem>>
      %dma_start3A_200 = tpu.memref_slice %arg3[%add3A_45] : memref<320000xi32, #tpu.memory_space<hbm>> -> memref<2000xi32, #tpu.memory_space<hbm>>
      %dma_start3A_201 = arith.constant 0 : i32
      %dma_start3A_202 = tpu.memref_slice %arg7[%run_scoped3A_46, %dma_start3A_201] : memref<5x2000xi32, #tpu.memory_space<vmem>> -> memref<1x2000xi32, #tpu.memory_space<vmem>>
      %dma_start3A_203 = tpu.memref_squeeze %dma_start3A_202 : memref<1x2000xi32, #tpu.memory_space<vmem>> -> memref<2000xi32, #tpu.memory_space<vmem>>
      %dma_start3A_204 = tpu.memref_slice %arg3[%add3A_45] : memref<320000xi32, #tpu.memory_space<hbm>> -> memref<2000xi32, #tpu.memory_space<hbm>>
      tpu.enqueue_dma source(%dma_start3A_204 : memref<2000xi32, #tpu.memory_space<hbm>>) target(%dma_start3A_203 : memref<2000xi32, #tpu.memory_space<vmem>>) target_semaphore(%run_scoped3A_196 : memref<!tpu.dma_semaphore, #tpu.memory_space<semaphore_mem>>)
      %dma_wait3A_205 = arith.constant 0 : i32
      %dma_wait3A_206 = tpu.memref_slice %arg7[%run_scoped3A_46, %dma_wait3A_205] : memref<5x2000xi32, #tpu.memory_space<vmem>> -> memref<1x2000xi32, #tpu.memory_space<vmem>>
      %dma_wait3A_207 = tpu.memref_squeeze %dma_wait3A_206 : memref<1x2000xi32, #tpu.memory_space<vmem>> -> memref<2000xi32, #tpu.memory_space<vmem>>
      %dma_wait3A_208 = tpu.memref_slice %arg3[%add3A_45] : memref<320000xi32, #tpu.memory_space<hbm>> -> memref<2000xi32, #tpu.memory_space<hbm>>
      %dma_wait3A_209 = arith.constant 0 : i32
      %dma_wait3A_210 = tpu.memref_slice %arg7[%run_scoped3A_46, %dma_wait3A_209] : memref<5x2000xi32, #tpu.memory_space<vmem>> -> memref<1x2000xi32, #tpu.memory_space<vmem>>
      %dma_wait3A_211 = tpu.memref_squeeze %dma_wait3A_210 : memref<1x2000xi32, #tpu.memory_space<vmem>> -> memref<2000xi32, #tpu.memory_space<vmem>>
      %dma_wait3A_212 = tpu.memref_slice %arg3[%add3A_45] : memref<320000xi32, #tpu.memory_space<hbm>> -> memref<2000xi32, #tpu.memory_space<hbm>>
      tpu.wait_dma2 semaphore(%run_scoped3A_196 : memref<!tpu.dma_semaphore, #tpu.memory_space<semaphore_mem>>) src(%dma_wait3A_212 : memref<2000xi32, #tpu.memory_space<hbm>>) dst(%dma_wait3A_211 : memref<2000xi32, #tpu.memory_space<vmem>>)
      tpu.yield
    }) : () -> ()
    %mul3A_47 = arith.constant 10000 : i32
    %mul3A_48 = arith.muli %add3A, %mul3A_47 : i32
    %add3A_49 = arith.constant 8000 : i32
    %add3A_50 = arith.addi %mul3A_48, %add3A_49 : i32
    %run_scoped3A_51 = arith.constant 4 : i32
    "tpu.region"() ({
      %run_scoped3A_196 = tpu.sem_alloc : memref<!tpu.dma_semaphore, #tpu.memory_space<semaphore_mem>>
      %dma_start3A_197 = arith.constant 0 : i32
      %dma_start3A_198 = tpu.memref_slice %arg6[%run_scoped3A_51, %dma_start3A_197] : memref<5x2000xi32, #tpu.memory_space<vmem>> -> memref<1x2000xi32, #tpu.memory_space<vmem>>
      %dma_start3A_199 = tpu.memref_squeeze %dma_start3A_198 : memref<1x2000xi32, #tpu.memory_space<vmem>> -> memref<2000xi32, #tpu.memory_space<vmem>>
      %dma_start3A_200 = tpu.memref_slice %arg2[%add3A_50] : memref<320000xi32, #tpu.memory_space<hbm>> -> memref<2000xi32, #tpu.memory_space<hbm>>
      %dma_start3A_201 = arith.constant 0 : i32
      %dma_start3A_202 = tpu.memref_slice %arg6[%run_scoped3A_51, %dma_start3A_201] : memref<5x2000xi32, #tpu.memory_space<vmem>> -> memref<1x2000xi32, #tpu.memory_space<vmem>>
      %dma_start3A_203 = tpu.memref_squeeze %dma_start3A_202 : memref<1x2000xi32, #tpu.memory_space<vmem>> -> memref<2000xi32, #tpu.memory_space<vmem>>
      %dma_start3A_204 = tpu.memref_slice %arg2[%add3A_50] : memref<320000xi32, #tpu.memory_space<hbm>> -> memref<2000xi32, #tpu.memory_space<hbm>>
      tpu.enqueue_dma source(%dma_start3A_204 : memref<2000xi32, #tpu.memory_space<hbm>>) target(%dma_start3A_203 : memref<2000xi32, #tpu.memory_space<vmem>>) target_semaphore(%run_scoped3A_196 : memref<!tpu.dma_semaphore, #tpu.memory_space<semaphore_mem>>)
      %dma_wait3A_205 = arith.constant 0 : i32
      %dma_wait3A_206 = tpu.memref_slice %arg6[%run_scoped3A_51, %dma_wait3A_205] : memref<5x2000xi32, #tpu.memory_space<vmem>> -> memref<1x2000xi32, #tpu.memory_space<vmem>>
      %dma_wait3A_207 = tpu.memref_squeeze %dma_wait3A_206 : memref<1x2000xi32, #tpu.memory_space<vmem>> -> memref<2000xi32, #tpu.memory_space<vmem>>
      %dma_wait3A_208 = tpu.memref_slice %arg2[%add3A_50] : memref<320000xi32, #tpu.memory_space<hbm>> -> memref<2000xi32, #tpu.memory_space<hbm>>
      %dma_wait3A_209 = arith.constant 0 : i32
      %dma_wait3A_210 = tpu.memref_slice %arg6[%run_scoped3A_51, %dma_wait3A_209] : memref<5x2000xi32, #tpu.memory_space<vmem>> -> memref<1x2000xi32, #tpu.memory_space<vmem>>
      %dma_wait3A_211 = tpu.memref_squeeze %dma_wait3A_210 : memref<1x2000xi32, #tpu.memory_space<vmem>> -> memref<2000xi32, #tpu.memory_space<vmem>>
      %dma_wait3A_212 = tpu.memref_slice %arg2[%add3A_50] : memref<320000xi32, #tpu.memory_space<hbm>> -> memref<2000xi32, #tpu.memory_space<hbm>>
      tpu.wait_dma2 semaphore(%run_scoped3A_196 : memref<!tpu.dma_semaphore, #tpu.memory_space<semaphore_mem>>) src(%dma_wait3A_212 : memref<2000xi32, #tpu.memory_space<hbm>>) dst(%dma_wait3A_211 : memref<2000xi32, #tpu.memory_space<vmem>>)
      tpu.yield
    }) : () -> ()
    %mul3A_52 = arith.constant 10000 : i32
    %mul3A_53 = arith.muli %add3A, %mul3A_52 : i32
    %add3A_54 = arith.constant 8000 : i32
    %add3A_55 = arith.addi %mul3A_53, %add3A_54 : i32
    %run_scoped3A_56 = arith.constant 4 : i32
    "tpu.region"() ({
      %run_scoped3A_196 = tpu.sem_alloc : memref<!tpu.dma_semaphore, #tpu.memory_space<semaphore_mem>>
      %dma_start3A_197 = arith.constant 0 : i32
      %dma_start3A_198 = tpu.memref_slice %arg7[%run_scoped3A_56, %dma_start3A_197] : memref<5x2000xi32, #tpu.memory_space<vmem>> -> memref<1x2000xi32, #tpu.memory_space<vmem>>
      %dma_start3A_199 = tpu.memref_squeeze %dma_start3A_198 : memref<1x2000xi32, #tpu.memory_space<vmem>> -> memref<2000xi32, #tpu.memory_space<vmem>>
      %dma_start3A_200 = tpu.memref_slice %arg3[%add3A_55] : memref<320000xi32, #tpu.memory_space<hbm>> -> memref<2000xi32, #tpu.memory_space<hbm>>
      %dma_start3A_201 = arith.constant 0 : i32
      %dma_start3A_202 = tpu.memref_slice %arg7[%run_scoped3A_56, %dma_start3A_201] : memref<5x2000xi32, #tpu.memory_space<vmem>> -> memref<1x2000xi32, #tpu.memory_space<vmem>>
      %dma_start3A_203 = tpu.memref_squeeze %dma_start3A_202 : memref<1x2000xi32, #tpu.memory_space<vmem>> -> memref<2000xi32, #tpu.memory_space<vmem>>
      %dma_start3A_204 = tpu.memref_slice %arg3[%add3A_55] : memref<320000xi32, #tpu.memory_space<hbm>> -> memref<2000xi32, #tpu.memory_space<hbm>>
      tpu.enqueue_dma source(%dma_start3A_204 : memref<2000xi32, #tpu.memory_space<hbm>>) target(%dma_start3A_203 : memref<2000xi32, #tpu.memory_space<vmem>>) target_semaphore(%run_scoped3A_196 : memref<!tpu.dma_semaphore, #tpu.memory_space<semaphore_mem>>)
      %dma_wait3A_205 = arith.constant 0 : i32
      %dma_wait3A_206 = tpu.memref_slice %arg7[%run_scoped3A_56, %dma_wait3A_205] : memref<5x2000xi32, #tpu.memory_space<vmem>> -> memref<1x2000xi32, #tpu.memory_space<vmem>>
      %dma_wait3A_207 = tpu.memref_squeeze %dma_wait3A_206 : memref<1x2000xi32, #tpu.memory_space<vmem>> -> memref<2000xi32, #tpu.memory_space<vmem>>
      %dma_wait3A_208 = tpu.memref_slice %arg3[%add3A_55] : memref<320000xi32, #tpu.memory_space<hbm>> -> memref<2000xi32, #tpu.memory_space<hbm>>
      %dma_wait3A_209 = arith.constant 0 : i32
      %dma_wait3A_210 = tpu.memref_slice %arg7[%run_scoped3A_56, %dma_wait3A_209] : memref<5x2000xi32, #tpu.memory_space<vmem>> -> memref<1x2000xi32, #tpu.memory_space<vmem>>
      %dma_wait3A_211 = tpu.memref_squeeze %dma_wait3A_210 : memref<1x2000xi32, #tpu.memory_space<vmem>> -> memref<2000xi32, #tpu.memory_space<vmem>>
      %dma_wait3A_212 = tpu.memref_slice %arg3[%add3A_55] : memref<320000xi32, #tpu.memory_space<hbm>> -> memref<2000xi32, #tpu.memory_space<hbm>>
      tpu.wait_dma2 semaphore(%run_scoped3A_196 : memref<!tpu.dma_semaphore, #tpu.memory_space<semaphore_mem>>) src(%dma_wait3A_212 : memref<2000xi32, #tpu.memory_space<hbm>>) dst(%dma_wait3A_211 : memref<2000xi32, #tpu.memory_space<vmem>>)
      tpu.yield
    }) : () -> ()
    %barrier3A = arith.constant 0 : index
    tpu.barrier barrier_id(%barrier3A)
    %dma_start3A = arith.constant 0 : i32
    %dma_start3A_57 = arith.constant 0 : i32
    %dma_start3A_58 = tpu.memref_slice %arg6[%dma_start3A, %dma_start3A_57] : memref<5x2000xi32, #tpu.memory_space<vmem>> -> memref<1x2000xi32, #tpu.memory_space<vmem>>
    %dma_start3A_59 = tpu.memref_squeeze %dma_start3A_58 : memref<1x2000xi32, #tpu.memory_space<vmem>> -> memref<2000xi32, #tpu.memory_space<vmem>>
    %dma_start3A_60 = arith.constant 0 : i32
    %dma_start3A_61 = arith.constant 0 : i32
    %dma_start3A_62 = tpu.memref_slice %arg4[%dma_start3A_60, %dma_start3A_61] : memref<10000x16xf32, #tpu.memory_space<hbm>> -> memref<10000x16xf32, #tpu.memory_space<hbm>>
    tpu.enqueue_indirect_dma source(%dma_start3A_62 : memref<10000x16xf32, #tpu.memory_space<hbm>>) target(%arg8 : memref<2000x16xf32, #tpu.memory_space<vmem>>) offsets(%dma_start3A_59 : memref<2000xi32, #tpu.memory_space<vmem>>) semaphore(%arg12 : memref<!tpu.dma_semaphore, #tpu.memory_space<semaphore_mem>>)
    %dma_start3A_63 = arith.constant 1 : i32
    %dma_start3A_64 = arith.constant 0 : i32
    %dma_start3A_65 = tpu.memref_slice %arg6[%dma_start3A_63, %dma_start3A_64] : memref<5x2000xi32, #tpu.memory_space<vmem>> -> memref<1x2000xi32, #tpu.memory_space<vmem>>
    %dma_start3A_66 = tpu.memref_squeeze %dma_start3A_65 : memref<1x2000xi32, #tpu.memory_space<vmem>> -> memref<2000xi32, #tpu.memory_space<vmem>>
    %dma_start3A_67 = arith.constant 0 : i32
    %dma_start3A_68 = arith.constant 0 : i32
    %dma_start3A_69 = tpu.memref_slice %arg4[%dma_start3A_67, %dma_start3A_68] : memref<10000x16xf32, #tpu.memory_space<hbm>> -> memref<10000x16xf32, #tpu.memory_space<hbm>>
    tpu.enqueue_indirect_dma source(%dma_start3A_69 : memref<10000x16xf32, #tpu.memory_space<hbm>>) target(%arg9 : memref<2000x16xf32, #tpu.memory_space<vmem>>) offsets(%dma_start3A_66 : memref<2000xi32, #tpu.memory_space<vmem>>) semaphore(%arg13 : memref<!tpu.dma_semaphore, #tpu.memory_space<semaphore_mem>>)
    %dma_wait3A = arith.constant 0 : i32
    %dma_wait3A_70 = arith.constant 0 : i32
    %dma_wait3A_71 = tpu.memref_slice %arg6[%dma_wait3A, %dma_wait3A_70] : memref<5x2000xi32, #tpu.memory_space<vmem>> -> memref<1x2000xi32, #tpu.memory_space<vmem>>
    %dma_wait3A_72 = tpu.memref_squeeze %dma_wait3A_71 : memref<1x2000xi32, #tpu.memory_space<vmem>> -> memref<2000xi32, #tpu.memory_space<vmem>>
    %dma_wait3A_73 = arith.constant 0 : i32
    %dma_wait3A_74 = arith.constant 0 : i32
    %dma_wait3A_75 = tpu.memref_slice %arg4[%dma_wait3A_73, %dma_wait3A_74] : memref<10000x16xf32, #tpu.memory_space<hbm>> -> memref<10000x16xf32, #tpu.memory_space<hbm>>
    tpu.wait_indirect_dma semaphore(%arg12 : memref<!tpu.dma_semaphore, #tpu.memory_space<semaphore_mem>>) src(%dma_wait3A_75 : memref<10000x16xf32, #tpu.memory_space<hbm>>) dst(%arg8 : memref<2000x16xf32, #tpu.memory_space<vmem>>)
    %dma_start3A_76 = arith.constant 0 : i32
    %dma_start3A_77 = arith.constant 0 : i32
    %dma_start3A_78 = tpu.memref_slice %arg7[%dma_start3A_76, %dma_start3A_77] : memref<5x2000xi32, #tpu.memory_space<vmem>> -> memref<1x2000xi32, #tpu.memory_space<vmem>>
    %dma_start3A_79 = tpu.memref_squeeze %dma_start3A_78 : memref<1x2000xi32, #tpu.memory_space<vmem>> -> memref<2000xi32, #tpu.memory_space<vmem>>
    %dma_start3A_80 = arith.constant 0 : i32
    %dma_start3A_81 = arith.constant 0 : i32
    %dma_start3A_82 = tpu.memref_slice %arg11[%dma_start3A_80, %dma_start3A_81] : memref<10240x16xf32, #tpu.memory_space<vmem_shared>> -> memref<10240x16xf32, #tpu.memory_space<vmem_shared>>
    tpu.enqueue_indirect_dma source(%arg8 : memref<2000x16xf32, #tpu.memory_space<vmem>>) target(%dma_start3A_82 : memref<10240x16xf32, #tpu.memory_space<vmem_shared>>) offsets(%dma_start3A_79 : memref<2000xi32, #tpu.memory_space<vmem>>) semaphore(%arg14 : memref<!tpu.dma_semaphore, #tpu.memory_space<semaphore_mem>>) {add = true}
    %dma_wait3A_83 = arith.constant 0 : i32
    %dma_wait3A_84 = arith.constant 0 : i32
    %dma_wait3A_85 = tpu.memref_slice %arg7[%dma_wait3A_83, %dma_wait3A_84] : memref<5x2000xi32, #tpu.memory_space<vmem>> -> memref<1x2000xi32, #tpu.memory_space<vmem>>
    %dma_wait3A_86 = tpu.memref_squeeze %dma_wait3A_85 : memref<1x2000xi32, #tpu.memory_space<vmem>> -> memref<2000xi32, #tpu.memory_space<vmem>>
    %dma_wait3A_87 = arith.constant 0 : i32
    %dma_wait3A_88 = arith.constant 0 : i32
    %dma_wait3A_89 = tpu.memref_slice %arg11[%dma_wait3A_87, %dma_wait3A_88] : memref<10240x16xf32, #tpu.memory_space<vmem_shared>> -> memref<10240x16xf32, #tpu.memory_space<vmem_shared>>
    tpu.wait_indirect_dma semaphore(%arg14 : memref<!tpu.dma_semaphore, #tpu.memory_space<semaphore_mem>>) src(%arg8 : memref<2000x16xf32, #tpu.memory_space<vmem>>) dst(%dma_wait3A_89 : memref<10240x16xf32, #tpu.memory_space<vmem_shared>>)
    %dma_start3A_90 = arith.constant 2 : i32
    %dma_start3A_91 = arith.constant 0 : i32
    %dma_start3A_92 = tpu.memref_slice %arg6[%dma_start3A_90, %dma_start3A_91] : memref<5x2000xi32, #tpu.memory_space<vmem>> -> memref<1x2000xi32, #tpu.memory_space<vmem>>
    %dma_start3A_93 = tpu.memref_squeeze %dma_start3A_92 : memref<1x2000xi32, #tpu.memory_space<vmem>> -> memref<2000xi32, #tpu.memory_space<vmem>>
    %dma_start3A_94 = arith.constant 0 : i32
    %dma_start3A_95 = arith.constant 0 : i32
    %dma_start3A_96 = tpu.memref_slice %arg4[%dma_start3A_94, %dma_start3A_95] : memref<10000x16xf32, #tpu.memory_space<hbm>> -> memref<10000x16xf32, #tpu.memory_space<hbm>>
    tpu.enqueue_indirect_dma source(%dma_start3A_96 : memref<10000x16xf32, #tpu.memory_space<hbm>>) target(%arg8 : memref<2000x16xf32, #tpu.memory_space<vmem>>) offsets(%dma_start3A_93 : memref<2000xi32, #tpu.memory_space<vmem>>) semaphore(%arg12 : memref<!tpu.dma_semaphore, #tpu.memory_space<semaphore_mem>>)
    %dma_wait3A_97 = arith.constant 1 : i32
    %dma_wait3A_98 = arith.constant 0 : i32
    %dma_wait3A_99 = tpu.memref_slice %arg6[%dma_wait3A_97, %dma_wait3A_98] : memref<5x2000xi32, #tpu.memory_space<vmem>> -> memref<1x2000xi32, #tpu.memory_space<vmem>>
    %dma_wait3A_100 = tpu.memref_squeeze %dma_wait3A_99 : memref<1x2000xi32, #tpu.memory_space<vmem>> -> memref<2000xi32, #tpu.memory_space<vmem>>
    %dma_wait3A_101 = arith.constant 0 : i32
    %dma_wait3A_102 = arith.constant 0 : i32
    %dma_wait3A_103 = tpu.memref_slice %arg4[%dma_wait3A_101, %dma_wait3A_102] : memref<10000x16xf32, #tpu.memory_space<hbm>> -> memref<10000x16xf32, #tpu.memory_space<hbm>>
    tpu.wait_indirect_dma semaphore(%arg13 : memref<!tpu.dma_semaphore, #tpu.memory_space<semaphore_mem>>) src(%dma_wait3A_103 : memref<10000x16xf32, #tpu.memory_space<hbm>>) dst(%arg9 : memref<2000x16xf32, #tpu.memory_space<vmem>>)
    %dma_start3A_104 = arith.constant 1 : i32
    %dma_start3A_105 = arith.constant 0 : i32
    %dma_start3A_106 = tpu.memref_slice %arg7[%dma_start3A_104, %dma_start3A_105] : memref<5x2000xi32, #tpu.memory_space<vmem>> -> memref<1x2000xi32, #tpu.memory_space<vmem>>
    %dma_start3A_107 = tpu.memref_squeeze %dma_start3A_106 : memref<1x2000xi32, #tpu.memory_space<vmem>> -> memref<2000xi32, #tpu.memory_space<vmem>>
    %dma_start3A_108 = arith.constant 0 : i32
    %dma_start3A_109 = arith.constant 0 : i32
    %dma_start3A_110 = tpu.memref_slice %arg11[%dma_start3A_108, %dma_start3A_109] : memref<10240x16xf32, #tpu.memory_space<vmem_shared>> -> memref<10240x16xf32, #tpu.memory_space<vmem_shared>>
    tpu.enqueue_indirect_dma source(%arg9 : memref<2000x16xf32, #tpu.memory_space<vmem>>) target(%dma_start3A_110 : memref<10240x16xf32, #tpu.memory_space<vmem_shared>>) offsets(%dma_start3A_107 : memref<2000xi32, #tpu.memory_space<vmem>>) semaphore(%arg15 : memref<!tpu.dma_semaphore, #tpu.memory_space<semaphore_mem>>) {add = true}
    %dma_wait3A_111 = arith.constant 1 : i32
    %dma_wait3A_112 = arith.constant 0 : i32
    %dma_wait3A_113 = tpu.memref_slice %arg7[%dma_wait3A_111, %dma_wait3A_112] : memref<5x2000xi32, #tpu.memory_space<vmem>> -> memref<1x2000xi32, #tpu.memory_space<vmem>>
    %dma_wait3A_114 = tpu.memref_squeeze %dma_wait3A_113 : memref<1x2000xi32, #tpu.memory_space<vmem>> -> memref<2000xi32, #tpu.memory_space<vmem>>
    %dma_wait3A_115 = arith.constant 0 : i32
    %dma_wait3A_116 = arith.constant 0 : i32
    %dma_wait3A_117 = tpu.memref_slice %arg11[%dma_wait3A_115, %dma_wait3A_116] : memref<10240x16xf32, #tpu.memory_space<vmem_shared>> -> memref<10240x16xf32, #tpu.memory_space<vmem_shared>>
    tpu.wait_indirect_dma semaphore(%arg15 : memref<!tpu.dma_semaphore, #tpu.memory_space<semaphore_mem>>) src(%arg9 : memref<2000x16xf32, #tpu.memory_space<vmem>>) dst(%dma_wait3A_117 : memref<10240x16xf32, #tpu.memory_space<vmem_shared>>)
    %dma_start3A_118 = arith.constant 3 : i32
    %dma_start3A_119 = arith.constant 0 : i32
    %dma_start3A_120 = tpu.memref_slice %arg6[%dma_start3A_118, %dma_start3A_119] : memref<5x2000xi32, #tpu.memory_space<vmem>> -> memref<1x2000xi32, #tpu.memory_space<vmem>>
    %dma_start3A_121 = tpu.memref_squeeze %dma_start3A_120 : memref<1x2000xi32, #tpu.memory_space<vmem>> -> memref<2000xi32, #tpu.memory_space<vmem>>
    %dma_start3A_122 = arith.constant 0 : i32
    %dma_start3A_123 = arith.constant 0 : i32
    %dma_start3A_124 = tpu.memref_slice %arg4[%dma_start3A_122, %dma_start3A_123] : memref<10000x16xf32, #tpu.memory_space<hbm>> -> memref<10000x16xf32, #tpu.memory_space<hbm>>
    tpu.enqueue_indirect_dma source(%dma_start3A_124 : memref<10000x16xf32, #tpu.memory_space<hbm>>) target(%arg9 : memref<2000x16xf32, #tpu.memory_space<vmem>>) offsets(%dma_start3A_121 : memref<2000xi32, #tpu.memory_space<vmem>>) semaphore(%arg13 : memref<!tpu.dma_semaphore, #tpu.memory_space<semaphore_mem>>)
    %dma_wait3A_125 = arith.constant 2 : i32
    %dma_wait3A_126 = arith.constant 0 : i32
    %dma_wait3A_127 = tpu.memref_slice %arg6[%dma_wait3A_125, %dma_wait3A_126] : memref<5x2000xi32, #tpu.memory_space<vmem>> -> memref<1x2000xi32, #tpu.memory_space<vmem>>
    %dma_wait3A_128 = tpu.memref_squeeze %dma_wait3A_127 : memref<1x2000xi32, #tpu.memory_space<vmem>> -> memref<2000xi32, #tpu.memory_space<vmem>>
    %dma_wait3A_129 = arith.constant 0 : i32
    %dma_wait3A_130 = arith.constant 0 : i32
    %dma_wait3A_131 = tpu.memref_slice %arg4[%dma_wait3A_129, %dma_wait3A_130] : memref<10000x16xf32, #tpu.memory_space<hbm>> -> memref<10000x16xf32, #tpu.memory_space<hbm>>
    tpu.wait_indirect_dma semaphore(%arg12 : memref<!tpu.dma_semaphore, #tpu.memory_space<semaphore_mem>>) src(%dma_wait3A_131 : memref<10000x16xf32, #tpu.memory_space<hbm>>) dst(%arg8 : memref<2000x16xf32, #tpu.memory_space<vmem>>)
    %dma_start3A_132 = arith.constant 2 : i32
    %dma_start3A_133 = arith.constant 0 : i32
    %dma_start3A_134 = tpu.memref_slice %arg7[%dma_start3A_132, %dma_start3A_133] : memref<5x2000xi32, #tpu.memory_space<vmem>> -> memref<1x2000xi32, #tpu.memory_space<vmem>>
    %dma_start3A_135 = tpu.memref_squeeze %dma_start3A_134 : memref<1x2000xi32, #tpu.memory_space<vmem>> -> memref<2000xi32, #tpu.memory_space<vmem>>
    %dma_start3A_136 = arith.constant 0 : i32
    %dma_start3A_137 = arith.constant 0 : i32
    %dma_start3A_138 = tpu.memref_slice %arg11[%dma_start3A_136, %dma_start3A_137] : memref<10240x16xf32, #tpu.memory_space<vmem_shared>> -> memref<10240x16xf32, #tpu.memory_space<vmem_shared>>
    tpu.enqueue_indirect_dma source(%arg8 : memref<2000x16xf32, #tpu.memory_space<vmem>>) target(%dma_start3A_138 : memref<10240x16xf32, #tpu.memory_space<vmem_shared>>) offsets(%dma_start3A_135 : memref<2000xi32, #tpu.memory_space<vmem>>) semaphore(%arg14 : memref<!tpu.dma_semaphore, #tpu.memory_space<semaphore_mem>>) {add = true}
    %dma_wait3A_139 = arith.constant 2 : i32
    %dma_wait3A_140 = arith.constant 0 : i32
    %dma_wait3A_141 = tpu.memref_slice %arg7[%dma_wait3A_139, %dma_wait3A_140] : memref<5x2000xi32, #tpu.memory_space<vmem>> -> memref<1x2000xi32, #tpu.memory_space<vmem>>
    %dma_wait3A_142 = tpu.memref_squeeze %dma_wait3A_141 : memref<1x2000xi32, #tpu.memory_space<vmem>> -> memref<2000xi32, #tpu.memory_space<vmem>>
    %dma_wait3A_143 = arith.constant 0 : i32
    %dma_wait3A_144 = arith.constant 0 : i32
    %dma_wait3A_145 = tpu.memref_slice %arg11[%dma_wait3A_143, %dma_wait3A_144] : memref<10240x16xf32, #tpu.memory_space<vmem_shared>> -> memref<10240x16xf32, #tpu.memory_space<vmem_shared>>
    tpu.wait_indirect_dma semaphore(%arg14 : memref<!tpu.dma_semaphore, #tpu.memory_space<semaphore_mem>>) src(%arg8 : memref<2000x16xf32, #tpu.memory_space<vmem>>) dst(%dma_wait3A_145 : memref<10240x16xf32, #tpu.memory_space<vmem_shared>>)
    %dma_start3A_146 = arith.constant 4 : i32
    %dma_start3A_147 = arith.constant 0 : i32
    %dma_start3A_148 = tpu.memref_slice %arg6[%dma_start3A_146, %dma_start3A_147] : memref<5x2000xi32, #tpu.memory_space<vmem>> -> memref<1x2000xi32, #tpu.memory_space<vmem>>
    %dma_start3A_149 = tpu.memref_squeeze %dma_start3A_148 : memref<1x2000xi32, #tpu.memory_space<vmem>> -> memref<2000xi32, #tpu.memory_space<vmem>>
    %dma_start3A_150 = arith.constant 0 : i32
    %dma_start3A_151 = arith.constant 0 : i32
    %dma_start3A_152 = tpu.memref_slice %arg4[%dma_start3A_150, %dma_start3A_151] : memref<10000x16xf32, #tpu.memory_space<hbm>> -> memref<10000x16xf32, #tpu.memory_space<hbm>>
    tpu.enqueue_indirect_dma source(%dma_start3A_152 : memref<10000x16xf32, #tpu.memory_space<hbm>>) target(%arg8 : memref<2000x16xf32, #tpu.memory_space<vmem>>) offsets(%dma_start3A_149 : memref<2000xi32, #tpu.memory_space<vmem>>) semaphore(%arg12 : memref<!tpu.dma_semaphore, #tpu.memory_space<semaphore_mem>>)
    %dma_wait3A_153 = arith.constant 3 : i32
    %dma_wait3A_154 = arith.constant 0 : i32
    %dma_wait3A_155 = tpu.memref_slice %arg6[%dma_wait3A_153, %dma_wait3A_154] : memref<5x2000xi32, #tpu.memory_space<vmem>> -> memref<1x2000xi32, #tpu.memory_space<vmem>>
    %dma_wait3A_156 = tpu.memref_squeeze %dma_wait3A_155 : memref<1x2000xi32, #tpu.memory_space<vmem>> -> memref<2000xi32, #tpu.memory_space<vmem>>
    %dma_wait3A_157 = arith.constant 0 : i32
    %dma_wait3A_158 = arith.constant 0 : i32
    %dma_wait3A_159 = tpu.memref_slice %arg4[%dma_wait3A_157, %dma_wait3A_158] : memref<10000x16xf32, #tpu.memory_space<hbm>> -> memref<10000x16xf32, #tpu.memory_space<hbm>>
    tpu.wait_indirect_dma semaphore(%arg13 : memref<!tpu.dma_semaphore, #tpu.memory_space<semaphore_mem>>) src(%dma_wait3A_159 : memref<10000x16xf32, #tpu.memory_space<hbm>>) dst(%arg9 : memref<2000x16xf32, #tpu.memory_space<vmem>>)
    %dma_start3A_160 = arith.constant 3 : i32
    %dma_start3A_161 = arith.constant 0 : i32
    %dma_start3A_162 = tpu.memref_slice %arg7[%dma_start3A_160, %dma_start3A_161] : memref<5x2000xi32, #tpu.memory_space<vmem>> -> memref<1x2000xi32, #tpu.memory_space<vmem>>
    %dma_start3A_163 = tpu.memref_squeeze %dma_start3A_162 : memref<1x2000xi32, #tpu.memory_space<vmem>> -> memref<2000xi32, #tpu.memory_space<vmem>>
    %dma_start3A_164 = arith.constant 0 : i32
    %dma_start3A_165 = arith.constant 0 : i32
    %dma_start3A_166 = tpu.memref_slice %arg11[%dma_start3A_164, %dma_start3A_165] : memref<10240x16xf32, #tpu.memory_space<vmem_shared>> -> memref<10240x16xf32, #tpu.memory_space<vmem_shared>>
    tpu.enqueue_indirect_dma source(%arg9 : memref<2000x16xf32, #tpu.memory_space<vmem>>) target(%dma_start3A_166 : memref<10240x16xf32, #tpu.memory_space<vmem_shared>>) offsets(%dma_start3A_163 : memref<2000xi32, #tpu.memory_space<vmem>>) semaphore(%arg15 : memref<!tpu.dma_semaphore, #tpu.memory_space<semaphore_mem>>) {add = true}
    %dma_wait3A_167 = arith.constant 4 : i32
    %dma_wait3A_168 = arith.constant 0 : i32
    %dma_wait3A_169 = tpu.memref_slice %arg6[%dma_wait3A_167, %dma_wait3A_168] : memref<5x2000xi32, #tpu.memory_space<vmem>> -> memref<1x2000xi32, #tpu.memory_space<vmem>>
    %dma_wait3A_170 = tpu.memref_squeeze %dma_wait3A_169 : memref<1x2000xi32, #tpu.memory_space<vmem>> -> memref<2000xi32, #tpu.memory_space<vmem>>
    %dma_wait3A_171 = arith.constant 0 : i32
    %dma_wait3A_172 = arith.constant 0 : i32
    %dma_wait3A_173 = tpu.memref_slice %arg4[%dma_wait3A_171, %dma_wait3A_172] : memref<10000x16xf32, #tpu.memory_space<hbm>> -> memref<10000x16xf32, #tpu.memory_space<hbm>>
    tpu.wait_indirect_dma semaphore(%arg12 : memref<!tpu.dma_semaphore, #tpu.memory_space<semaphore_mem>>) src(%dma_wait3A_173 : memref<10000x16xf32, #tpu.memory_space<hbm>>) dst(%arg8 : memref<2000x16xf32, #tpu.memory_space<vmem>>)
    %dma_start3A_174 = arith.constant 4 : i32
    %dma_start3A_175 = arith.constant 0 : i32
    %dma_start3A_176 = tpu.memref_slice %arg7[%dma_start3A_174, %dma_start3A_175] : memref<5x2000xi32, #tpu.memory_space<vmem>> -> memref<1x2000xi32, #tpu.memory_space<vmem>>
    %dma_start3A_177 = tpu.memref_squeeze %dma_start3A_176 : memref<1x2000xi32, #tpu.memory_space<vmem>> -> memref<2000xi32, #tpu.memory_space<vmem>>
    %dma_start3A_178 = arith.constant 0 : i32
    %dma_start3A_179 = arith.constant 0 : i32
    %dma_start3A_180 = tpu.memref_slice %arg11[%dma_start3A_178, %dma_start3A_179] : memref<10240x16xf32, #tpu.memory_space<vmem_shared>> -> memref<10240x16xf32, #tpu.memory_space<vmem_shared>>
    tpu.enqueue_indirect_dma source(%arg8 : memref<2000x16xf32, #tpu.memory_space<vmem>>) target(%dma_start3A_180 : memref<10240x16xf32, #tpu.memory_space<vmem_shared>>) offsets(%dma_start3A_177 : memref<2000xi32, #tpu.memory_space<vmem>>) semaphore(%arg14 : memref<!tpu.dma_semaphore, #tpu.memory_space<semaphore_mem>>) {add = true}
    %dma_wait3A_181 = arith.constant 4 : i32
    %dma_wait3A_182 = arith.constant 0 : i32
    %dma_wait3A_183 = tpu.memref_slice %arg7[%dma_wait3A_181, %dma_wait3A_182] : memref<5x2000xi32, #tpu.memory_space<vmem>> -> memref<1x2000xi32, #tpu.memory_space<vmem>>
    %dma_wait3A_184 = tpu.memref_squeeze %dma_wait3A_183 : memref<1x2000xi32, #tpu.memory_space<vmem>> -> memref<2000xi32, #tpu.memory_space<vmem>>
    %dma_wait3A_185 = arith.constant 0 : i32
    %dma_wait3A_186 = arith.constant 0 : i32
    %dma_wait3A_187 = tpu.memref_slice %arg11[%dma_wait3A_185, %dma_wait3A_186] : memref<10240x16xf32, #tpu.memory_space<vmem_shared>> -> memref<10240x16xf32, #tpu.memory_space<vmem_shared>>
    tpu.wait_indirect_dma semaphore(%arg14 : memref<!tpu.dma_semaphore, #tpu.memory_space<semaphore_mem>>) src(%arg8 : memref<2000x16xf32, #tpu.memory_space<vmem>>) dst(%dma_wait3A_187 : memref<10240x16xf32, #tpu.memory_space<vmem_shared>>)
    %dma_wait3A_188 = arith.constant 3 : i32
    %dma_wait3A_189 = arith.constant 0 : i32
    %dma_wait3A_190 = tpu.memref_slice %arg7[%dma_wait3A_188, %dma_wait3A_189] : memref<5x2000xi32, #tpu.memory_space<vmem>> -> memref<1x2000xi32, #tpu.memory_space<vmem>>
    %dma_wait3A_191 = tpu.memref_squeeze %dma_wait3A_190 : memref<1x2000xi32, #tpu.memory_space<vmem>> -> memref<2000xi32, #tpu.memory_space<vmem>>
    %dma_wait3A_192 = arith.constant 0 : i32
    %dma_wait3A_193 = arith.constant 0 : i32
    %dma_wait3A_194 = tpu.memref_slice %arg11[%dma_wait3A_192, %dma_wait3A_193] : memref<10240x16xf32, #tpu.memory_space<vmem_shared>> -> memref<10240x16xf32, #tpu.memory_space<vmem_shared>>
    tpu.wait_indirect_dma semaphore(%arg15 : memref<!tpu.dma_semaphore, #tpu.memory_space<semaphore_mem>>) src(%arg9 : memref<2000x16xf32, #tpu.memory_space<vmem>>) dst(%dma_wait3A_194 : memref<10240x16xf32, #tpu.memory_space<vmem_shared>>)
    %barrier3A_195 = arith.constant 0 : index
    tpu.barrier barrier_id(%barrier3A_195)
    "tpu.region"() ({
      %run_scoped3A_196 = tpu.sem_alloc : memref<!tpu.dma_semaphore, #tpu.memory_space<semaphore_mem>>
      %dma_start3A_197 = arith.constant 0 : i32
      %dma_start3A_198 = tpu.memref_slice %arg5[%arg0, %mul3A_2, %dma_start3A_197] : memref<2x10240x16xf32, #tpu.memory_space<hbm>> -> memref<1x640x16xf32, #tpu.memory_space<hbm>>
      %dma_start3A_199 = tpu.memref_squeeze %dma_start3A_198 : memref<1x640x16xf32, #tpu.memory_space<hbm>> -> memref<640x16xf32, #tpu.memory_space<hbm>>
      %dma_start3A_200 = arith.constant 0 : i32
      %dma_start3A_201 = tpu.memref_slice %arg11[%mul3A_2, %dma_start3A_200] : memref<10240x16xf32, #tpu.memory_space<vmem_shared>> -> memref<640x16xf32, #tpu.memory_space<vmem_shared>>
      tpu.enqueue_dma source(%dma_start3A_201 : memref<640x16xf32, #tpu.memory_space<vmem_shared>>) target(%dma_start3A_199 : memref<640x16xf32, #tpu.memory_space<hbm>>) target_semaphore(%run_scoped3A_196 : memref<!tpu.dma_semaphore, #tpu.memory_space<semaphore_mem>>)
      %dma_wait3A_202 = arith.constant 0 : i32
      %dma_wait3A_203 = tpu.memref_slice %arg5[%arg0, %mul3A_2, %dma_wait3A_202] : memref<2x10240x16xf32, #tpu.memory_space<hbm>> -> memref<1x640x16xf32, #tpu.memory_space<hbm>>
      %dma_wait3A_204 = tpu.memref_squeeze %dma_wait3A_203 : memref<1x640x16xf32, #tpu.memory_space<hbm>> -> memref<640x16xf32, #tpu.memory_space<hbm>>
      %dma_wait3A_205 = arith.constant 0 : i32
      %dma_wait3A_206 = tpu.memref_slice %arg11[%mul3A_2, %dma_wait3A_205] : memref<10240x16xf32, #tpu.memory_space<vmem_shared>> -> memref<640x16xf32, #tpu.memory_space<vmem_shared>>
      tpu.wait_dma2 semaphore(%run_scoped3A_196 : memref<!tpu.dma_semaphore, #tpu.memory_space<semaphore_mem>>) src(%dma_wait3A_206 : memref<640x16xf32, #tpu.memory_space<vmem_shared>>) dst(%dma_wait3A_204 : memref<640x16xf32, #tpu.memory_space<hbm>>)
      tpu.yield
    }) : () -> ()
    return
  }
}

module attributes {stable_mosaic.version = 14 : i64} {
  func.func @mm_kernel(%arg0: i32, %arg1: memref<2560x128xf32, #tpu.memory_space<vmem>>, %arg2: memref<128x16xf32, #tpu.memory_space<vmem>>, %arg3: memref<2x2560xf32, #tpu.memory_space<vmem>>, %arg4: memref<2560x16xf32, #tpu.memory_space<vmem>>) attributes {dimension_semantics = [#tpu.dimension_semantics<arbitrary>], iteration_bounds = array<i64: 4>, scalar_prefetch = 0 : i64, scratch_operands = 0 : i64, tpu.core_type = #tpu.core_type<tc>, window_params = [{transform_indices = @transform_0, window_bounds = array<i64: 2560, 128>}, {pipeline_mode = #tpu.pipeline_mode<synchronous>, transform_indices = @transform_1, window_bounds = array<i64: 128, 16>}, {transform_indices = @transform_2, window_bounds = array<i64: 2, 2560>}, {transform_indices = @transform_3, window_bounds = array<i64: 2560, 16>}]} {
    %get3A = arith.constant 0 : index
    %get3A_0 = arith.constant 0 : index
    %get3A_1 = vector.load %arg3[%get3A, %get3A_0] : memref<2x2560xf32, #tpu.memory_space<vmem>>, vector<1x2560xf32>
    %get3A_2 = vector.shape_cast %get3A_1 : vector<1x2560xf32> to vector<2560xf32>
    %get3A_3 = arith.constant 1 : index
    %get3A_4 = arith.constant 0 : index
    %get3A_5 = vector.load %arg3[%get3A_3, %get3A_4] : memref<2x2560xf32, #tpu.memory_space<vmem>>, vector<1x2560xf32>
    %get3A_6 = vector.shape_cast %get3A_5 : vector<1x2560xf32> to vector<2560xf32>
    %add3A = arith.addf %get3A_2, %get3A_6 : vector<2560xf32>
    %add3A_7 = arith.constant 1.000000e+00 : f32
    %add3A_8 = vector.broadcast %add3A_7 : f32 to vector<2560xf32>
    %add3A_9 = arith.addf %add3A, %add3A_8 : vector<2560xf32>
    %rsqrt3A = math.rsqrt %add3A_9 : vector<2560xf32>
    %get3A_10 = arith.constant 0 : index
    %get3A_11 = arith.constant 0 : index
    %get3A_12 = vector.load %arg1[%get3A_10, %get3A_11] : memref<2560x128xf32, #tpu.memory_space<vmem>>, vector<2560x128xf32>
    %get3A_13 = arith.constant 0 : index
    %get3A_14 = arith.constant 0 : index
    %get3A_15 = vector.load %arg2[%get3A_13, %get3A_14] : memref<128x16xf32, #tpu.memory_space<vmem>>, vector<128x16xf32>
    %dot_general3A = arith.constant dense<0.000000e+00> : vector<2560x16xf32>
    %dot_general3A_16 = tpu.matmul %get3A_12, %get3A_15, %dot_general3A {dimension_numbers = #tpu.dot_dimension_numbers<[1], [0], [0], [1], [0, 0, 1, 1], [], []>, transpose_lhs_hint = false} : vector<2560x128xf32>, vector<128x16xf32>, vector<2560x16xf32> -> vector<2560x16xf32>
    %broadcast_in_dim3A = vector.shape_cast %rsqrt3A : vector<2560xf32> to vector<2560x1xf32>
    %mul3A = vector.broadcast %broadcast_in_dim3A : vector<2560x1xf32> to vector<2560x16xf32>
    %mul3A_17 = arith.mulf %dot_general3A_16, %mul3A : vector<2560x16xf32>
    %swap3A = arith.constant 0 : index
    %swap3A_18 = arith.constant 0 : index
    %swap3A_19 = vector.load %arg4[%swap3A, %swap3A_18] : memref<2560x16xf32, #tpu.memory_space<vmem>>, vector<2560x16xf32>
    tpu.vector_store %arg4[%swap3A, %swap3A_18], %mul3A_17 {strides = array<i32>} : memref<2560x16xf32, #tpu.memory_space<vmem>>, vector<2560x16xf32>,
    return
  }
  func.func @transform_0(%arg0: i32) -> (i32, i32) {
    %c0_i32 = arith.constant 0 : i32
    %c0_i32_0 = arith.constant 0 : i32
    return %arg0, %c0_i32 : i32, i32
  }
  func.func @transform_1(%arg0: i32) -> (i32, i32) {
    %c0_i32 = arith.constant 0 : i32
    %c0_i32_0 = arith.constant 0 : i32
    %c0_i32_1 = arith.constant 0 : i32
    return %c0_i32, %c0_i32_0 : i32, i32
  }
  func.func @transform_2(%arg0: i32) -> (i32, i32) {
    %c0_i32 = arith.constant 0 : i32
    %c0_i32_0 = arith.constant 0 : i32
    return %c0_i32, %arg0 : i32, i32
  }
  func.func @transform_3(%arg0: i32) -> (i32, i32) {
    %c0_i32 = arith.constant 0 : i32
    %c0_i32_0 = arith.constant 0 : i32
    return %arg0, %c0_i32 : i32, i32
  }
}

module attributes {stable_mosaic.version = 14 : i64} {
  func.func @fin_kernel(%arg0: i32, %arg1: memref<2x2560x16xf32, #tpu.memory_space<vmem>>, %arg2: memref<2560x16xf32, #tpu.memory_space<vmem>>, %arg3: memref<2x2560xf32, #tpu.memory_space<vmem>>, %arg4: memref<1x16xf32, #tpu.memory_space<vmem>>, %arg5: memref<16x16xf32, #tpu.memory_space<vmem>>, %arg6: memref<1x16xf32, #tpu.memory_space<vmem>>, %arg7: memref<2560x16xf32, #tpu.memory_space<vmem>>) attributes {dimension_semantics = [#tpu.dimension_semantics<arbitrary>], iteration_bounds = array<i64: 4>, scalar_prefetch = 0 : i64, scratch_operands = 0 : i64, tpu.core_type = #tpu.core_type<tc>, window_params = [{transform_indices = @transform_0, window_bounds = array<i64: 2, 2560, 16>}, {transform_indices = @transform_1, window_bounds = array<i64: 2560, 16>}, {transform_indices = @transform_2, window_bounds = array<i64: 2, 2560>}, {pipeline_mode = #tpu.pipeline_mode<synchronous>, transform_indices = @transform_3, window_bounds = array<i64: 1, 16>}, {pipeline_mode = #tpu.pipeline_mode<synchronous>, transform_indices = @transform_4, window_bounds = array<i64: 16, 16>}, {pipeline_mode = #tpu.pipeline_mode<synchronous>, transform_indices = @transform_5, window_bounds = array<i64: 1, 16>}, {transform_indices = @transform_6, window_bounds = array<i64: 2560, 16>}]} {
    %get3A = arith.constant 0 : index
    %get3A_0 = arith.constant 0 : index
    %get3A_1 = vector.load %arg3[%get3A, %get3A_0] : memref<2x2560xf32, #tpu.memory_space<vmem>>, vector<1x2560xf32>
    %get3A_2 = vector.shape_cast %get3A_1 : vector<1x2560xf32> to vector<2560xf32>
    %get3A_3 = arith.constant 1 : index
    %get3A_4 = arith.constant 0 : index
    %get3A_5 = vector.load %arg3[%get3A_3, %get3A_4] : memref<2x2560xf32, #tpu.memory_space<vmem>>, vector<1x2560xf32>
    %get3A_6 = vector.shape_cast %get3A_5 : vector<1x2560xf32> to vector<2560xf32>
    %add3A = arith.addf %get3A_2, %get3A_6 : vector<2560xf32>
    %add3A_7 = arith.constant 1.000000e+00 : f32
    %add3A_8 = vector.broadcast %add3A_7 : f32 to vector<2560xf32>
    %add3A_9 = arith.addf %add3A, %add3A_8 : vector<2560xf32>
    %rsqrt3A = math.rsqrt %add3A_9 : vector<2560xf32>
    %get3A_10 = arith.constant 0 : index
    %get3A_11 = arith.constant 0 : index
    %get3A_12 = arith.constant 0 : index
    %get3A_13 = vector.load %arg1[%get3A_10, %get3A_11, %get3A_12] : memref<2x2560x16xf32, #tpu.memory_space<vmem>>, vector<1x2560x16xf32>
    %get3A_14 = vector.shape_cast %get3A_13 : vector<1x2560x16xf32> to vector<2560x16xf32>
    %get3A_15 = arith.constant 1 : index
    %get3A_16 = arith.constant 0 : index
    %get3A_17 = arith.constant 0 : index
    %get3A_18 = vector.load %arg1[%get3A_15, %get3A_16, %get3A_17] : memref<2x2560x16xf32, #tpu.memory_space<vmem>>, vector<1x2560x16xf32>
    %get3A_19 = vector.shape_cast %get3A_18 : vector<1x2560x16xf32> to vector<2560x16xf32>
    %add3A_20 = arith.addf %get3A_14, %get3A_19 : vector<2560x16xf32>
    %get3A_21 = arith.constant 0 : index
    %get3A_22 = arith.constant 0 : index
    %get3A_23 = vector.load %arg2[%get3A_21, %get3A_22] : memref<2560x16xf32, #tpu.memory_space<vmem>>, vector<2560x16xf32>
    %add3A_24 = arith.addf %add3A_20, %get3A_23 : vector<2560x16xf32>
    %broadcast_in_dim3A = vector.shape_cast %rsqrt3A : vector<2560xf32> to vector<2560x1xf32>
    %mul3A = vector.broadcast %broadcast_in_dim3A : vector<2560x1xf32> to vector<2560x16xf32>
    %mul3A_25 = arith.mulf %add3A_24, %mul3A : vector<2560x16xf32>
    %get3A_26 = arith.constant 0 : index
    %get3A_27 = arith.constant 0 : index
    %get3A_28 = vector.load %arg4[%get3A_26, %get3A_27] : memref<1x16xf32, #tpu.memory_space<vmem>>, vector<1x16xf32>
    %get3A_29 = vector.shape_cast %get3A_28 : vector<1x16xf32> to vector<16xf32>
    %broadcast_in_dim3A_30 = vector.shape_cast %get3A_29 : vector<16xf32> to vector<1x16xf32>
    %add3A_31 = vector.broadcast %broadcast_in_dim3A_30 : vector<1x16xf32> to vector<2560x16xf32>
    %add3A_32 = arith.addf %mul3A_25, %add3A_31 : vector<2560x16xf32>
    %max3A = arith.constant 0.000000e+00 : f32
    %max3A_33 = vector.broadcast %max3A : f32 to vector<2560x16xf32>
    %max3A_34 = arith.maximumf %add3A_32, %max3A_33 : vector<2560x16xf32>
    %get3A_35 = arith.constant 0 : index
    %get3A_36 = arith.constant 0 : index
    %get3A_37 = vector.load %arg5[%get3A_35, %get3A_36] : memref<16x16xf32, #tpu.memory_space<vmem>>, vector<16x16xf32>
    %dot_general3A = arith.constant dense<0.000000e+00> : vector<2560x16xf32>
    %dot_general3A_38 = tpu.matmul %max3A_34, %get3A_37, %dot_general3A {dimension_numbers = #tpu.dot_dimension_numbers<[1], [0], [0], [1], [0, 0, 1, 1], [], []>, transpose_lhs_hint = false} : vector<2560x16xf32>, vector<16x16xf32>, vector<2560x16xf32> -> vector<2560x16xf32>
    %get3A_39 = arith.constant 0 : index
    %get3A_40 = arith.constant 0 : index
    %get3A_41 = vector.load %arg6[%get3A_39, %get3A_40] : memref<1x16xf32, #tpu.memory_space<vmem>>, vector<1x16xf32>
    %get3A_42 = vector.shape_cast %get3A_41 : vector<1x16xf32> to vector<16xf32>
    %broadcast_in_dim3A_43 = vector.shape_cast %get3A_42 : vector<16xf32> to vector<1x16xf32>
    %add3A_44 = vector.broadcast %broadcast_in_dim3A_43 : vector<1x16xf32> to vector<2560x16xf32>
    %add3A_45 = arith.addf %dot_general3A_38, %add3A_44 : vector<2560x16xf32>
    %swap3A = arith.constant 0 : index
    %swap3A_46 = arith.constant 0 : index
    %swap3A_47 = vector.load %arg7[%swap3A, %swap3A_46] : memref<2560x16xf32, #tpu.memory_space<vmem>>, vector<2560x16xf32>
    tpu.vector_store %arg7[%swap3A, %swap3A_46], %add3A_45 {strides = array<i32>} : memref<2560x16xf32, #tpu.memory_space<vmem>>, vector<2560x16xf32>,
    return
  }
  func.func @transform_0(%arg0: i32) -> (i32, i32, i32) {
    %c0_i32 = arith.constant 0 : i32
    %c0_i32_0 = arith.constant 0 : i32
    %c0_i32_1 = arith.constant 0 : i32
    return %c0_i32, %arg0, %c0_i32_0 : i32, i32, i32
  }
  func.func @transform_1(%arg0: i32) -> (i32, i32) {
    %c0_i32 = arith.constant 0 : i32
    %c0_i32_0 = arith.constant 0 : i32
    return %arg0, %c0_i32 : i32, i32
  }
  func.func @transform_2(%arg0: i32) -> (i32, i32) {
    %c0_i32 = arith.constant 0 : i32
    %c0_i32_0 = arith.constant 0 : i32
    return %c0_i32, %arg0 : i32, i32
  }
  func.func @transform_3(%arg0: i32) -> (i32, i32) {
    %c0_i32 = arith.constant 0 : i32
    %c0_i32_0 = arith.constant 0 : i32
    %c0_i32_1 = arith.constant 0 : i32
    return %c0_i32, %c0_i32_0 : i32, i32
  }
  func.func @transform_4(%arg0: i32) -> (i32, i32) {
    %c0_i32 = arith.constant 0 : i32
    %c0_i32_0 = arith.constant 0 : i32
    %c0_i32_1 = arith.constant 0 : i32
    return %c0_i32, %c0_i32_0 : i32, i32
  }
  func.func @transform_5(%arg0: i32) -> (i32, i32) {
    %c0_i32 = arith.constant 0 : i32
    %c0_i32_0 = arith.constant 0 : i32
    %c0_i32_1 = arith.constant 0 : i32
    return %c0_i32, %c0_i32_0 : i32, i32
  }
  func.func @transform_6(%arg0: i32) -> (i32, i32) {
    %c0_i32 = arith.constant 0 : i32
    %c0_i32_0 = arith.constant 0 : i32
    return %arg0, %c0_i32 : i32, i32
  }
}

</mosaic_0001>

<sc_bundles>
// kernel: kernel.6.cloned.1.call-start
scs
__scs_entry_jumppad:
0x0: {  	(pc) =	sbr.rel $0x88, $3  }
0x1: {  	(tag) =	ssettag $0x0;
	lr =	simm.s32 $0x1  }
0x2: {  	[smem:$0x3F9B] =	sst lr;
	_ =	strace $0xD0000000  }
0x3: {  	_ = 	snop  }
0x4: {  	_ = 	snop  }
0x5: {  	_ = 	snop  }
0x6: {  	_ = 	snop  }
0x7: {  	_ = 	snop  }
__scs_overlays_trampoline_lowered:
0x8: {  	[smem:$0x3FAA] =	sst s0  }
0x9: {  	[smem:$0x3FAB] =	sst s1  }
0xa: {  	[smem:$0x3FAC] =	sst s2  }
0xb: {  	[smem:$0x3FAD] =	sst s3  }
0xc: {  	[smem:$0x3FAE] =	sst s4  }
0xd: {  	[smem:$0x3FAF] =	sst s5  }
0xe: {  	[smem:$0x3FB0] =	sst s6  }
0xf: {  	[smem:$0x3FB1] =	sst s7  }
0x10: {  	[smem:$0x3FB2] =	sst s8  }
0x11: {  	[smem:$0x3FB3] =	sst s9;
	s0 =	simm.s32 @!p0 $0x0  }
0x12: {  	s1 =	sld [smem:$0x3F99];
	s0 =	simm.s32 @p0 $0x1  }
0x13: {  	[smem:$0x3FB4] =	sst s0;
	s0 =	simm.s32 @!p1 $0x0  }
0x14: {  	s2 =	sld [smem:$0x3F98];
	s0 =	simm.s32 @p1 $0x1  }
0x15: {  	[smem:$0x3FB5] =	sst s0;
	s0 =	simm.s32 @!p2 $0x0  }
0x16: {  	s3 =	sld [smem:$0x3FDB];
	s0 =	simm.s32 @p2 $0x1  }
0x17: {  	s4 =	simm.s32 $0x1BF5;
	[smem:$0x3FB7] =	sst s0  }
0x18: {  	s0 =	sld [smem:$0x3F9A];
	_ =	swait.ge [sflag:s4], $0x0  }
0x19: {  	s7 =	sld [smem:$0x3F9B]  }
0x1a: {  	s8 =	sadd.s32 $0xFFFFE003, lr  }
0x1b: {  	s9 =	sadd.s32 $0xFFFFFEF7, lr;
	s5 =	simm.s32 $0xFFFFFFFF;
	p2 =	slt.u32 s8, $0xFFFFF086  }
0x1c: {  	p1 =	slt.u32 s9, $0xF7A;
	s5 =	simm.s32 @!p2 $0x0  }
0x1d: {  	s5 =	simm.s32 @p1 $0x1;
	p0 =	seq.s32 s7, s2  }
0x1e: {  	s7 =	smul.u32 @!p0 $0xF7A, s2;
	p2 =	seq.s32 @!p0 s5, $0x0  }
0x1f: {  	s9 =	smul.u32 $0xF7A, s1;
	s8 =	simm.s32 @!p0 $0x1BF5;
	p2 =	por !p2, p0  }
0x20: {  	[sflag:s8] =	ssyncset.s32 @!p0 $0xFFFFF086;
	s6 =	sadd.s32 @!p0 s3, s7;
	s7 =	simm.s32 @!p0 $0x108  }
0x21: {  	s3 =	sadd.s32 s3, s9;
	s6 =	sadd.s32 @!p0 $0x88, s6;
	s7 =	simm.s32 @p2 $0x1082  }
0x22: {  	[simem:s7], [sflag:s8] =	dma.local @!p0 [hbm:s6], $0xF7A  }
0x23: {  	s9 =	sor.u32 $0xD0000000, s2;
	s6 =	simm.s32 $0x108;
	_ =	swait.ge @!p0 [sflag:s8], $0x0  }
0x24: {  	s3 =	sadd.s32 $0x88, s3;
	s6 =	simm.s32 @!p1 $0x1082;
	[sflag:s4] =	ssyncset.s32 $0xFFFFF086  }
0x25: {  	[simem:s6], [sflag:s4] =	dma.local [hbm:s3], $0xF7A  }
0x26: {  	[smem:$0x3F9B] =	sst s1;
	(tag) =	ssettag s2;
	_ =	strace s9  }
0x27: {  	s1 =	sld [smem:$0x3FAB]  }
0x28: {  	s2 =	sld [smem:$0x3FAC]  }
0x29: {  	s4 =	sld [smem:$0x3FAE]  }
0x2a: {  	p0 =	seq.s32 s5, $0x0;
	s5 =	sld [smem:$0x3FAF]  }
0x2b: {  	s6 =	sld [smem:$0x3FB0]  }
0x2c: {  	s7 =	sld [smem:$0x3FB1]  }
0x2d: {  	s3 =	simm.s32 $0x108;
	s8 =	sld [smem:$0x3FB2]  }
0x2e: {  	s3 =	simm.s32 @!p0 $0x1082;
	s9 =	sld [smem:$0x3FB3]  }
0x2f: {  	lr =	sadd.s32 s0, s3;
	s0 =	sld [smem:$0x3FAA]  }
0x30: {  	s3 =	sld [smem:$0x3FAD]  }
0x31: {  	[smem:$0x3FB6] =	sst s10  }
0x32: {  	s10 =	sld [smem:$0x3FB4];
	_ =	sdelay $0x3  }
0x33: {  	p0 =	seq.s32 s10, $0x1;
	s10 =	sld [smem:$0x3FB6];
	_ =	sdelay $0x3  }
0x34: {  	[smem:$0x3FB6] =	sst s10  }
0x35: {  	s10 =	sld [smem:$0x3FB5];
	_ =	sdelay $0x3  }
0x36: {  	p1 =	seq.s32 s10, $0x1;
	s10 =	sld [smem:$0x3FB6];
	_ =	sdelay $0x3  }
0x37: {  	[smem:$0x3FB6] =	sst s10  }
0x38: {  	s10 =	sld [smem:$0x3FB7]  }
0x39: {  	_ = 	snop;
	(pc) =	sbr.ind lr, $3  }
0x3a: {  	_ = 	snop  }
0x3b: {  	_ = 	snop  }
0x3c: {  	p2 =	seq.s32 s10, $0x1;
	s10 =	sld [smem:$0x3FB6]  }
0x3d: {  	_ =	shalt  }
0x3e: {  	_ =	shalt  }
0x3f: {  	_ =	shalt  }
0x40: {  	_ =	shalt  }
0x41: {  	_ =	shalt  }
0x42: {  	_ =	shalt  }
0x43: {  	_ =	shalt  }
0x44: {  	_ =	shalt  }
0x45: {  	_ =	shalt  }
0x46: {  	_ =	shalt  }
0x47: {  	_ =	shalt  }
0x48: {  	_ =	shalt  }
0x49: {  	_ =	shalt  }
0x4a: {  	_ =	shalt  }
0x4b: {  	_ =	shalt  }
0x4c: {  	_ =	shalt  }
0x4d: {  	_ =	shalt  }
0x4e: {  	_ =	shalt  }
0x4f: {  	_ =	shalt  }
0x50: {  	_ =	shalt  }
0x51: {  	_ =	shalt  }
0x52: {  	_ =	shalt  }
0x53: {  	_ =	shalt  }
0x54: {  	_ =	shalt  }
0x55: {  	_ =	shalt  }
0x56: {  	_ =	shalt  }
0x57: {  	_ =	shalt  }
0x58: {  	_ =	shalt  }
0x59: {  	_ =	shalt  }
0x5a: {  	_ =	shalt  }
0x5b: {  	_ =	shalt  }
0x5c: {  	_ =	shalt  }
0x5d: {  	_ =	shalt  }
0x5e: {  	_ =	shalt  }
0x5f: {  	_ =	shalt  }
0x60: {  	_ =	shalt  }
0x61: {  	_ =	shalt  }
0x62: {  	_ =	shalt  }
0x63: {  	_ =	shalt  }
0x64: {  	_ =	shalt  }
0x65: {  	_ =	shalt  }
0x66: {  	_ =	shalt  }
0x67: {  	_ =	shalt  }
0x68: {  	_ =	shalt  }
0x69: {  	_ =	shalt  }
0x6a: {  	_ =	shalt  }
0x6b: {  	_ =	shalt  }
0x6c: {  	_ =	shalt  }
0x6d: {  	_ =	shalt  }
0x6e: {  	_ =	shalt  }
0x6f: {  	_ =	shalt  }
0x70: {  	_ =	shalt  }
0x71: {  	_ =	shalt  }
0x72: {  	_ =	shalt  }
0x73: {  	_ =	shalt  }
0x74: {  	_ =	shalt  }
0x75: {  	_ =	shalt  }
0x76: {  	_ =	shalt  }
0x77: {  	_ =	shalt  }
0x78: {  	_ =	shalt  }
0x79: {  	_ =	shalt  }
0x7a: {  	_ =	shalt  }
0x7b: {  	_ =	shalt  }
0x7c: {  	_ =	shalt  }
0x7d: {  	_ =	shalt  }
0x7e: {  	_ =	shalt  }
0x7f: {  	_ =	shalt  }
0x80: {  	_ =	shalt  }
0x81: {  	_ =	shalt  }
0x82: {  	_ =	shalt  }
0x83: {  	_ =	shalt  }
0x84: {  	_ =	shalt  }
0x85: {  	_ =	shalt  }
0x86: {  	_ =	shalt  }
0x87: {  	_ =	shalt  }
.Lfunc_end0:
.L_simem_size_0:
called_computation_lowered:
.L_overlay_start_0:
0x88: {  	s2 =	sld [smem:$0x3FD9]  }
0x89: {  	s3 =	sld [smem:$0x3FFE];
	_ =	sdelay $0x1  }
0x8a: {  	s1 =	srdreg.scid  }
0x8b: {  	s0 =	sand.u32 $0x1, s1  }
0x8c: {  	s17 =	sshll.u32 s0, $0xA;
	s2 =	sadd.s32 s3, s2  }
0x8d: {  	s2 =	sadd.s32 s2, s17  }
0x8e: {  	[smem:$0x3FC2] =	sst s2  }
0x8f: {  	_ = 	snop  }
0x90: {  	s2 =	sld [smem:$0x3FC8]  }
0x91: {  	s18 =	sld [smem:$0x3FD0];
	(tm) =	ssettm $0x1  }
0x92: {  	s4 =	sld [smem:$0x3FFB];
	_ =	sdelay $0x3  }
0x93: {  	_ =	strace s4  }
0x94: {  	s4 =	sld [smem:$0x3FFC];
	_ =	sdelay $0x3  }
0x95: {  	_ =	strace s4  }
0x96: {  	s4 =	sld [smem:$0x3FFD];
	_ =	sdelay $0x3  }
0x97: {  	_ =	strace s4  }
0x98: {  	_ =	strace $0x8FFFFFFF  }
0x99: {  	s19 =	sld [smem:$0x3FDB];
	_ =	sdelay $0x1  }
0x9a: {  	s5 =	simm.s32 $_scs_section_size  }
0x9b: {  	s6 =	simm.s32 $_size__tile_overlayer_lowered;
	s7 =	simm.s32 $_tile_overlayer_lowered  }
0x9c: {  	s22 =	simm.s32 $0x1BFF;
	s21 =	sshll.u32 s7, $0x1;
	s4 =	sadd.s32 s5, s19  }
0x9d: {  	s8 =	simm.s32 $0x0;
	s20 =	sshll.u32 s6, $0x1;
	s6 =	sadd.s32 s21, s4  }
0x9e: {  	[timem:s8], [sflag:s22] =	dma.local [hbm:s6], s20  }
0x9f: {  	_ =	swait.ge [sflag:s22], s20  }
0xa0: {  	s5 =	ssub.s32 $0x0, s20;
	[sflag:s22] =	ssyncset.done $0x0  }
0xa1: {  	[sflag:s22] =	ssyncadd.s32 s5;
	_ =	sdelay $0x1  }
0xa2: {  	s23 =	simm.s32 $0x1B8B  }
0xa3: {  	_ =	swait.ge [sflag:s23], $0x1  }
0xa4: {  	[sflag:s23] =	ssyncset.done $0x0  }
0xa5: {  	s25 =	simm.s32 $0x1B8E;
	s24 =	sld [smem:$0x3FFE];
	[sflag:s23] =	ssyncadd.s32 $0xFFFFFFFF  }
0xa6: {  	s26 =	simm.s32 $execute0_lowered;
	[smem:$0x3FD2] =	sst s25  }
0xa7: {  	s6 =	sshll.u32 s26, $0x1;
	_ =	strace $0x80000046;
	[dreg:$0x1] =	wrdreg $0xFFFFFFFF  }
0xa8: {  	s28 =	simm.s32 $_size_execute0_lowered;
	s4 =	sadd.s32 s4, s6;
	[dreg:$0x0] =	wrdreg $0x0  }
0xa9: {  	s6 =	sshll.u32 s28, $0x1;
	[dreg:$0x2] =	wrdreg s4  }
0xaa: {  	[dreg:$0x3] =	wrdreg s6  }
0xab: {  	[dreg:$0x4] =	wrdreg $0xC0  }
0xac: {  	_ =	task [dreg:s8], $0x5FFFF  }
0xad: {  	[dreg:$0x1] =	wrdreg $0xFFFFFFFF  }
0xae: {  	[dreg:$0x0] =	wrdreg $0x60  }
0xaf: {  	[dreg:$0x2] =	wrdreg s2  }
0xb0: {  	[dreg:$0x3] =	wrdreg s18  }
0xb1: {  	[dreg:$0x4] =	wrdreg s24  }
0xb2: {  	[dreg:$0x5] =	wrdreg $0x1E000  }
0xb3: {  	[dreg:$0x6] =	wrdreg $0x9  }
0xb4: {  	_ =	task.clear_ibuf [dreg:s8], $0x7FFFF;
	_ =	strace $0x90000046  }
0xb5: {  	s29 =	simm.s32 $0x9;
	_ =	strace $0x80000048  }
0xb6: {  	_ =	swait.ge [sflag:s29], $0x1  }
0xb7: {  	[sflag:s29] =	ssyncadd.s32 $0xFFFFFFFF  }
0xb8: {  	_ =	strace $0x90000048  }
0xb9: {  	_ =	sfence  }
0xba: {  	s30 =	sld [smem:$0x0];
	_ =	sdelay $0x2  }
0xbb: {  	s31 =	sshll.u32 s1, $0xD;
	s1 =	sshrl.u32 s1, $0x2  }
0xbc: {  	s3 =	sand.u32 $0x4000, s31;
	s1 =	sadd.s32 s1, s30  }
0xbd: {  	s0 =	sor.u32 s3, s0;
	s1 =	sshll.u32 s1, $0x11  }
0xbe: {  	s0 =	sor.u32 s1, s0  }
0xbf: {  	s0 =	sadd.s32 $0x8F2B, s0  }
0xc0: {  	[sflag:s0] =	ssyncadd.remote.s32 $0x1  }
0xc1: {  	_ =	sfence.sel $0xFFFF  }
0xc2: {  	[dreg:$0x0] =	wrdreg $0xFFFFFFFF;
	(pc) =	sbr.abs _section_cstart, $3  }
0xc3: {  	[dreg:$0x1] =	wrdreg $0xFFFFFFFF  }
0xc4: {  	_ =	task.clear_ibuf [dreg:s8], $0x2FFFF;
	_ =	strace $0x9FFFFFFF  }
0xc5: {  	(tm) =	ssettm $0x7FFFFFFF  }
tec
execute0_lowered:
.L_overlay_start_1:
0x0: {  	(tag) =	ssettag $0x1  }
0x1: {  	s0 =	srdreg.scid  }
0x2: {  	s2 =	rddreg [dreg:$0x0];
	s21 =	stileid.u32  }
0x3: {  	s4 =	rddreg [dreg:$0x2];
	s1 =	simm.s32 $0x0;
	s0 =	sand.u32 $0x1, s0  }
0x4: {  	s30 =	simm.s32 $0x1;
	s31 =	simm.s32 $0x480;
	s3 =	sshll.u32 s0, $0x4  }
0x5: {  	s29 =	simm.s32 $0x680;
	[smem:$0x7FF] =	sst s1;
	s5 =	sor.u32 s21, s3  }
0x6: {  	s8 =	sadd.s32 $0x1800, s4;
	s17 =	ssub.s32 $0x2, s0;
	s6 =	smul.u32 $0x4E, s5  }
0x7: {  	s11 =	sadd.s32 $0xB600, s4;
	s7 =	sshrl.u32 s17, $0x1;
	s9 =	smin.u32 s5, $0x4  }
0x8: {  	s0 =	sshll.u32 s0, $0x7;
	s13 =	ssub.s32 s17, s7;
	s18 =	sadd.s32 s9, s6  }
0x9: {  	p0 =	sgt.u32 s5, $0x3;
	s5 =	simm.s32 $0x980;
	s19 =	sshll.u32 s18, $0x5  }
0xa: {  	s14 =	sshll.u32 s18, $0x7;
	s6 =	sshll.u32 s18, $0x4;
	s20 =	sadd.s32 s2, s19  }
0xb: {  	s3 =	sadd.s32 s8, s6;
	s22 =	sadd.s32 $0x680, s14;
	s4 =	sadd.s32 s11, s6  }
0xc: {  	s24 =	sadd.s32 $0xD00, s14;
	s15 =	sadd.s32 $0x1380, s14;
	s17 =	sadd.s32 $0x1A00, s14  }
0xd: {  	s18 =	sadd.s32 $0x2080, s14;
	s14 =	sadd.s32 $0x2700, s14;
	[dreg:$0x5] =	wrdreg s20  }
0xe: {  	s23 =	sshrl.u32 s22, $0x2;
	s7 =	sshrl.u32 s22, $0x3;
	s10 =	sshrl.u32 s24, $0x2  }
0xf: {  	s12 =	sshrl.u32 s24, $0x3;
	s26 =	sshrl.u32 s15, $0x2;
	s15 =	sshrl.u32 s15, $0x3  }
0x10: {  	s16 =	sshrl.u32 s17, $0x2;
	s28 =	sshrl.u32 s18, $0x2;
	s19 =	sshrl.u32 s14, $0x2  }
0x11: {  	s20 =	sshrl.u32 s17, $0x3;
	s22 =	sshrl.u32 s18, $0x3;
	s14 =	sshrl.u32 s14, $0x3  }
0x12: {  	s24 =	rddreg [dreg:$0x1];
	s6 =	sadd.s32 s2, s23;
	s25 =	sadd.s32 s2, s10  }
0x13: {  	s9 =	sadd.s32 s8, s12;
	s10 =	sadd.s32 s11, s12;
	s12 =	sadd.s32 s2, s26  }
0x14: {  	s16 =	sadd.s32 s2, s16;
	s17 =	sadd.s32 s8, s20;
	[dreg:$0x6] =	wrdreg s6  }
0x15: {  	s18 =	sadd.s32 s11, s20;
	s20 =	sadd.s32 s11, s22;
	[dreg:$0x7] =	wrdreg s25  }
0x16: {  	s23 =	sadd.s32 s8, s14;
	s6 =	sadd.s32 s8, s7;
	[dreg:$0x8] =	wrdreg s12  }
0x17: {  	s7 =	sadd.s32 s11, s7;
	[dreg:$0x9] =	wrdreg s16;
	s16 =	sadd.s32 s2, s28  }
0x18: {  	s2 =	sadd.s32 s2, s19;
	s19 =	smul.u32 $0x500, s21;
	[dreg:$0xc] =	wrdreg s23  }
0x19: {  	s12 =	sadd.s32 s8, s15;
	s23 =	rddreg [dreg:$0x3];
	s25 =	smul.u32 $0xA00, s21  }
0x1a: {  	s28 =	smax.u32 s13, $0x1;
	s13 =	simm.s32 $0xC80;
	[dreg:$0xa] =	wrdreg s16  }
0x1b: {  	[dreg:$0xb] =	wrdreg s2;
	s16 =	sadd.s32 s11, s15;
	s11 =	sadd.s32 s11, s14  }
0x1c: {  	s2 =	simm.s32 $0x880;
	s14 =	simm.s32 $0x1500;
	s0 =	sor.u32 s0, s19  }
0x1d: {  	s19 =	sadd.s32 s8, s22;
	[dreg:$0xd] =	wrdreg s11;
	s0 =	sshrl.u32 s0, $0x3  }
0x1e: {  	s26 =	sshrl.u32 s25, $0x2;
	s22 =	simm.s32 $0x580;
	s0 =	sadd.s32 s24, s0  }
0x1f: {  	s8 =	simm.s32 $0xA80;
	s11 =	simm.s32 $0xB80;
	[dreg:$0xe] =	wrdreg s0  }
0x20: {  	s25 =	sadd.s32 s26, s23;
	_ =	strace $0x80000047;
	[dreg:$0x10] =	wrdreg s28  }
0x21: {  	v0 =	vimm.f32 $0.0e+00;
	v1 =	vimm.f32 $1.000000000e+00;
	s26 =	simm.s32 $0x380;
	s0 =	simm.s32 $0x780;
	[dreg:$0xf] =	wrdreg s25  }
.LBB2_1:
0x22: {  	[tilespmem:$0x1B80] =	vst v0  }
0x23: {  	[tilespmem:$0x1B90] =	vst v0  }
0x24: {  	[tilespmem:$0x1BA0] =	vst v0  }
0x25: {  	[tilespmem:$0x1BB0] =	vst v0  }
0x26: {  	[tilespmem:$0x1BC0] =	vst v0  }
0x27: {  	[tilespmem:$0x1BD0] =	vst v0  }
0x28: {  	[tilespmem:$0x1BE0] =	vst v0  }
0x29: {  	[tilespmem:$0x1BF0] =	vst v0  }
0x2a: {  	[tilespmem:$0x1C00] =	vst v0  }
0x2b: {  	[tilespmem:$0x1C10] =	vst v0  }
0x2c: {  	[tilespmem:$0x1C20] =	vst v0  }
0x2d: {  	[tilespmem:$0x1C30] =	vst v0  }
0x2e: {  	[tilespmem:$0x1C40] =	vst v0  }
0x2f: {  	[tilespmem:$0x1C50] =	vst v0  }
0x30: {  	[tilespmem:$0x1C60] =	vst v0  }
0x31: {  	[tilespmem:$0x1C70] =	vst v0  }
0x32: {  	[tilespmem:$0x1C80] =	vst v0  }
0x33: {  	[tilespmem:$0x1C90] =	vst v0  }
0x34: {  	[tilespmem:$0x1CA0] =	vst v0  }
0x35: {  	[tilespmem:$0x1CB0] =	vst v0  }
0x36: {  	[tilespmem:$0x1CC0] =	vst v0  }
0x37: {  	[tilespmem:$0x1CD0] =	vst v0  }
0x38: {  	[tilespmem:$0x1CE0] =	vst v0  }
0x39: {  	[tilespmem:$0x1CF0] =	vst v0  }
0x3a: {  	[tilespmem:$0x1D00] =	vst v0  }
0x3b: {  	[tilespmem:$0x1D10] =	vst v0  }
0x3c: {  	[tilespmem:$0x1D20] =	vst v0  }
0x3d: {  	[tilespmem:$0x1D30] =	vst v0  }
0x3e: {  	[tilespmem:$0x1D40] =	vst v0  }
0x3f: {  	[tilespmem:$0x1D50] =	vst v0  }
0x40: {  	[tilespmem:$0x1D60] =	vst v0  }
0x41: {  	[tilespmem:$0x1D70] =	vst v0  }
0x42: {  	[tilespmem:$0x1D80] =	vst v0  }
0x43: {  	[tilespmem:$0x1D90] =	vst v0  }
0x44: {  	[tilespmem:$0x1DA0] =	vst v0  }
0x45: {  	[tilespmem:$0x1DB0] =	vst v0  }
0x46: {  	[tilespmem:$0x1DC0] =	vst v0  }
0x47: {  	[tilespmem:$0x1DD0] =	vst v0  }
0x48: {  	[tilespmem:$0x1DE0] =	vst v0  }
0x49: {  	[tilespmem:$0x1DF0] =	vst v0;
	s15 =	simm.s32 $0x1B80  }
0x4a: {  	[spmem:s25] =	stream.linear.scatter [tilespmem:s15], [sflag:$0x1], $0x280, $0x38;
	[tilespmem:$0x2080] =	vst v63  }
0x4b: {  	_ =	swait.ge [sflag:s30], $0x280  }
0x4c: {  	[sflag:s30] =	ssyncset.done $0x0  }
0x4d: {  	s21 =	simm.s32 $0x0;
	s15 =	simm.s32 $0x40;
	[sflag:s30] =	ssyncadd.s32 $0xFFFFFD80  }
.LBB2_2:
0x4e: {  	p1 =	sne.s32 s15, $0x19C0;
	[tilespmem:s21+$0x1500] =	vst v1;
	s21 =	smov.u32 s15;
	s15 =	sadd.s32 $0x40, s15  }
.Ltmp0:
0x4f: {  	(pc) =	sbr.rel @p1 .LBB2_2-.Ltmp0, $2  }
0x50: {  	_ =	sdelay $0x2  }
0x51: {  	s21 =	sshra.s32 s21, $0x2  }
0x52: {  	[tilespmem:s21+$0x1500] =	vst v1  }
0x53: {  	[bflag:$0x0] =	sbarrier.arrive $0xFFFF  }
0x54: {  	s15 =	simm.s32 $0x0;
	s25 =	rddreg [dreg:$0x5]  }
0x55: {  	[tilespmem:s15], [sflag:$0x1] =	stream.linear.gather [hbm4b:s25+s15], $0xD00, $0x38;
	[tilespmem:$0x2080] =	vst v63  }
0x56: {  	_ =	swait.ge [sflag:s30], $0xD00  }
0x57: {  	[sflag:s30] =	ssyncset.done $0x0  }
0x58: {  	[sflag:s30] =	ssyncadd.s32 $0xFFFFF300  }
0x59: {  	[hbm4b:s3+s15] =	stream.linear.scatter [tilespmem:s15], [sflag:$0x1], $0x80, $0x38;
	[tilespmem:$0x2080] =	vst v63  }
0x5a: {  	s28 =	sadd.s32 $0x10, s3;
	s24 =	simm.s32 $0x100  }
0x5b: {  	[hbm4b:s28+s15] =	stream.linear.scatter [tilespmem:s24], [sflag:$0x1], $0x80, $0x38;
	[tilespmem:$0x2080] =	vst v63  }
0x5c: {  	s25 =	sadd.s32 $0x20, s3;
	s28 =	simm.s32 $0x200  }
0x5d: {  	[hbm4b:s25+s15] =	stream.linear.scatter [tilespmem:s28], [sflag:$0x1], $0x80, $0x38;
	[tilespmem:$0x2080] =	vst v63  }
0x5e: {  	s25 =	sadd.s32 $0x30, s3;
	s28 =	simm.s32 $0x300  }
0x5f: {  	[hbm4b:s25+s15] =	stream.linear.scatter [tilespmem:s28], [sflag:$0x1], $0x80, $0x38;
	[tilespmem:$0x2080] =	vst v63  }
0x60: {  	s25 =	sadd.s32 $0x40, s3;
	s28 =	simm.s32 $0x400  }
0x61: {  	[hbm4b:s25+s15] =	stream.linear.scatter [tilespmem:s28], [sflag:$0x1], $0x80, $0x38;
	[tilespmem:$0x2080] =	vst v63  }
0x62: {  	s25 =	sadd.s32 $0x50, s3;
	s28 =	simm.s32 $0x500  }
0x63: {  	[hbm4b:s25+s15] =	stream.linear.scatter [tilespmem:s28], [sflag:$0x1], $0x80, $0x38;
	[tilespmem:$0x2080] =	vst v63  }
0x64: {  	s25 =	sadd.s32 $0x60, s3;
	s28 =	simm.s32 $0x600  }
0x65: {  	[hbm4b:s25+s15] =	stream.linear.scatter [tilespmem:s28], [sflag:$0x1], $0x80, $0x38;
	[tilespmem:$0x2080] =	vst v63  }
0x66: {  	s25 =	sadd.s32 $0x70, s3;
	s28 =	simm.s32 $0x700  }
0x67: {  	[hbm4b:s25+s15] =	stream.linear.scatter [tilespmem:s28], [sflag:$0x1], $0x80, $0x38;
	[tilespmem:$0x2080] =	vst v63  }
0x68: {  	s25 =	sadd.s32 $0x80, s3;
	s28 =	simm.s32 $0x800  }
0x69: {  	[hbm4b:s25+s15] =	stream.linear.scatter [tilespmem:s28], [sflag:$0x1], $0x80, $0x38;
	[tilespmem:$0x2080] =	vst v63  }
0x6a: {  	s25 =	sadd.s32 $0x90, s3;
	s28 =	simm.s32 $0x900  }
0x6b: {  	[hbm4b:s25+s15] =	stream.linear.scatter [tilespmem:s28], [sflag:$0x1], $0x80, $0x38;
	[tilespmem:$0x2080] =	vst v63  }
0x6c: {  	s25 =	sadd.s32 $0xA0, s3;
	s28 =	simm.s32 $0xA00  }
0x6d: {  	[hbm4b:s25+s15] =	stream.linear.scatter [tilespmem:s28], [sflag:$0x1], $0x80, $0x38;
	[tilespmem:$0x2080] =	vst v63  }
0x6e: {  	s25 =	sadd.s32 $0xB0, s3;
	s28 =	simm.s32 $0xB00  }
0x6f: {  	[hbm4b:s25+s15] =	stream.linear.scatter [tilespmem:s28], [sflag:$0x1], $0x80, $0x38;
	[tilespmem:$0x2080] =	vst v63  }
0x70: {  	s25 =	sadd.s32 $0xC0, s3;
	s28 =	simm.s32 $0xC00  }
0x71: {  	[hbm4b:s25+s15] =	stream.linear.scatter [tilespmem:s28], [sflag:$0x1], $0x80, $0x38;
	[tilespmem:$0x2080] =	vst v63  }
0x72: {  	_ =	swait.ge [sflag:s30], $0x680  }
0x73: {  	[sflag:s30] =	ssyncset.done $0x0  }
0x74: {  	s24 =	simm.s32 $0x80;
	[sflag:s30] =	ssyncadd.s32 $0xFFFFF980  }
0x75: {  	[hbm4b:s4+s15] =	stream.linear.scatter [tilespmem:s24], [sflag:$0x1], $0x80, $0x38;
	[tilespmem:$0x2080] =	vst v63  }
0x76: {  	s25 =	sadd.s32 $0x10, s4;
	s28 =	simm.s32 $0x180  }
0x77: {  	[hbm4b:s25+s15] =	stream.linear.scatter [tilespmem:s28], [sflag:$0x1], $0x80, $0x38;
	[tilespmem:$0x2080] =	vst v63  }
0x78: {  	s25 =	sadd.s32 $0x20, s4;
	s28 =	simm.s32 $0x280  }
0x79: {  	[hbm4b:s25+s15] =	stream.linear.scatter [tilespmem:s28], [sflag:$0x1], $0x80, $0x38;
	[tilespmem:$0x2080] =	vst v63  }
0x7a: {  	s25 =	sadd.s32 $0x30, s4  }
0x7b: {  	[hbm4b:s25+s15] =	stream.linear.scatter [tilespmem:s26], [sflag:$0x1], $0x80, $0x38;
	[tilespmem:$0x2080] =	vst v63  }
0x7c: {  	s28 =	sadd.s32 $0x40, s4  }
0x7d: {  	[hbm4b:s28+s15] =	stream.linear.scatter [tilespmem:s31], [sflag:$0x1], $0x80, $0x38;
	[tilespmem:$0x2080] =	vst v63  }
0x7e: {  	s24 =	sadd.s32 $0x50, s4  }
0x7f: {  	[hbm4b:s24+s15] =	stream.linear.scatter [tilespmem:s22], [sflag:$0x1], $0x80, $0x38;
	[tilespmem:$0x2080] =	vst v63  }
0x80: {  	s25 =	sadd.s32 $0x60, s4  }
0x81: {  	[hbm4b:s25+s15] =	stream.linear.scatter [tilespmem:s29], [sflag:$0x1], $0x80, $0x38;
	[tilespmem:$0x2080] =	vst v63  }
0x82: {  	s28 =	sadd.s32 $0x70, s4  }
0x83: {  	[hbm4b:s28+s15] =	stream.linear.scatter [tilespmem:s0], [sflag:$0x1], $0x80, $0x38;
	[tilespmem:$0x2080] =	vst v63  }
0x84: {  	s24 =	sadd.s32 $0x80, s4  }
0x85: {  	[hbm4b:s24+s15] =	stream.linear.scatter [tilespmem:s2], [sflag:$0x1], $0x80, $0x38;
	[tilespmem:$0x2080] =	vst v63  }
0x86: {  	s25 =	sadd.s32 $0x90, s4  }
0x87: {  	[hbm4b:s25+s15] =	stream.linear.scatter [tilespmem:s5], [sflag:$0x1], $0x80, $0x38;
	[tilespmem:$0x2080] =	vst v63  }
0x88: {  	s28 =	sadd.s32 $0xA0, s4  }
0x89: {  	[hbm4b:s28+s15] =	stream.linear.scatter [tilespmem:s8], [sflag:$0x1], $0x80, $0x38;
	[tilespmem:$0x2080] =	vst v63  }
0x8a: {  	s24 =	sadd.s32 $0xB0, s4  }
0x8b: {  	[hbm4b:s24+s15] =	stream.linear.scatter [tilespmem:s11], [sflag:$0x1], $0x80, $0x38;
	[tilespmem:$0x2080] =	vst v63  }
0x8c: {  	s25 =	sadd.s32 $0xC0, s4  }
0x8d: {  	[hbm4b:s25+s15] =	stream.linear.scatter [tilespmem:s13], [sflag:$0x1], $0x80, $0x38;
	[tilespmem:$0x2080] =	vst v63  }
0x8e: {  	s28 =	sand.u32 $0x3C00, s15;
	_ =	swait.ge [sflag:s30], $0x680  }
0x8f: {  	s21 =	sshrl.u32 s28, $0x2;
	s15 =	sand.u32 $0x70, s15;
	[sflag:s30] =	ssyncset.done $0x0  }
0x90: {  	s15 =	sor.u32 s15, s21;
	[sflag:s30] =	ssyncadd.s32 $0xFFFFF980  }
0x91: {  	v2 =	vld [tilespmem:s15+$0x80];
	_ =	sdelay $0x1  }
0x92: {  	s24 =	simm.s32 $0x80  }
0x93: {  	s28 =	sand.u32 $0x3C00, s24;
	s25 =	simm.s32 $0x10  }
0x94: {  	s24 =	sshrl.u32 s28, $0x2;
	s21 =	sand.u32 $0x70, s25;
	s15 =	simm.s32 $0xE00  }
0x95: {  	s24 =	sor.u32 s21, s24;
	[tilespmem:s15+$0x0] =	vst v2  }
0x96: {  	v2 =	vld [tilespmem:s24+$0x80]  }
0x97: {  	s21 =	simm.s32 $0x20;
	s24 =	simm.s32 $0x100  }
.LBB2_4:
0x98: {  	s25 =	sand.u32 $0x3C00, s24;
	p1 =	sne.s32 s21, $0x670  }
0x99: {  	s28 =	smov.u32 s21;
	s21 =	sadd.s32 $0x10, s21;
	s15 =	sadd.s32 $0x10, s15  }
.Ltmp1:
0x9a: {  	s28 =	sand.u32 $0x70, s28;
	s25 =	sshrl.u32 s25, $0x2;
	(pc) =	sbr.rel @p1 .LBB2_4-.Ltmp1, $3  }
0x9b: {  	s25 =	sor.u32 s28, s25;
	[tilespmem:s15+$0x0] =	vst v2  }
0x9c: {  	v2 =	vld [tilespmem:s25+$0x80];
	_ =	sdelay $0x1  }
0x9d: {  	s24 =	sadd.s32 $0x80, s24  }
0x9e: {  	_ = 	snop  }
0x9f: {  	s15 =	sadd.s32 $0x10, s15  }
0xa0: {  	[tilespmem:s15+$0x0] =	vst v2;
	s15 =	simm.s32 $0xE00  }
0xa1: {  	[spmem:s23] =	stream.indirect.scatter.add.f32 [tilespmem:s14], [sflag:$0x1], $0x1, s15, s29, $0xb8;
	[tilespmem:$0x2080] =	vst v63  }
0xa2: {  	_ =	swait.ge [sflag:s30], $0x680  }
0xa3: {  	[sflag:s30] =	ssyncset.done $0x0  }
0xa4: {  	s21 =	simm.s32 $0x0;
	s24 =	rddreg [dreg:$0x6];
	[sflag:s30] =	ssyncadd.s32 $0xFFFFF980  }
0xa5: {  	[tilespmem:s21], [sflag:$0x1] =	stream.linear.gather [hbm4b:s24+s21], $0xD00, $0x38;
	[tilespmem:$0x2080] =	vst v63  }
0xa6: {  	_ =	swait.ge [sflag:s30], $0xD00  }
0xa7: {  	[sflag:s30] =	ssyncset.done $0x0  }
0xa8: {  	[sflag:s30] =	ssyncadd.s32 $0xFFFFF300  }
0xa9: {  	[hbm4b:s6+s21] =	stream.linear.scatter [tilespmem:s21], [sflag:$0x1], $0x80, $0x38;
	[tilespmem:$0x2080] =	vst v63  }
0xaa: {  	s28 =	sadd.s32 $0x10, s6;
	s25 =	simm.s32 $0x100  }
0xab: {  	[hbm4b:s28+s21] =	stream.linear.scatter [tilespmem:s25], [sflag:$0x1], $0x80, $0x38;
	[tilespmem:$0x2080] =	vst v63  }
0xac: {  	s25 =	sadd.s32 $0x20, s6;
	s28 =	simm.s32 $0x200  }
0xad: {  	[hbm4b:s25+s21] =	stream.linear.scatter [tilespmem:s28], [sflag:$0x1], $0x80, $0x38;
	[tilespmem:$0x2080] =	vst v63  }
0xae: {  	s25 =	sadd.s32 $0x30, s6;
	s28 =	simm.s32 $0x300  }
0xaf: {  	[hbm4b:s25+s21] =	stream.linear.scatter [tilespmem:s28], [sflag:$0x1], $0x80, $0x38;
	[tilespmem:$0x2080] =	vst v63  }
0xb0: {  	s25 =	sadd.s32 $0x40, s6;
	s28 =	simm.s32 $0x400  }
0xb1: {  	[hbm4b:s25+s21] =	stream.linear.scatter [tilespmem:s28], [sflag:$0x1], $0x80, $0x38;
	[tilespmem:$0x2080] =	vst v63  }
0xb2: {  	s25 =	sadd.s32 $0x50, s6;
	s28 =	simm.s32 $0x500  }
0xb3: {  	[hbm4b:s25+s21] =	stream.linear.scatter [tilespmem:s28], [sflag:$0x1], $0x80, $0x38;
	[tilespmem:$0x2080] =	vst v63  }
0xb4: {  	s25 =	sadd.s32 $0x60, s6;
	s28 =	simm.s32 $0x600  }
0xb5: {  	[hbm4b:s25+s21] =	stream.linear.scatter [tilespmem:s28], [sflag:$0x1], $0x80, $0x38;
	[tilespmem:$0x2080] =	vst v63  }
0xb6: {  	s25 =	sadd.s32 $0x70, s6;
	s28 =	simm.s32 $0x700  }
0xb7: {  	[hbm4b:s25+s21] =	stream.linear.scatter [tilespmem:s28], [sflag:$0x1], $0x80, $0x38;
	[tilespmem:$0x2080] =	vst v63  }
0xb8: {  	s25 =	sadd.s32 $0x80, s6;
	s28 =	simm.s32 $0x800  }
0xb9: {  	[hbm4b:s25+s21] =	stream.linear.scatter [tilespmem:s28], [sflag:$0x1], $0x80, $0x38;
	[tilespmem:$0x2080] =	vst v63  }
0xba: {  	s25 =	sadd.s32 $0x90, s6;
	s28 =	simm.s32 $0x900  }
0xbb: {  	[hbm4b:s25+s21] =	stream.linear.scatter [tilespmem:s28], [sflag:$0x1], $0x80, $0x38;
	[tilespmem:$0x2080] =	vst v63  }
0xbc: {  	s25 =	sadd.s32 $0xA0, s6;
	s28 =	simm.s32 $0xA00  }
0xbd: {  	[hbm4b:s25+s21] =	stream.linear.scatter [tilespmem:s28], [sflag:$0x1], $0x80, $0x38;
	[tilespmem:$0x2080] =	vst v63  }
0xbe: {  	s25 =	sadd.s32 $0xB0, s6;
	s28 =	simm.s32 $0xB00  }
0xbf: {  	[hbm4b:s25+s21] =	stream.linear.scatter [tilespmem:s28], [sflag:$0x1], $0x80, $0x38;
	[tilespmem:$0x2080] =	vst v63  }
0xc0: {  	s25 =	sadd.s32 $0xC0, s6;
	s28 =	simm.s32 $0xC00  }
0xc1: {  	[hbm4b:s25+s21] =	stream.linear.scatter [tilespmem:s28], [sflag:$0x1], $0x80, $0x38;
	[tilespmem:$0x2080] =	vst v63  }
0xc2: {  	_ =	swait.ge [sflag:s30], $0x680  }
0xc3: {  	[sflag:s30] =	ssyncset.done $0x0  }
0xc4: {  	s28 =	simm.s32 $0x80;
	[sflag:s30] =	ssyncadd.s32 $0xFFFFF980  }
0xc5: {  	[hbm4b:s7+s21] =	stream.linear.scatter [tilespmem:s28], [sflag:$0x1], $0x80, $0x38;
	[tilespmem:$0x2080] =	vst v63  }
0xc6: {  	s25 =	sadd.s32 $0x10, s7;
	s28 =	simm.s32 $0x180  }
0xc7: {  	[hbm4b:s25+s21] =	stream.linear.scatter [tilespmem:s28], [sflag:$0x1], $0x80, $0x38;
	[tilespmem:$0x2080] =	vst v63  }
0xc8: {  	s25 =	sadd.s32 $0x20, s7;
	s28 =	simm.s32 $0x280  }
0xc9: {  	[hbm4b:s25+s21] =	stream.linear.scatter [tilespmem:s28], [sflag:$0x1], $0x80, $0x38;
	[tilespmem:$0x2080] =	vst v63  }
0xca: {  	s28 =	sadd.s32 $0x30, s7  }
0xcb: {  	[hbm4b:s28+s21] =	stream.linear.scatter [tilespmem:s26], [sflag:$0x1], $0x80, $0x38;
	[tilespmem:$0x2080] =	vst v63  }
0xcc: {  	s25 =	sadd.s32 $0x40, s7  }
0xcd: {  	[hbm4b:s25+s21] =	stream.linear.scatter [tilespmem:s31], [sflag:$0x1], $0x80, $0x38;
	[tilespmem:$0x2080] =	vst v63  }
0xce: {  	s28 =	sadd.s32 $0x50, s7  }
0xcf: {  	[hbm4b:s28+s21] =	stream.linear.scatter [tilespmem:s22], [sflag:$0x1], $0x80, $0x38;
	[tilespmem:$0x2080] =	vst v63  }
0xd0: {  	s25 =	sadd.s32 $0x60, s7  }
0xd1: {  	[hbm4b:s25+s21] =	stream.linear.scatter [tilespmem:s29], [sflag:$0x1], $0x80, $0x38;
	[tilespmem:$0x2080] =	vst v63  }
0xd2: {  	s28 =	sadd.s32 $0x70, s7  }
0xd3: {  	[hbm4b:s28+s21] =	stream.linear.scatter [tilespmem:s0], [sflag:$0x1], $0x80, $0x38;
	[tilespmem:$0x2080] =	vst v63  }
0xd4: {  	s25 =	sadd.s32 $0x80, s7  }
0xd5: {  	[hbm4b:s25+s21] =	stream.linear.scatter [tilespmem:s2], [sflag:$0x1], $0x80, $0x38;
	[tilespmem:$0x2080] =	vst v63  }
0xd6: {  	s28 =	sadd.s32 $0x90, s7  }
0xd7: {  	[hbm4b:s28+s21] =	stream.linear.scatter [tilespmem:s5], [sflag:$0x1], $0x80, $0x38;
	[tilespmem:$0x2080] =	vst v63  }
0xd8: {  	s25 =	sadd.s32 $0xA0, s7  }
0xd9: {  	[hbm4b:s25+s21] =	stream.linear.scatter [tilespmem:s8], [sflag:$0x1], $0x80, $0x38;
	[tilespmem:$0x2080] =	vst v63  }
0xda: {  	s28 =	sadd.s32 $0xB0, s7  }
0xdb: {  	[hbm4b:s28+s21] =	stream.linear.scatter [tilespmem:s11], [sflag:$0x1], $0x80, $0x38;
	[tilespmem:$0x2080] =	vst v63  }
0xdc: {  	s25 =	sadd.s32 $0xC0, s7  }
0xdd: {  	[hbm4b:s25+s21] =	stream.linear.scatter [tilespmem:s13], [sflag:$0x1], $0x80, $0x38;
	[tilespmem:$0x2080] =	vst v63  }
0xde: {  	s28 =	sand.u32 $0x3C00, s21;
	_ =	swait.ge [sflag:s30], $0x680  }
0xdf: {  	s24 =	sshrl.u32 s28, $0x2;
	s21 =	sand.u32 $0x70, s21;
	[sflag:s30] =	ssyncset.done $0x0  }
0xe0: {  	s21 =	sor.u32 s21, s24;
	[sflag:s30] =	ssyncadd.s32 $0xFFFFF980  }
0xe1: {  	v2 =	vld [tilespmem:s21+$0x80];
	_ =	sdelay $0x1  }
0xe2: {  	s25 =	simm.s32 $0x80  }
0xe3: {  	s28 =	simm.s32 $0x10;
	s21 =	sand.u32 $0x3C00, s25  }
0xe4: {  	s24 =	sand.u32 $0x70, s28;
	s21 =	sshrl.u32 s21, $0x2  }
0xe5: {  	s24 =	sor.u32 s24, s21;
	[tilespmem:s15+$0x0] =	vst v2  }
0xe6: {  	v2 =	vld [tilespmem:s24+$0x80]  }
0xe7: {  	s21 =	simm.s32 $0x20;
	s24 =	simm.s32 $0x100  }
.LBB2_6:
0xe8: {  	s25 =	sand.u32 $0x3C00, s24;
	p1 =	sne.s32 s21, $0x670  }
0xe9: {  	s28 =	smov.u32 s21;
	s21 =	sadd.s32 $0x10, s21;
	s15 =	sadd.s32 $0x10, s15  }
.Ltmp2:
0xea: {  	s28 =	sand.u32 $0x70, s28;
	s25 =	sshrl.u32 s25, $0x2;
	(pc) =	sbr.rel @p1 .LBB2_6-.Ltmp2, $3  }
0xeb: {  	s25 =	sor.u32 s28, s25;
	[tilespmem:s15+$0x0] =	vst v2  }
0xec: {  	v2 =	vld [tilespmem:s25+$0x80];
	_ =	sdelay $0x1  }
0xed: {  	s24 =	sadd.s32 $0x80, s24  }
0xee: {  	_ = 	snop  }
0xef: {  	s15 =	sadd.s32 $0x10, s15  }
0xf0: {  	[tilespmem:s15+$0x0] =	vst v2;
	s15 =	simm.s32 $0xE00  }
0xf1: {  	[spmem:s23] =	stream.indirect.scatter.add.f32 [tilespmem:s14], [sflag:$0x1], $0x1, s15, s29, $0xb8;
	[tilespmem:$0x2080] =	vst v63  }
0xf2: {  	_ =	swait.ge [sflag:s30], $0x680  }
0xf3: {  	[sflag:s30] =	ssyncset.done $0x0  }
0xf4: {  	s21 =	simm.s32 $0x0;
	s24 =	rddreg [dreg:$0x7];
	[sflag:s30] =	ssyncadd.s32 $0xFFFFF980  }
0xf5: {  	[tilespmem:s21], [sflag:$0x1] =	stream.linear.gather [hbm4b:s24+s21], $0xD00, $0x38;
	[tilespmem:$0x2080] =	vst v63  }
0xf6: {  	_ =	swait.ge [sflag:s30], $0xD00  }
0xf7: {  	[sflag:s30] =	ssyncset.done $0x0  }
0xf8: {  	[sflag:s30] =	ssyncadd.s32 $0xFFFFF300  }
0xf9: {  	[hbm4b:s9+s21] =	stream.linear.scatter [tilespmem:s21], [sflag:$0x1], $0x80, $0x38;
	[tilespmem:$0x2080] =	vst v63  }
0xfa: {  	s28 =	sadd.s32 $0x10, s9;
	s25 =	simm.s32 $0x100  }
0xfb: {  	[hbm4b:s28+s21] =	stream.linear.scatter [tilespmem:s25], [sflag:$0x1], $0x80, $0x38;
	[tilespmem:$0x2080] =	vst v63  }
0xfc: {  	s25 =	sadd.s32 $0x20, s9;
	s28 =	simm.s32 $0x200  }
0xfd: {  	[hbm4b:s25+s21] =	stream.linear.scatter [tilespmem:s28], [sflag:$0x1], $0x80, $0x38;
	[tilespmem:$0x2080] =	vst v63  }
0xfe: {  	s25 =	sadd.s32 $0x30, s9;
	s28 =	simm.s32 $0x300  }
0xff: {  	[hbm4b:s25+s21] =	stream.linear.scatter [tilespmem:s28], [sflag:$0x1], $0x80, $0x38;
	[tilespmem:$0x2080] =	vst v63  }
0x100: {  	s25 =	sadd.s32 $0x40, s9;
	s28 =	simm.s32 $0x400  }
0x101: {  	[hbm4b:s25+s21] =	stream.linear.scatter [tilespmem:s28], [sflag:$0x1], $0x80, $0x38;
	[tilespmem:$0x2080] =	vst v63  }
0x102: {  	s25 =	sadd.s32 $0x50, s9;
	s28 =	simm.s32 $0x500  }
0x103: {  	[hbm4b:s25+s21] =	stream.linear.scatter [tilespmem:s28], [sflag:$0x1], $0x80, $0x38;
	[tilespmem:$0x2080] =	vst v63  }
0x104: {  	s25 =	sadd.s32 $0x60, s9;
	s28 =	simm.s32 $0x600  }
0x105: {  	[hbm4b:s25+s21] =	stream.linear.scatter [tilespmem:s28], [sflag:$0x1], $0x80, $0x38;
	[tilespmem:$0x2080] =	vst v63  }
0x106: {  	s25 =	sadd.s32 $0x70, s9;
	s28 =	simm.s32 $0x700  }
0x107: {  	[hbm4b:s25+s21] =	stream.linear.scatter [tilespmem:s28], [sflag:$0x1], $0x80, $0x38;
	[tilespmem:$0x2080] =	vst v63  }
0x108: {  	s25 =	sadd.s32 $0x80, s9;
	s28 =	simm.s32 $0x800  }
0x109: {  	[hbm4b:s25+s21] =	stream.linear.scatter [tilespmem:s28], [sflag:$0x1], $0x80, $0x38;
	[tilespmem:$0x2080] =	vst v63  }
0x10a: {  	s25 =	sadd.s32 $0x90, s9;
	s28 =	simm.s32 $0x900  }
0x10b: {  	[hbm4b:s25+s21] =	stream.linear.scatter [tilespmem:s28], [sflag:$0x1], $0x80, $0x38;
	[tilespmem:$0x2080] =	vst v63  }
0x10c: {  	s25 =	sadd.s32 $0xA0, s9;
	s28 =	simm.s32 $0xA00  }
0x10d: {  	[hbm4b:s25+s21] =	stream.linear.scatter [tilespmem:s28], [sflag:$0x1], $0x80, $0x38;
	[tilespmem:$0x2080] =	vst v63  }
0x10e: {  	s25 =	sadd.s32 $0xB0, s9;
	s28 =	simm.s32 $0xB00  }
0x10f: {  	[hbm4b:s25+s21] =	stream.linear.scatter [tilespmem:s28], [sflag:$0x1], $0x80, $0x38;
	[tilespmem:$0x2080] =	vst v63  }
0x110: {  	s25 =	sadd.s32 $0xC0, s9;
	s28 =	simm.s32 $0xC00  }
0x111: {  	[hbm4b:s25+s21] =	stream.linear.scatter [tilespmem:s28], [sflag:$0x1], $0x80, $0x38;
	[tilespmem:$0x2080] =	vst v63  }
0x112: {  	_ =	swait.ge [sflag:s30], $0x680  }
0x113: {  	[sflag:s30] =	ssyncset.done $0x0  }
0x114: {  	s28 =	simm.s32 $0x80;
	[sflag:s30] =	ssyncadd.s32 $0xFFFFF980  }
0x115: {  	[hbm4b:s10+s21] =	stream.linear.scatter [tilespmem:s28], [sflag:$0x1], $0x80, $0x38;
	[tilespmem:$0x2080] =	vst v63  }
0x116: {  	s25 =	sadd.s32 $0x10, s10;
	s28 =	simm.s32 $0x180  }
0x117: {  	[hbm4b:s25+s21] =	stream.linear.scatter [tilespmem:s28], [sflag:$0x1], $0x80, $0x38;
	[tilespmem:$0x2080] =	vst v63  }
0x118: {  	s25 =	sadd.s32 $0x20, s10;
	s28 =	simm.s32 $0x280  }
0x119: {  	[hbm4b:s25+s21] =	stream.linear.scatter [tilespmem:s28], [sflag:$0x1], $0x80, $0x38;
	[tilespmem:$0x2080] =	vst v63  }
0x11a: {  	s28 =	sadd.s32 $0x30, s10  }
0x11b: {  	[hbm4b:s28+s21] =	stream.linear.scatter [tilespmem:s26], [sflag:$0x1], $0x80, $0x38;
	[tilespmem:$0x2080] =	vst v63  }
0x11c: {  	s25 =	sadd.s32 $0x40, s10  }
0x11d: {  	[hbm4b:s25+s21] =	stream.linear.scatter [tilespmem:s31], [sflag:$0x1], $0x80, $0x38;
	[tilespmem:$0x2080] =	vst v63  }
0x11e: {  	s28 =	sadd.s32 $0x50, s10  }
0x11f: {  	[hbm4b:s28+s21] =	stream.linear.scatter [tilespmem:s22], [sflag:$0x1], $0x80, $0x38;
	[tilespmem:$0x2080] =	vst v63  }
0x120: {  	s25 =	sadd.s32 $0x60, s10  }
0x121: {  	[hbm4b:s25+s21] =	stream.linear.scatter [tilespmem:s29], [sflag:$0x1], $0x80, $0x38;
	[tilespmem:$0x2080] =	vst v63  }
0x122: {  	s28 =	sadd.s32 $0x70, s10  }
0x123: {  	[hbm4b:s28+s21] =	stream.linear.scatter [tilespmem:s0], [sflag:$0x1], $0x80, $0x38;
	[tilespmem:$0x2080] =	vst v63  }
0x124: {  	s25 =	sadd.s32 $0x80, s10  }
0x125: {  	[hbm4b:s25+s21] =	stream.linear.scatter [tilespmem:s2], [sflag:$0x1], $0x80, $0x38;
	[tilespmem:$0x2080] =	vst v63  }
0x126: {  	s28 =	sadd.s32 $0x90, s10  }
0x127: {  	[hbm4b:s28+s21] =	stream.linear.scatter [tilespmem:s5], [sflag:$0x1], $0x80, $0x38;
	[tilespmem:$0x2080] =	vst v63  }
0x128: {  	s25 =	sadd.s32 $0xA0, s10  }
0x129: {  	[hbm4b:s25+s21] =	stream.linear.scatter [tilespmem:s8], [sflag:$0x1], $0x80, $0x38;
	[tilespmem:$0x2080] =	vst v63  }
0x12a: {  	s28 =	sadd.s32 $0xB0, s10  }
0x12b: {  	[hbm4b:s28+s21] =	stream.linear.scatter [tilespmem:s11], [sflag:$0x1], $0x80, $0x38;
	[tilespmem:$0x2080] =	vst v63  }
0x12c: {  	s25 =	sadd.s32 $0xC0, s10  }
0x12d: {  	[hbm4b:s25+s21] =	stream.linear.scatter [tilespmem:s13], [sflag:$0x1], $0x80, $0x38;
	[tilespmem:$0x2080] =	vst v63  }
0x12e: {  	s28 =	sand.u32 $0x3C00, s21;
	_ =	swait.ge [sflag:s30], $0x680  }
0x12f: {  	s24 =	sshrl.u32 s28, $0x2;
	s21 =	sand.u32 $0x70, s21;
	[sflag:s30] =	ssyncset.done $0x0  }
0x130: {  	s21 =	sor.u32 s21, s24;
	[sflag:s30] =	ssyncadd.s32 $0xFFFFF980  }
0x131: {  	v2 =	vld [tilespmem:s21+$0x80];
	_ =	sdelay $0x1  }
0x132: {  	s25 =	simm.s32 $0x80  }
0x133: {  	s28 =	simm.s32 $0x10;
	s21 =	sand.u32 $0x3C00, s25  }
0x134: {  	s24 =	sand.u32 $0x70, s28;
	s21 =	sshrl.u32 s21, $0x2  }
0x135: {  	s24 =	sor.u32 s24, s21;
	[tilespmem:s15+$0x0] =	vst v2  }
0x136: {  	v2 =	vld [tilespmem:s24+$0x80]  }
0x137: {  	s21 =	simm.s32 $0x20;
	s24 =	simm.s32 $0x100  }
.LBB2_8:
0x138: {  	s25 =	sand.u32 $0x3C00, s24;
	p1 =	sne.s32 s21, $0x670  }
0x139: {  	s28 =	smov.u32 s21;
	s21 =	sadd.s32 $0x10, s21;
	s15 =	sadd.s32 $0x10, s15  }
.Ltmp3:
0x13a: {  	s28 =	sand.u32 $0x70, s28;
	s25 =	sshrl.u32 s25, $0x2;
	(pc) =	sbr.rel @p1 .LBB2_8-.Ltmp3, $3  }
0x13b: {  	s25 =	sor.u32 s28, s25;
	[tilespmem:s15+$0x0] =	vst v2  }
0x13c: {  	v2 =	vld [tilespmem:s25+$0x80];
	_ =	sdelay $0x1  }
0x13d: {  	s24 =	sadd.s32 $0x80, s24  }
0x13e: {  	_ = 	snop  }
0x13f: {  	s15 =	sadd.s32 $0x10, s15  }
0x140: {  	[tilespmem:s15+$0x0] =	vst v2;
	s15 =	simm.s32 $0xE00  }
0x141: {  	[spmem:s23] =	stream.indirect.scatter.add.f32 [tilespmem:s14], [sflag:$0x1], $0x1, s15, s29, $0xb8;
	[tilespmem:$0x2080] =	vst v63  }
0x142: {  	_ =	swait.ge [sflag:s30], $0x680  }
0x143: {  	[sflag:s30] =	ssyncset.done $0x0  }
0x144: {  	s21 =	simm.s32 $0x0;
	s24 =	rddreg [dreg:$0x8];
	[sflag:s30] =	ssyncadd.s32 $0xFFFFF980  }
0x145: {  	[tilespmem:s21], [sflag:$0x1] =	stream.linear.gather [hbm4b:s24+s21], $0xD00, $0x38;
	[tilespmem:$0x2080] =	vst v63  }
0x146: {  	_ =	swait.ge [sflag:s30], $0xD00  }
0x147: {  	[sflag:s30] =	ssyncset.done $0x0  }
0x148: {  	[sflag:s30] =	ssyncadd.s32 $0xFFFFF300  }
0x149: {  	[hbm4b:s12+s21] =	stream.linear.scatter [tilespmem:s21], [sflag:$0x1], $0x80, $0x38;
	[tilespmem:$0x2080] =	vst v63  }
0x14a: {  	s28 =	sadd.s32 $0x10, s12;
	s25 =	simm.s32 $0x100  }
0x14b: {  	[hbm4b:s28+s21] =	stream.linear.scatter [tilespmem:s25], [sflag:$0x1], $0x80, $0x38;
	[tilespmem:$0x2080] =	vst v63  }
0x14c: {  	s25 =	sadd.s32 $0x20, s12;
	s28 =	simm.s32 $0x200  }
0x14d: {  	[hbm4b:s25+s21] =	stream.linear.scatter [tilespmem:s28], [sflag:$0x1], $0x80, $0x38;
	[tilespmem:$0x2080] =	vst v63  }
0x14e: {  	s25 =	sadd.s32 $0x30, s12;
	s28 =	simm.s32 $0x300  }
0x14f: {  	[hbm4b:s25+s21] =	stream.linear.scatter [tilespmem:s28], [sflag:$0x1], $0x80, $0x38;
	[tilespmem:$0x2080] =	vst v63  }
0x150: {  	s25 =	sadd.s32 $0x40, s12;
	s28 =	simm.s32 $0x400  }
0x151: {  	[hbm4b:s25+s21] =	stream.linear.scatter [tilespmem:s28], [sflag:$0x1], $0x80, $0x38;
	[tilespmem:$0x2080] =	vst v63  }
0x152: {  	s25 =	sadd.s32 $0x50, s12;
	s28 =	simm.s32 $0x500  }
0x153: {  	[hbm4b:s25+s21] =	stream.linear.scatter [tilespmem:s28], [sflag:$0x1], $0x80, $0x38;
	[tilespmem:$0x2080] =	vst v63  }
0x154: {  	s25 =	sadd.s32 $0x60, s12;
	s28 =	simm.s32 $0x600  }
0x155: {  	[hbm4b:s25+s21] =	stream.linear.scatter [tilespmem:s28], [sflag:$0x1], $0x80, $0x38;
	[tilespmem:$0x2080] =	vst v63  }
0x156: {  	s25 =	sadd.s32 $0x70, s12;
	s28 =	simm.s32 $0x700  }
0x157: {  	[hbm4b:s25+s21] =	stream.linear.scatter [tilespmem:s28], [sflag:$0x1], $0x80, $0x38;
	[tilespmem:$0x2080] =	vst v63  }
0x158: {  	s25 =	sadd.s32 $0x80, s12;
	s28 =	simm.s32 $0x800  }
0x159: {  	[hbm4b:s25+s21] =	stream.linear.scatter [tilespmem:s28], [sflag:$0x1], $0x80, $0x38;
	[tilespmem:$0x2080] =	vst v63  }
0x15a: {  	s25 =	sadd.s32 $0x90, s12;
	s28 =	simm.s32 $0x900  }
0x15b: {  	[hbm4b:s25+s21] =	stream.linear.scatter [tilespmem:s28], [sflag:$0x1], $0x80, $0x38;
	[tilespmem:$0x2080] =	vst v63  }
0x15c: {  	s25 =	sadd.s32 $0xA0, s12;
	s28 =	simm.s32 $0xA00  }
0x15d: {  	[hbm4b:s25+s21] =	stream.linear.scatter [tilespmem:s28], [sflag:$0x1], $0x80, $0x38;
	[tilespmem:$0x2080] =	vst v63  }
0x15e: {  	s25 =	sadd.s32 $0xB0, s12;
	s28 =	simm.s32 $0xB00  }
0x15f: {  	[hbm4b:s25+s21] =	stream.linear.scatter [tilespmem:s28], [sflag:$0x1], $0x80, $0x38;
	[tilespmem:$0x2080] =	vst v63  }
0x160: {  	s25 =	sadd.s32 $0xC0, s12;
	s28 =	simm.s32 $0xC00  }
0x161: {  	[hbm4b:s25+s21] =	stream.linear.scatter [tilespmem:s28], [sflag:$0x1], $0x80, $0x38;
	[tilespmem:$0x2080] =	vst v63  }
0x162: {  	_ =	swait.ge [sflag:s30], $0x680  }
0x163: {  	[sflag:s30] =	ssyncset.done $0x0  }
0x164: {  	s28 =	simm.s32 $0x80;
	[sflag:s30] =	ssyncadd.s32 $0xFFFFF980  }
0x165: {  	[hbm4b:s16+s21] =	stream.linear.scatter [tilespmem:s28], [sflag:$0x1], $0x80, $0x38;
	[tilespmem:$0x2080] =	vst v63  }
0x166: {  	s25 =	sadd.s32 $0x10, s16;
	s28 =	simm.s32 $0x180  }
0x167: {  	[hbm4b:s25+s21] =	stream.linear.scatter [tilespmem:s28], [sflag:$0x1], $0x80, $0x38;
	[tilespmem:$0x2080] =	vst v63  }
0x168: {  	s25 =	sadd.s32 $0x20, s16;
	s28 =	simm.s32 $0x280  }
0x169: {  	[hbm4b:s25+s21] =	stream.linear.scatter [tilespmem:s28], [sflag:$0x1], $0x80, $0x38;
	[tilespmem:$0x2080] =	vst v63  }
0x16a: {  	s28 =	sadd.s32 $0x30, s16  }
0x16b: {  	[hbm4b:s28+s21] =	stream.linear.scatter [tilespmem:s26], [sflag:$0x1], $0x80, $0x38;
	[tilespmem:$0x2080] =	vst v63  }
0x16c: {  	s25 =	sadd.s32 $0x40, s16  }
0x16d: {  	[hbm4b:s25+s21] =	stream.linear.scatter [tilespmem:s31], [sflag:$0x1], $0x80, $0x38;
	[tilespmem:$0x2080] =	vst v63  }
0x16e: {  	s28 =	sadd.s32 $0x50, s16  }
0x16f: {  	[hbm4b:s28+s21] =	stream.linear.scatter [tilespmem:s22], [sflag:$0x1], $0x80, $0x38;
	[tilespmem:$0x2080] =	vst v63  }
0x170: {  	s25 =	sadd.s32 $0x60, s16  }
0x171: {  	[hbm4b:s25+s21] =	stream.linear.scatter [tilespmem:s29], [sflag:$0x1], $0x80, $0x38;
	[tilespmem:$0x2080] =	vst v63  }
0x172: {  	s28 =	sadd.s32 $0x70, s16  }
0x173: {  	[hbm4b:s28+s21] =	stream.linear.scatter [tilespmem:s0], [sflag:$0x1], $0x80, $0x38;
	[tilespmem:$0x2080] =	vst v63  }
0x174: {  	s25 =	sadd.s32 $0x80, s16  }
0x175: {  	[hbm4b:s25+s21] =	stream.linear.scatter [tilespmem:s2], [sflag:$0x1], $0x80, $0x38;
	[tilespmem:$0x2080] =	vst v63  }
0x176: {  	s28 =	sadd.s32 $0x90, s16  }
0x177: {  	[hbm4b:s28+s21] =	stream.linear.scatter [tilespmem:s5], [sflag:$0x1], $0x80, $0x38;
	[tilespmem:$0x2080] =	vst v63  }
0x178: {  	s25 =	sadd.s32 $0xA0, s16  }
0x179: {  	[hbm4b:s25+s21] =	stream.linear.scatter [tilespmem:s8], [sflag:$0x1], $0x80, $0x38;
	[tilespmem:$0x2080] =	vst v63  }
0x17a: {  	s28 =	sadd.s32 $0xB0, s16  }
0x17b: {  	[hbm4b:s28+s21] =	stream.linear.scatter [tilespmem:s11], [sflag:$0x1], $0x80, $0x38;
	[tilespmem:$0x2080] =	vst v63  }
0x17c: {  	s25 =	sadd.s32 $0xC0, s16  }
0x17d: {  	[hbm4b:s25+s21] =	stream.linear.scatter [tilespmem:s13], [sflag:$0x1], $0x80, $0x38;
	[tilespmem:$0x2080] =	vst v63  }
0x17e: {  	s28 =	sand.u32 $0x3C00, s21;
	_ =	swait.ge [sflag:s30], $0x680  }
0x17f: {  	s24 =	sshrl.u32 s28, $0x2;
	s21 =	sand.u32 $0x70, s21;
	[sflag:s30] =	ssyncset.done $0x0  }
0x180: {  	s21 =	sor.u32 s21, s24;
	[sflag:s30] =	ssyncadd.s32 $0xFFFFF980  }
0x181: {  	v2 =	vld [tilespmem:s21+$0x80];
	_ =	sdelay $0x1  }
0x182: {  	s25 =	simm.s32 $0x80  }
0x183: {  	s28 =	simm.s32 $0x10;
	s21 =	sand.u32 $0x3C00, s25  }
0x184: {  	s24 =	sand.u32 $0x70, s28;
	s21 =	sshrl.u32 s21, $0x2  }
0x185: {  	s24 =	sor.u32 s24, s21;
	[tilespmem:s15+$0x0] =	vst v2  }
0x186: {  	v2 =	vld [tilespmem:s24+$0x80]  }
0x187: {  	s21 =	simm.s32 $0x20;
	s24 =	simm.s32 $0x100  }
.LBB2_10:
0x188: {  	s25 =	sand.u32 $0x3C00, s24;
	p1 =	sne.s32 s21, $0x670  }
0x189: {  	s28 =	smov.u32 s21;
	s21 =	sadd.s32 $0x10, s21;
	s15 =	sadd.s32 $0x10, s15  }
.Ltmp4:
0x18a: {  	s28 =	sand.u32 $0x70, s28;
	s25 =	sshrl.u32 s25, $0x2;
	(pc) =	sbr.rel @p1 .LBB2_10-.Ltmp4, $3  }
0x18b: {  	s25 =	sor.u32 s28, s25;
	[tilespmem:s15+$0x0] =	vst v2  }
0x18c: {  	v2 =	vld [tilespmem:s25+$0x80];
	_ =	sdelay $0x1  }
0x18d: {  	s24 =	sadd.s32 $0x80, s24  }
0x18e: {  	_ = 	snop  }
0x18f: {  	s15 =	sadd.s32 $0x10, s15  }
0x190: {  	[tilespmem:s15+$0x0] =	vst v2;
	s15 =	simm.s32 $0xE00  }
0x191: {  	[spmem:s23] =	stream.indirect.scatter.add.f32 [tilespmem:s14], [sflag:$0x1], $0x1, s15, s29, $0xb8;
	[tilespmem:$0x2080] =	vst v63  }
0x192: {  	_ =	swait.ge [sflag:s30], $0x680  }
0x193: {  	[sflag:s30] =	ssyncset.done $0x0  }
0x194: {  	s21 =	simm.s32 $0x0;
	s24 =	rddreg [dreg:$0x9];
	[sflag:s30] =	ssyncadd.s32 $0xFFFFF980  }
0x195: {  	[tilespmem:s21], [sflag:$0x1] =	stream.linear.gather [hbm4b:s24+s21], $0xD00, $0x38;
	[tilespmem:$0x2080] =	vst v63  }
0x196: {  	_ =	swait.ge [sflag:s30], $0xD00  }
0x197: {  	[sflag:s30] =	ssyncset.done $0x0  }
0x198: {  	[sflag:s30] =	ssyncadd.s32 $0xFFFFF300  }
0x199: {  	[hbm4b:s17+s21] =	stream.linear.scatter [tilespmem:s21], [sflag:$0x1], $0x80, $0x38;
	[tilespmem:$0x2080] =	vst v63  }
0x19a: {  	s28 =	sadd.s32 $0x10, s17;
	s25 =	simm.s32 $0x100  }
0x19b: {  	[hbm4b:s28+s21] =	stream.linear.scatter [tilespmem:s25], [sflag:$0x1], $0x80, $0x38;
	[tilespmem:$0x2080] =	vst v63  }
0x19c: {  	s25 =	sadd.s32 $0x20, s17;
	s28 =	simm.s32 $0x200  }
0x19d: {  	[hbm4b:s25+s21] =	stream.linear.scatter [tilespmem:s28], [sflag:$0x1], $0x80, $0x38;
	[tilespmem:$0x2080] =	vst v63  }
0x19e: {  	s25 =	sadd.s32 $0x30, s17;
	s28 =	simm.s32 $0x300  }
0x19f: {  	[hbm4b:s25+s21] =	stream.linear.scatter [tilespmem:s28], [sflag:$0x1], $0x80, $0x38;
	[tilespmem:$0x2080] =	vst v63  }
0x1a0: {  	s25 =	sadd.s32 $0x40, s17;
	s28 =	simm.s32 $0x400  }
0x1a1: {  	[hbm4b:s25+s21] =	stream.linear.scatter [tilespmem:s28], [sflag:$0x1], $0x80, $0x38;
	[tilespmem:$0x2080] =	vst v63  }
0x1a2: {  	s25 =	sadd.s32 $0x50, s17;
	s28 =	simm.s32 $0x500  }
0x1a3: {  	[hbm4b:s25+s21] =	stream.linear.scatter [tilespmem:s28], [sflag:$0x1], $0x80, $0x38;
	[tilespmem:$0x2080] =	vst v63  }
0x1a4: {  	s25 =	sadd.s32 $0x60, s17;
	s28 =	simm.s32 $0x600  }
0x1a5: {  	[hbm4b:s25+s21] =	stream.linear.scatter [tilespmem:s28], [sflag:$0x1], $0x80, $0x38;
	[tilespmem:$0x2080] =	vst v63  }
0x1a6: {  	s25 =	sadd.s32 $0x70, s17;
	s28 =	simm.s32 $0x700  }
0x1a7: {  	[hbm4b:s25+s21] =	stream.linear.scatter [tilespmem:s28], [sflag:$0x1], $0x80, $0x38;
	[tilespmem:$0x2080] =	vst v63  }
0x1a8: {  	s25 =	sadd.s32 $0x80, s17;
	s28 =	simm.s32 $0x800  }
0x1a9: {  	[hbm4b:s25+s21] =	stream.linear.scatter [tilespmem:s28], [sflag:$0x1], $0x80, $0x38;
	[tilespmem:$0x2080] =	vst v63  }
0x1aa: {  	s25 =	sadd.s32 $0x90, s17;
	s28 =	simm.s32 $0x900  }
0x1ab: {  	[hbm4b:s25+s21] =	stream.linear.scatter [tilespmem:s28], [sflag:$0x1], $0x80, $0x38;
	[tilespmem:$0x2080] =	vst v63  }
0x1ac: {  	s25 =	sadd.s32 $0xA0, s17;
	s28 =	simm.s32 $0xA00  }
0x1ad: {  	[hbm4b:s25+s21] =	stream.linear.scatter [tilespmem:s28], [sflag:$0x1], $0x80, $0x38;
	[tilespmem:$0x2080] =	vst v63  }
0x1ae: {  	s25 =	sadd.s32 $0xB0, s17;
	s28 =	simm.s32 $0xB00  }
0x1af: {  	[hbm4b:s25+s21] =	stream.linear.scatter [tilespmem:s28], [sflag:$0x1], $0x80, $0x38;
	[tilespmem:$0x2080] =	vst v63  }
0x1b0: {  	s25 =	sadd.s32 $0xC0, s17;
	s28 =	simm.s32 $0xC00  }
0x1b1: {  	[hbm4b:s25+s21] =	stream.linear.scatter [tilespmem:s28], [sflag:$0x1], $0x80, $0x38;
	[tilespmem:$0x2080] =	vst v63  }
0x1b2: {  	_ =	swait.ge [sflag:s30], $0x680  }
0x1b3: {  	[sflag:s30] =	ssyncset.done $0x0  }
0x1b4: {  	s28 =	simm.s32 $0x80;
	[sflag:s30] =	ssyncadd.s32 $0xFFFFF980  }
0x1b5: {  	[hbm4b:s18+s21] =	stream.linear.scatter [tilespmem:s28], [sflag:$0x1], $0x80, $0x38;
	[tilespmem:$0x2080] =	vst v63  }
0x1b6: {  	s25 =	sadd.s32 $0x10, s18;
	s28 =	simm.s32 $0x180  }
0x1b7: {  	[hbm4b:s25+s21] =	stream.linear.scatter [tilespmem:s28], [sflag:$0x1], $0x80, $0x38;
	[tilespmem:$0x2080] =	vst v63  }
0x1b8: {  	s25 =	sadd.s32 $0x20, s18;
	s28 =	simm.s32 $0x280  }
0x1b9: {  	[hbm4b:s25+s21] =	stream.linear.scatter [tilespmem:s28], [sflag:$0x1], $0x80, $0x38;
	[tilespmem:$0x2080] =	vst v63  }
0x1ba: {  	s28 =	sadd.s32 $0x30, s18  }
0x1bb: {  	[hbm4b:s28+s21] =	stream.linear.scatter [tilespmem:s26], [sflag:$0x1], $0x80, $0x38;
	[tilespmem:$0x2080] =	vst v63  }
0x1bc: {  	s25 =	sadd.s32 $0x40, s18  }
0x1bd: {  	[hbm4b:s25+s21] =	stream.linear.scatter [tilespmem:s31], [sflag:$0x1], $0x80, $0x38;
	[tilespmem:$0x2080] =	vst v63  }
0x1be: {  	s28 =	sadd.s32 $0x50, s18  }
0x1bf: {  	[hbm4b:s28+s21] =	stream.linear.scatter [tilespmem:s22], [sflag:$0x1], $0x80, $0x38;
	[tilespmem:$0x2080] =	vst v63  }
0x1c0: {  	s25 =	sadd.s32 $0x60, s18  }
0x1c1: {  	[hbm4b:s25+s21] =	stream.linear.scatter [tilespmem:s29], [sflag:$0x1], $0x80, $0x38;
	[tilespmem:$0x2080] =	vst v63  }
0x1c2: {  	s28 =	sadd.s32 $0x70, s18  }
0x1c3: {  	[hbm4b:s28+s21] =	stream.linear.scatter [tilespmem:s0], [sflag:$0x1], $0x80, $0x38;
	[tilespmem:$0x2080] =	vst v63  }
0x1c4: {  	s25 =	sadd.s32 $0x80, s18  }
0x1c5: {  	[hbm4b:s25+s21] =	stream.linear.scatter [tilespmem:s2], [sflag:$0x1], $0x80, $0x38;
	[tilespmem:$0x2080] =	vst v63  }
0x1c6: {  	s28 =	sadd.s32 $0x90, s18  }
0x1c7: {  	[hbm4b:s28+s21] =	stream.linear.scatter [tilespmem:s5], [sflag:$0x1], $0x80, $0x38;
	[tilespmem:$0x2080] =	vst v63  }
0x1c8: {  	s25 =	sadd.s32 $0xA0, s18  }
0x1c9: {  	[hbm4b:s25+s21] =	stream.linear.scatter [tilespmem:s8], [sflag:$0x1], $0x80, $0x38;
	[tilespmem:$0x2080] =	vst v63  }
0x1ca: {  	s28 =	sadd.s32 $0xB0, s18  }
0x1cb: {  	[hbm4b:s28+s21] =	stream.linear.scatter [tilespmem:s11], [sflag:$0x1], $0x80, $0x38;
	[tilespmem:$0x2080] =	vst v63  }
0x1cc: {  	s25 =	sadd.s32 $0xC0, s18  }
0x1cd: {  	[hbm4b:s25+s21] =	stream.linear.scatter [tilespmem:s13], [sflag:$0x1], $0x80, $0x38;
	[tilespmem:$0x2080] =	vst v63  }
0x1ce: {  	s28 =	sand.u32 $0x3C00, s21;
	_ =	swait.ge [sflag:s30], $0x680  }
0x1cf: {  	s24 =	sshrl.u32 s28, $0x2;
	s21 =	sand.u32 $0x70, s21;
	[sflag:s30] =	ssyncset.done $0x0  }
0x1d0: {  	s21 =	sor.u32 s21, s24;
	[sflag:s30] =	ssyncadd.s32 $0xFFFFF980  }
0x1d1: {  	v2 =	vld [tilespmem:s21+$0x80];
	_ =	sdelay $0x1  }
0x1d2: {  	s25 =	simm.s32 $0x80  }
0x1d3: {  	s28 =	simm.s32 $0x10;
	s21 =	sand.u32 $0x3C00, s25  }
0x1d4: {  	s24 =	sand.u32 $0x70, s28;
	s21 =	sshrl.u32 s21, $0x2  }
0x1d5: {  	s24 =	sor.u32 s24, s21;
	[tilespmem:s15+$0x0] =	vst v2  }
0x1d6: {  	v2 =	vld [tilespmem:s24+$0x80]  }
0x1d7: {  	s21 =	simm.s32 $0x20;
	s24 =	simm.s32 $0x100  }
.LBB2_12:
0x1d8: {  	s25 =	sand.u32 $0x3C00, s24;
	p1 =	sne.s32 s21, $0x670  }
0x1d9: {  	s28 =	smov.u32 s21;
	s21 =	sadd.s32 $0x10, s21;
	s15 =	sadd.s32 $0x10, s15  }
.Ltmp5:
0x1da: {  	s28 =	sand.u32 $0x70, s28;
	s25 =	sshrl.u32 s25, $0x2;
	(pc) =	sbr.rel @p1 .LBB2_12-.Ltmp5, $3  }
0x1db: {  	s25 =	sor.u32 s28, s25;
	[tilespmem:s15+$0x0] =	vst v2  }
0x1dc: {  	v2 =	vld [tilespmem:s25+$0x80];
	_ =	sdelay $0x1  }
0x1dd: {  	s24 =	sadd.s32 $0x80, s24  }
0x1de: {  	_ = 	snop  }
0x1df: {  	s15 =	sadd.s32 $0x10, s15  }
0x1e0: {  	[tilespmem:s15+$0x0] =	vst v2;
	s15 =	simm.s32 $0xE00  }
0x1e1: {  	[spmem:s23] =	stream.indirect.scatter.add.f32 [tilespmem:s14], [sflag:$0x1], $0x1, s15, s29, $0xb8;
	[tilespmem:$0x2080] =	vst v63  }
0x1e2: {  	_ =	swait.ge [sflag:s30], $0x680  }
0x1e3: {  	[sflag:s30] =	ssyncset.done $0x0  }
0x1e4: {  	s21 =	simm.s32 $0x0;
	s24 =	rddreg [dreg:$0xa];
	[sflag:s30] =	ssyncadd.s32 $0xFFFFF980  }
0x1e5: {  	[tilespmem:s21], [sflag:$0x1] =	stream.linear.gather [hbm4b:s24+s21], $0xD00, $0x38;
	[tilespmem:$0x2080] =	vst v63  }
0x1e6: {  	_ =	swait.ge [sflag:s30], $0xD00  }
0x1e7: {  	[sflag:s30] =	ssyncset.done $0x0  }
0x1e8: {  	[sflag:s30] =	ssyncadd.s32 $0xFFFFF300  }
0x1e9: {  	[hbm4b:s19+s21] =	stream.linear.scatter [tilespmem:s21], [sflag:$0x1], $0x80, $0x38;
	[tilespmem:$0x2080] =	vst v63  }
0x1ea: {  	s28 =	sadd.s32 $0x10, s19;
	s25 =	simm.s32 $0x100  }
0x1eb: {  	[hbm4b:s28+s21] =	stream.linear.scatter [tilespmem:s25], [sflag:$0x1], $0x80, $0x38;
	[tilespmem:$0x2080] =	vst v63  }
0x1ec: {  	s25 =	sadd.s32 $0x20, s19;
	s28 =	simm.s32 $0x200  }
0x1ed: {  	[hbm4b:s25+s21] =	stream.linear.scatter [tilespmem:s28], [sflag:$0x1], $0x80, $0x38;
	[tilespmem:$0x2080] =	vst v63  }
0x1ee: {  	s25 =	sadd.s32 $0x30, s19;
	s28 =	simm.s32 $0x300  }
0x1ef: {  	[hbm4b:s25+s21] =	stream.linear.scatter [tilespmem:s28], [sflag:$0x1], $0x80, $0x38;
	[tilespmem:$0x2080] =	vst v63  }
0x1f0: {  	s25 =	sadd.s32 $0x40, s19;
	s28 =	simm.s32 $0x400  }
0x1f1: {  	[hbm4b:s25+s21] =	stream.linear.scatter [tilespmem:s28], [sflag:$0x1], $0x80, $0x38;
	[tilespmem:$0x2080] =	vst v63  }
0x1f2: {  	s25 =	sadd.s32 $0x50, s19;
	s28 =	simm.s32 $0x500  }
0x1f3: {  	[hbm4b:s25+s21] =	stream.linear.scatter [tilespmem:s28], [sflag:$0x1], $0x80, $0x38;
	[tilespmem:$0x2080] =	vst v63  }
0x1f4: {  	s25 =	sadd.s32 $0x60, s19;
	s28 =	simm.s32 $0x600  }
0x1f5: {  	[hbm4b:s25+s21] =	stream.linear.scatter [tilespmem:s28], [sflag:$0x1], $0x80, $0x38;
	[tilespmem:$0x2080] =	vst v63  }
0x1f6: {  	s25 =	sadd.s32 $0x70, s19;
	s28 =	simm.s32 $0x700  }
0x1f7: {  	[hbm4b:s25+s21] =	stream.linear.scatter [tilespmem:s28], [sflag:$0x1], $0x80, $0x38;
	[tilespmem:$0x2080] =	vst v63  }
0x1f8: {  	s25 =	sadd.s32 $0x80, s19;
	s28 =	simm.s32 $0x800  }
0x1f9: {  	[hbm4b:s25+s21] =	stream.linear.scatter [tilespmem:s28], [sflag:$0x1], $0x80, $0x38;
	[tilespmem:$0x2080] =	vst v63  }
0x1fa: {  	s25 =	sadd.s32 $0x90, s19;
	s28 =	simm.s32 $0x900  }
0x1fb: {  	[hbm4b:s25+s21] =	stream.linear.scatter [tilespmem:s28], [sflag:$0x1], $0x80, $0x38;
	[tilespmem:$0x2080] =	vst v63  }
0x1fc: {  	s25 =	sadd.s32 $0xA0, s19;
	s28 =	simm.s32 $0xA00  }
0x1fd: {  	[hbm4b:s25+s21] =	stream.linear.scatter [tilespmem:s28], [sflag:$0x1], $0x80, $0x38;
	[tilespmem:$0x2080] =	vst v63  }
0x1fe: {  	s25 =	sadd.s32 $0xB0, s19;
	s28 =	simm.s32 $0xB00  }
0x1ff: {  	[hbm4b:s25+s21] =	stream.linear.scatter [tilespmem:s28], [sflag:$0x1], $0x80, $0x38;
	[tilespmem:$0x2080] =	vst v63  }
0x200: {  	s25 =	sadd.s32 $0xC0, s19;
	s28 =	simm.s32 $0xC00  }
0x201: {  	[hbm4b:s25+s21] =	stream.linear.scatter [tilespmem:s28], [sflag:$0x1], $0x80, $0x38;
	[tilespmem:$0x2080] =	vst v63  }
0x202: {  	_ =	swait.ge [sflag:s30], $0x680  }
0x203: {  	[sflag:s30] =	ssyncset.done $0x0  }
0x204: {  	s28 =	simm.s32 $0x80;
	[sflag:s30] =	ssyncadd.s32 $0xFFFFF980  }
0x205: {  	[hbm4b:s20+s21] =	stream.linear.scatter [tilespmem:s28], [sflag:$0x1], $0x80, $0x38;
	[tilespmem:$0x2080] =	vst v63  }
0x206: {  	s25 =	sadd.s32 $0x10, s20;
	s28 =	simm.s32 $0x180  }
0x207: {  	[hbm4b:s25+s21] =	stream.linear.scatter [tilespmem:s28], [sflag:$0x1], $0x80, $0x38;
	[tilespmem:$0x2080] =	vst v63  }
0x208: {  	s25 =	sadd.s32 $0x20, s20;
	s28 =	simm.s32 $0x280  }
0x209: {  	[hbm4b:s25+s21] =	stream.linear.scatter [tilespmem:s28], [sflag:$0x1], $0x80, $0x38;
	[tilespmem:$0x2080] =	vst v63  }
0x20a: {  	s28 =	sadd.s32 $0x30, s20  }
0x20b: {  	[hbm4b:s28+s21] =	stream.linear.scatter [tilespmem:s26], [sflag:$0x1], $0x80, $0x38;
	[tilespmem:$0x2080] =	vst v63  }
0x20c: {  	s25 =	sadd.s32 $0x40, s20  }
0x20d: {  	[hbm4b:s25+s21] =	stream.linear.scatter [tilespmem:s31], [sflag:$0x1], $0x80, $0x38;
	[tilespmem:$0x2080] =	vst v63  }
0x20e: {  	s26 =	sadd.s32 $0x50, s20  }
0x20f: {  	[hbm4b:s26+s21] =	stream.linear.scatter [tilespmem:s22], [sflag:$0x1], $0x80, $0x38;
	[tilespmem:$0x2080] =	vst v63  }
0x210: {  	s28 =	sadd.s32 $0x60, s20  }
0x211: {  	[hbm4b:s28+s21] =	stream.linear.scatter [tilespmem:s29], [sflag:$0x1], $0x80, $0x38;
	[tilespmem:$0x2080] =	vst v63  }
0x212: {  	s25 =	sadd.s32 $0x70, s20  }
0x213: {  	[hbm4b:s25+s21] =	stream.linear.scatter [tilespmem:s0], [sflag:$0x1], $0x80, $0x38;
	[tilespmem:$0x2080] =	vst v63  }
0x214: {  	s26 =	sadd.s32 $0x80, s20  }
0x215: {  	[hbm4b:s26+s21] =	stream.linear.scatter [tilespmem:s2], [sflag:$0x1], $0x80, $0x38;
	[tilespmem:$0x2080] =	vst v63  }
0x216: {  	s28 =	sadd.s32 $0x90, s20  }
0x217: {  	[hbm4b:s28+s21] =	stream.linear.scatter [tilespmem:s5], [sflag:$0x1], $0x80, $0x38;
	[tilespmem:$0x2080] =	vst v63  }
0x218: {  	s25 =	sadd.s32 $0xA0, s20  }
0x219: {  	[hbm4b:s25+s21] =	stream.linear.scatter [tilespmem:s8], [sflag:$0x1], $0x80, $0x38;
	[tilespmem:$0x2080] =	vst v63  }
0x21a: {  	s26 =	sadd.s32 $0xB0, s20  }
0x21b: {  	[hbm4b:s26+s21] =	stream.linear.scatter [tilespmem:s11], [sflag:$0x1], $0x80, $0x38;
	[tilespmem:$0x2080] =	vst v63  }
0x21c: {  	s28 =	sadd.s32 $0xC0, s20  }
0x21d: {  	[hbm4b:s28+s21] =	stream.linear.scatter [tilespmem:s13], [sflag:$0x1], $0x80, $0x38;
	[tilespmem:$0x2080] =	vst v63  }
0x21e: {  	s25 =	sand.u32 $0x3C00, s21;
	_ =	swait.ge [sflag:s30], $0x680  }
0x21f: {  	s24 =	sshrl.u32 s25, $0x2;
	s21 =	sand.u32 $0x70, s21;
	[sflag:s30] =	ssyncset.done $0x0  }
0x220: {  	s21 =	sor.u32 s21, s24;
	[sflag:s30] =	ssyncadd.s32 $0xFFFFF980  }
0x221: {  	v2 =	vld [tilespmem:s21+$0x80];
	_ =	sdelay $0x1  }
0x222: {  	s26 =	simm.s32 $0x80  }
0x223: {  	s28 =	simm.s32 $0x10;
	s21 =	sand.u32 $0x3C00, s26  }
0x224: {  	s24 =	sand.u32 $0x70, s28;
	s21 =	sshrl.u32 s21, $0x2  }
0x225: {  	s24 =	sor.u32 s24, s21;
	[tilespmem:s15+$0x0] =	vst v2  }
0x226: {  	v2 =	vld [tilespmem:s24+$0x80]  }
0x227: {  	s21 =	simm.s32 $0x20;
	s24 =	simm.s32 $0x100  }
.LBB2_14:
0x228: {  	s25 =	sand.u32 $0x3C00, s24;
	p1 =	sne.s32 s21, $0x670  }
0x229: {  	s28 =	smov.u32 s21;
	s21 =	sadd.s32 $0x10, s21;
	s15 =	sadd.s32 $0x10, s15  }
.Ltmp6:
0x22a: {  	s28 =	sand.u32 $0x70, s28;
	s25 =	sshrl.u32 s25, $0x2;
	(pc) =	sbr.rel @p1 .LBB2_14-.Ltmp6, $3  }
0x22b: {  	s25 =	sor.u32 s28, s25;
	[tilespmem:s15+$0x0] =	vst v2  }
0x22c: {  	v2 =	vld [tilespmem:s25+$0x80];
	_ =	sdelay $0x1  }
0x22d: {  	s24 =	sadd.s32 $0x80, s24  }
0x22e: {  	_ = 	snop  }
0x22f: {  	s15 =	sadd.s32 $0x10, s15  }
0x230: {  	s25 =	simm.s32 $0xE00;
	[tilespmem:s15+$0x0] =	vst v2  }
0x231: {  	[spmem:s23] =	stream.indirect.scatter.add.f32 [tilespmem:s14], [sflag:$0x1], $0x1, s25, s29, $0xb8;
	[tilespmem:$0x2080] =	vst v63  }
0x232: {  	_ =	swait.ge [sflag:s30], $0x680  }
0x233: {  	s21 =	simm.s32 @!p0 $0xD00;
	[sflag:s30] =	ssyncset.done $0x0  }
0x234: {  	s15 =	simm.s32 @!p0 $0x0;
	s24 =	rddreg [dreg:$0xb];
	[sflag:s30] =	ssyncadd.s32 $0xFFFFF980  }
0x235: {  	[tilespmem:s21], [sflag:$0x1] =	stream.linear.gather @!p0 [hbm4b:s24+s15], $0x100, $0x38;
	[tilespmem:$0x2080] =	vst v63  }
0x236: {  	s24 =	simm.s32 @!p0 $0x1  }
0x237: {  	_ =	swait.ge @!p0 [sflag:s24], $0x100  }
0x238: {  	[sflag:s24] =	ssyncset.done @!p0 $0x0  }
0x239: {  	s25 =	rddreg [dreg:$0xc];
	[sflag:s24] =	ssyncadd.s32 @!p0 $0xFFFFFF00  }
0x23a: {  	[hbm4b:s25+s15] =	stream.linear.scatter @!p0 [tilespmem:s21], [sflag:$0x1], $0x80, $0x38;
	[tilespmem:$0x2080] =	vst v63  }
0x23b: {  	_ =	swait.ge @!p0 [sflag:s24], $0x80  }
0x23c: {  	[sflag:s24] =	ssyncset.done @!p0 $0x0  }
0x23d: {  	s21 =	simm.s32 @!p0 $0xD80;
	s25 =	rddreg [dreg:$0xd];
	[sflag:s24] =	ssyncadd.s32 @!p0 $0xFFFFFF80  }
0x23e: {  	[hbm4b:s25+s15] =	stream.linear.scatter @!p0 [tilespmem:s21], [sflag:$0x1], $0x80, $0x38;
	[tilespmem:$0x2080] =	vst v63  }
0x23f: {  	_ =	swait.ge @!p0 [sflag:s24], $0x80  }
0x240: {  	[sflag:s24] =	ssyncset.done @!p0 $0x0  }
0x241: {  	[sflag:s24] =	ssyncadd.s32 @!p0 $0xFFFFFF80  }
0x242: {  	v2 =	vld @!p0 [tilespmem:$0xD80]  }
0x243: {  	v3 =	vld @!p0 [tilespmem:$0xD90]  }
0x244: {  	v4 =	vld @!p0 [tilespmem:$0xDA0]  }
0x245: {  	v5 =	vld @!p0 [tilespmem:$0xDB0]  }
0x246: {  	v6 =	vld @!p0 [tilespmem:$0xDC0]  }
0x247: {  	[tilespmem:$0x1480] =	vst @!p0 v2;
	v2 =	vld @!p0 [tilespmem:$0xDD0]  }
0x248: {  	[tilespmem:$0x1490] =	vst @!p0 v3;
	v3 =	vld @!p0 [tilespmem:$0xDE0]  }
0x249: {  	[tilespmem:$0x14A0] =	vst @!p0 v4;
	v4 =	vld @!p0 [tilespmem:$0xDF0]  }
0x24a: {  	[tilespmem:$0x14B0] =	vst @!p0 v5  }
0x24b: {  	[tilespmem:$0x14C0] =	vst @!p0 v6  }
0x24c: {  	[tilespmem:$0x14D0] =	vst @!p0 v2  }
0x24d: {  	[tilespmem:$0x14E0] =	vst @!p0 v3  }
0x24e: {  	s15 =	simm.s32 @!p0 $0x80;
	s21 =	simm.s32 @!p0 $0x1480;
	s25 =	simm.s32 @!p0 $0x1500;
	[tilespmem:$0x14F0] =	vst @!p0 v4  }
0x24f: {  	[spmem:s23] =	stream.indirect.scatter.add.f32 @!p0 [tilespmem:s25], [sflag:$0x1], $0x1, s21, s15, $0xb8;
	[tilespmem:$0x2080] =	vst v63  }
0x250: {  	_ =	swait.ge @!p0 [sflag:s24], $0x80  }
0x251: {  	[sflag:s24] =	ssyncset.done @!p0 $0x0  }
0x252: {  	[sflag:s24] =	ssyncadd.s32 @!p0 $0xFFFFFF80  }
0x253: {  	s26 =	stileid.u32;
	s28 =	simm.s32 $0x20;
	[bflag:$0x0] =	sbarrier.arrive $0xFFFF  }
0x254: {  	s15 =	sshll.u32 s26, $0x6;
	s26 =	simm.s32 $0x10;
	s25 =	rddreg [dreg:$0xf]  }
0x255: {  	s15 =	sor.u32 $0x1C01, s15;
	s24 =	rddreg [dreg:$0xe];
	s21 =	sshrl.u32 s25, $0x3  }
0x256: {  	[hbm:s24@s28], [sflag:s15] =	dma.strided [spmem:s21@s26], $0x50, s30, $0x10   }
0x257: {  	_ =	swait.ge [sflag:s30], $0x50  }
0x258: {  	s1 =	sadd.s32 $0x1, s1;
	s28 =	rddreg [dreg:$0x10]  }
0x259: {  	p1 =	sne.s32 s1, s28  }
.Ltmp7:
0x25a: {  	_ = 	snop;
	(pc) =	sbr.rel @p1 .LBB2_1-.Ltmp7, $3  }
0x25b: {  	_ =	sdelay $0x1  }
0x25c: {  	[sflag:s30] =	ssyncset.done $0x0  }
0x25d: {  	s26 =	simm.s32 $0x380;
	[sflag:s30] =	ssyncadd.s32 $0xFFFFFFB0  }
0x25e: {  	_ =	sfence.sel $0x180000  }
0x25f: {  	[bflag:$0x0] =	sbarrier.arrive $0xFFFF  }
0x260: {  	_ =	strace $0x90000047  }
0x261: {  	s0 =	stileid.u32;
	[bflag:$0x2] =	sbarrier.arrive $0xFFFF  }
0x262: {  	p0 =	sne.s32 s0, $0x0;
	s0 =	rddreg [dreg:$0x4]  }
0x263: {  	s0 =	sadd.s32 @!p0 $0x100000, s0  }
0x264: {  	[sflag:s0] =	ssyncadd.tile.s32 @!p0 $0x1;
	_ =	shalt  }
.Lfunc_end2:
_tile_overlayer_lowered:
.L_overlay_start_2:
0x265: {  	(tag) =	ssettag $0x2  }
0x266: {  	s0 =	rddreg [dreg:$0x0];
	s2 =	stileid.u32  }
0x267: {  	s1 =	rddreg [dreg:$0x1];
	p0 =	sne.s32 s2, $0x0  }
0x268: {  	s3 =	rddreg [dreg:$0x2];
	[bflag:$0x3] =	sbarrier.arrive $0xFFFF;
	s2 =	simm.s32 @!p0 $0x1C01  }
0x269: {  	[timem:s3], [sflag:s2] =	dma.local @!p0 [hbm:s0], s1  }
0x26a: {  	s0 =	simm.s32 @!p0 $0x1  }
0x26b: {  	_ =	swait.ge @!p0 [sflag:s0], s1  }
0x26c: {  	s1 =	ssub.s32 @!p0 $0x0, s1;
	[sflag:s0] =	ssyncset.done @!p0 $0x0  }
0x26d: {  	[sflag:s0] =	ssyncadd.s32 @!p0 s1  }
0x26e: {  	[bflag:$0x3] =	sbarrier.arrive $0xFFFF  }
0x26f: {  	_ =	shalt  }

// kernel: kernel.9.cloned.1.call-start
scs
__scs_entry_jumppad:
0x0: {  	(pc) =	sbr.rel $0x88, $3  }
0x1: {  	(tag) =	ssettag $0x0;
	lr =	simm.s32 $0x1  }
0x2: {  	[smem:$0x3F9B] =	sst lr;
	_ =	strace $0xD0000000  }
0x3: {  	_ = 	snop  }
0x4: {  	_ = 	snop  }
0x5: {  	_ = 	snop  }
0x6: {  	_ = 	snop  }
0x7: {  	_ = 	snop  }
__scs_overlays_trampoline_lowered:
0x8: {  	[smem:$0x3FAA] =	sst s0  }
0x9: {  	[smem:$0x3FAB] =	sst s1  }
0xa: {  	[smem:$0x3FAC] =	sst s2  }
0xb: {  	[smem:$0x3FAD] =	sst s3  }
0xc: {  	[smem:$0x3FAE] =	sst s4  }
0xd: {  	[smem:$0x3FAF] =	sst s5  }
0xe: {  	[smem:$0x3FB0] =	sst s6  }
0xf: {  	[smem:$0x3FB1] =	sst s7  }
0x10: {  	[smem:$0x3FB2] =	sst s8  }
0x11: {  	[smem:$0x3FB3] =	sst s9;
	s0 =	simm.s32 @!p0 $0x0  }
0x12: {  	s1 =	sld [smem:$0x3F99];
	s0 =	simm.s32 @p0 $0x1  }
0x13: {  	[smem:$0x3FB4] =	sst s0;
	s0 =	simm.s32 @!p1 $0x0  }
0x14: {  	s2 =	sld [smem:$0x3F98];
	s0 =	simm.s32 @p1 $0x1  }
0x15: {  	[smem:$0x3FB5] =	sst s0;
	s0 =	simm.s32 @!p2 $0x0  }
0x16: {  	s3 =	sld [smem:$0x3FDB];
	s0 =	simm.s32 @p2 $0x1  }
0x17: {  	s4 =	simm.s32 $0x1BF5;
	[smem:$0x3FB7] =	sst s0  }
0x18: {  	s0 =	sld [smem:$0x3F9A];
	_ =	swait.ge [sflag:s4], $0x0  }
0x19: {  	s7 =	sld [smem:$0x3F9B]  }
0x1a: {  	s8 =	sadd.s32 $0xFFFFE003, lr  }
0x1b: {  	s9 =	sadd.s32 $0xFFFFFEF7, lr;
	s5 =	simm.s32 $0xFFFFFFFF;
	p2 =	slt.u32 s8, $0xFFFFF086  }
0x1c: {  	p1 =	slt.u32 s9, $0xF7A;
	s5 =	simm.s32 @!p2 $0x0  }
0x1d: {  	s5 =	simm.s32 @p1 $0x1;
	p0 =	seq.s32 s7, s2  }
0x1e: {  	s7 =	smul.u32 @!p0 $0xF7A, s2;
	p2 =	seq.s32 @!p0 s5, $0x0  }
0x1f: {  	s9 =	smul.u32 $0xF7A, s1;
	s8 =	simm.s32 @!p0 $0x1BF5;
	p2 =	por !p2, p0  }
0x20: {  	[sflag:s8] =	ssyncset.s32 @!p0 $0xFFFFF086;
	s6 =	sadd.s32 @!p0 s3, s7;
	s7 =	simm.s32 @!p0 $0x108  }
0x21: {  	s3 =	sadd.s32 s3, s9;
	s6 =	sadd.s32 @!p0 $0x88, s6;
	s7 =	simm.s32 @p2 $0x1082  }
0x22: {  	[simem:s7], [sflag:s8] =	dma.local @!p0 [hbm:s6], $0xF7A  }
0x23: {  	s9 =	sor.u32 $0xD0000000, s2;
	s6 =	simm.s32 $0x108;
	_ =	swait.ge @!p0 [sflag:s8], $0x0  }
0x24: {  	s3 =	sadd.s32 $0x88, s3;
	s6 =	simm.s32 @!p1 $0x1082;
	[sflag:s4] =	ssyncset.s32 $0xFFFFF086  }
0x25: {  	[simem:s6], [sflag:s4] =	dma.local [hbm:s3], $0xF7A  }
0x26: {  	[smem:$0x3F9B] =	sst s1;
	(tag) =	ssettag s2;
	_ =	strace s9  }
0x27: {  	s1 =	sld [smem:$0x3FAB]  }
0x28: {  	s2 =	sld [smem:$0x3FAC]  }
0x29: {  	s4 =	sld [smem:$0x3FAE]  }
0x2a: {  	p0 =	seq.s32 s5, $0x0;
	s5 =	sld [smem:$0x3FAF]  }
0x2b: {  	s6 =	sld [smem:$0x3FB0]  }
0x2c: {  	s7 =	sld [smem:$0x3FB1]  }
0x2d: {  	s3 =	simm.s32 $0x108;
	s8 =	sld [smem:$0x3FB2]  }
0x2e: {  	s3 =	simm.s32 @!p0 $0x1082;
	s9 =	sld [smem:$0x3FB3]  }
0x2f: {  	lr =	sadd.s32 s0, s3;
	s0 =	sld [smem:$0x3FAA]  }
0x30: {  	s3 =	sld [smem:$0x3FAD]  }
0x31: {  	[smem:$0x3FB6] =	sst s10  }
0x32: {  	s10 =	sld [smem:$0x3FB4];
	_ =	sdelay $0x3  }
0x33: {  	p0 =	seq.s32 s10, $0x1;
	s10 =	sld [smem:$0x3FB6];
	_ =	sdelay $0x3  }
0x34: {  	[smem:$0x3FB6] =	sst s10  }
0x35: {  	s10 =	sld [smem:$0x3FB5];
	_ =	sdelay $0x3  }
0x36: {  	p1 =	seq.s32 s10, $0x1;
	s10 =	sld [smem:$0x3FB6];
	_ =	sdelay $0x3  }
0x37: {  	[smem:$0x3FB6] =	sst s10  }
0x38: {  	s10 =	sld [smem:$0x3FB7]  }
0x39: {  	_ = 	snop;
	(pc) =	sbr.ind lr, $3  }
0x3a: {  	_ = 	snop  }
0x3b: {  	_ = 	snop  }
0x3c: {  	p2 =	seq.s32 s10, $0x1;
	s10 =	sld [smem:$0x3FB6]  }
0x3d: {  	_ =	shalt  }
0x3e: {  	_ =	shalt  }
0x3f: {  	_ =	shalt  }
0x40: {  	_ =	shalt  }
0x41: {  	_ =	shalt  }
0x42: {  	_ =	shalt  }
0x43: {  	_ =	shalt  }
0x44: {  	_ =	shalt  }
0x45: {  	_ =	shalt  }
0x46: {  	_ =	shalt  }
0x47: {  	_ =	shalt  }
0x48: {  	_ =	shalt  }
0x49: {  	_ =	shalt  }
0x4a: {  	_ =	shalt  }
0x4b: {  	_ =	shalt  }
0x4c: {  	_ =	shalt  }
0x4d: {  	_ =	shalt  }
0x4e: {  	_ =	shalt  }
0x4f: {  	_ =	shalt  }
0x50: {  	_ =	shalt  }
0x51: {  	_ =	shalt  }
0x52: {  	_ =	shalt  }
0x53: {  	_ =	shalt  }
0x54: {  	_ =	shalt  }
0x55: {  	_ =	shalt  }
0x56: {  	_ =	shalt  }
0x57: {  	_ =	shalt  }
0x58: {  	_ =	shalt  }
0x59: {  	_ =	shalt  }
0x5a: {  	_ =	shalt  }
0x5b: {  	_ =	shalt  }
0x5c: {  	_ =	shalt  }
0x5d: {  	_ =	shalt  }
0x5e: {  	_ =	shalt  }
0x5f: {  	_ =	shalt  }
0x60: {  	_ =	shalt  }
0x61: {  	_ =	shalt  }
0x62: {  	_ =	shalt  }
0x63: {  	_ =	shalt  }
0x64: {  	_ =	shalt  }
0x65: {  	_ =	shalt  }
0x66: {  	_ =	shalt  }
0x67: {  	_ =	shalt  }
0x68: {  	_ =	shalt  }
0x69: {  	_ =	shalt  }
0x6a: {  	_ =	shalt  }
0x6b: {  	_ =	shalt  }
0x6c: {  	_ =	shalt  }
0x6d: {  	_ =	shalt  }
0x6e: {  	_ =	shalt  }
0x6f: {  	_ =	shalt  }
0x70: {  	_ =	shalt  }
0x71: {  	_ =	shalt  }
0x72: {  	_ =	shalt  }
0x73: {  	_ =	shalt  }
0x74: {  	_ =	shalt  }
0x75: {  	_ =	shalt  }
0x76: {  	_ =	shalt  }
0x77: {  	_ =	shalt  }
0x78: {  	_ =	shalt  }
0x79: {  	_ =	shalt  }
0x7a: {  	_ =	shalt  }
0x7b: {  	_ =	shalt  }
0x7c: {  	_ =	shalt  }
0x7d: {  	_ =	shalt  }
0x7e: {  	_ =	shalt  }
0x7f: {  	_ =	shalt  }
0x80: {  	_ =	shalt  }
0x81: {  	_ =	shalt  }
0x82: {  	_ =	shalt  }
0x83: {  	_ =	shalt  }
0x84: {  	_ =	shalt  }
0x85: {  	_ =	shalt  }
0x86: {  	_ =	shalt  }
0x87: {  	_ =	shalt  }
.Lfunc_end0:
.L_simem_size_0:
called_computation.1_lowered:
.L_overlay_start_0:
0x88: {  	s2 =	sld [smem:$0x3FD9]  }
0x89: {  	s3 =	sld [smem:$0x3FFE];
	_ =	sdelay $0x1  }
0x8a: {  	s1 =	srdreg.scid  }
0x8b: {  	s0 =	sand.u32 $0x1, s1  }
0x8c: {  	s17 =	sshll.u32 s0, $0xA;
	s2 =	sadd.s32 s3, s2  }
0x8d: {  	s2 =	sadd.s32 s2, s17  }
0x8e: {  	[smem:$0x3FC2] =	sst s2  }
0x8f: {  	_ = 	snop  }
0x90: {  	s2 =	sld [smem:$0x3FD0];
	(tm) =	ssettm $0x1  }
0x91: {  	s18 =	sld [smem:$0x3FFB];
	_ =	sdelay $0x3  }
0x92: {  	_ =	strace s18  }
0x93: {  	s3 =	sld [smem:$0x3FFC];
	_ =	sdelay $0x3  }
0x94: {  	_ =	strace s3  }
0x95: {  	s3 =	sld [smem:$0x3FFD];
	_ =	sdelay $0x3  }
0x96: {  	_ =	strace s3  }
0x97: {  	_ =	strace $0x8FFFFFFF  }
0x98: {  	s19 =	sld [smem:$0x3FDB];
	_ =	sdelay $0x1  }
0x99: {  	s4 =	simm.s32 $_scs_section_size  }
0x9a: {  	s5 =	simm.s32 $_size__tile_overlayer_lowered;
	s6 =	simm.s32 $_tile_overlayer_lowered  }
0x9b: {  	s22 =	simm.s32 $0x1BFF;
	s21 =	sshll.u32 s6, $0x1;
	s3 =	sadd.s32 s4, s19  }
0x9c: {  	s7 =	simm.s32 $0x0;
	s20 =	sshll.u32 s5, $0x1;
	s5 =	sadd.s32 s21, s3  }
0x9d: {  	[timem:s7], [sflag:s22] =	dma.local [hbm:s5], s20  }
0x9e: {  	_ =	swait.ge [sflag:s22], s20  }
0x9f: {  	s4 =	ssub.s32 $0x0, s20;
	[sflag:s22] =	ssyncset.done $0x0  }
0xa0: {  	[sflag:s22] =	ssyncadd.s32 s4;
	_ =	sdelay $0x1  }
0xa1: {  	s23 =	simm.s32 $0x1B8B  }
0xa2: {  	_ =	swait.ge [sflag:s23], $0x1  }
0xa3: {  	[sflag:s23] =	ssyncset.done $0x0  }
0xa4: {  	s25 =	simm.s32 $0x1B8E;
	s24 =	sld [smem:$0x3FFE];
	[sflag:s23] =	ssyncadd.s32 $0xFFFFFFFF  }
0xa5: {  	s26 =	simm.s32 $execute0_lowered;
	[smem:$0x3FD2] =	sst s25  }
0xa6: {  	s5 =	sshll.u32 s26, $0x1;
	_ =	strace $0x80000049;
	[dreg:$0x1] =	wrdreg $0xFFFFFFFF  }
0xa7: {  	s28 =	simm.s32 $_size_execute0_lowered;
	s3 =	sadd.s32 s3, s5;
	[dreg:$0x0] =	wrdreg $0x0  }
0xa8: {  	s5 =	sshll.u32 s28, $0x1;
	[dreg:$0x2] =	wrdreg s3  }
0xa9: {  	[dreg:$0x3] =	wrdreg s5  }
0xaa: {  	[dreg:$0x4] =	wrdreg $0xC0  }
0xab: {  	_ =	task [dreg:s7], $0x5FFFF  }
0xac: {  	[dreg:$0x1] =	wrdreg $0xFFFFFFFF  }
0xad: {  	[dreg:$0x0] =	wrdreg $0x60  }
0xae: {  	[dreg:$0x2] =	wrdreg s24  }
0xaf: {  	[dreg:$0x3] =	wrdreg s2  }
0xb0: {  	[dreg:$0x4] =	wrdreg $0x170200  }
0xb1: {  	[dreg:$0x5] =	wrdreg $0x9  }
0xb2: {  	_ =	task.clear_ibuf [dreg:s7], $0x6FFFF;
	_ =	strace $0x90000049  }
0xb3: {  	s29 =	simm.s32 $0x9;
	_ =	strace $0x8000004B  }
0xb4: {  	_ =	swait.ge [sflag:s29], $0x1  }
0xb5: {  	[sflag:s29] =	ssyncadd.s32 $0xFFFFFFFF  }
0xb6: {  	_ =	strace $0x9000004B  }
0xb7: {  	_ =	sfence  }
0xb8: {  	s30 =	sld [smem:$0x0];
	_ =	sdelay $0x2  }
0xb9: {  	s31 =	sshll.u32 s1, $0xD;
	s1 =	sshrl.u32 s1, $0x2  }
0xba: {  	s3 =	sand.u32 $0x4000, s31;
	s1 =	sadd.s32 s1, s30  }
0xbb: {  	s0 =	sor.u32 s3, s0;
	s1 =	sshll.u32 s1, $0x11  }
0xbc: {  	s0 =	sor.u32 s1, s0  }
0xbd: {  	s0 =	sadd.s32 $0x8F2B, s0  }
0xbe: {  	[sflag:s0] =	ssyncadd.remote.s32 $0x1  }
0xbf: {  	_ =	sfence.sel $0xFFFF  }
0xc0: {  	[dreg:$0x0] =	wrdreg $0xFFFFFFFF;
	(pc) =	sbr.abs _section_cstart, $3  }
0xc1: {  	[dreg:$0x1] =	wrdreg $0xFFFFFFFF  }
0xc2: {  	_ =	task.clear_ibuf [dreg:s7], $0x2FFFF;
	_ =	strace $0x9FFFFFFF  }
0xc3: {  	(tm) =	ssettm $0x7FFFFFFF  }
tec
execute0_lowered:
.L_overlay_start_1:
0x0: {  	(tag) =	ssettag $0x1  }
0x1: {  	s0 =	rddreg [dreg:$0x0]  }
0x2: {  	s2 =	rddreg [dreg:$0x1]  }
0x3: {  	s3 =	rddreg [dreg:$0x2];
	s1 =	srdreg.scid  }
0x4: {  	s8 =	stileid.u32;
	s4 =	simm.s32 $0x0;
	s19 =	simm.s32 $0x5  }
0x5: {  	s20 =	simm.s32 $0x2710;
	s28 =	simm.s32 $0x1F40;
	s29 =	simm.s32 $0x4650  }
0x6: {  	s30 =	simm.s32 $0x4E20;
	s31 =	simm.s32 $0xCB20;
	s18 =	simm.s32 $0x2  }
0x7: {  	s1 =	sand.u32 $0x1, s1;
	s5 =	smul.u32 $0x2800, s8;
	[smem:$0x7FF] =	sst s4  }
0x8: {  	s21 =	sadd.s32 $0x1800, s0;
	s9 =	sadd.s32 $0xB600, s0;
	s6 =	smul.u32 $0x28000, s1  }
0x9: {  	s7 =	sshll.u32 s1, $0x4;
	_ =	strace $0x8000004A;
	s1 =	ssub.s32 $0x2, s1  }
0xa: {  	s7 =	sor.u32 s8, s7;
	s22 =	sshrl.u32 s1, $0x1;
	s6 =	sadd.s32 s5, s6  }
0xb: {  	s7 =	smul.u32 $0x2710, s7;
	s1 =	ssub.s32 s1, s22;
	s5 =	sadd.s32 s5, s3  }
0xc: {  	s22 =	simm.s32 $0x2EE0;
	s6 =	sshrl.u32 s6, $0x3;
	s17 =	smax.u32 s1, $0x1  }
0xd: {  	s1 =	simm.s32 $0x3;
	s0 =	sadd.s32 s6, s0;
	s7 =	sshrl.u32 s7, $0x3  }
0xe: {  	s23 =	sadd.s32 s21, s7;
	s24 =	sadd.s32 s9, s7;
	s25 =	sadd.s32 $0xFA, s7  }
0xf: {  	s11 =	sadd.s32 $0x1F4, s7;
	s26 =	sadd.s32 $0x2EE, s7;
	s7 =	sadd.s32 $0x3E8, s7  }
0x10: {  	s16 =	sadd.s32 $0x15400, s0;
	s0 =	simm.s32 $0x1;
	[dreg:$0x4] =	wrdreg s23  }
0x11: {  	[dreg:$0x5] =	wrdreg s24;
	s10 =	sadd.s32 s21, s25;
	s6 =	sadd.s32 s9, s25  }
0x12: {  	s12 =	sadd.s32 s21, s26;
	s13 =	sadd.s32 s9, s26;
	s14 =	sadd.s32 s21, s7  }
0x13: {  	s15 =	sadd.s32 s9, s7;
	s23 =	simm.s32 $0xFA0;
	s24 =	simm.s32 $0x36B0  }
0x14: {  	s25 =	simm.s32 $0x1770;
	s26 =	simm.s32 $0x3E80;
	[dreg:$0x6] =	wrdreg s10  }
0x15: {  	s7 =	simm.s32 $0x0;
	[dreg:$0x7] =	wrdreg s6;
	s10 =	sadd.s32 s21, s11  }
0x16: {  	v0 =	vimm.f32 $0.0e+00;
	s11 =	sadd.s32 s9, s11;
	s21 =	simm.s32 $0x7D0;
	s6 =	simm.s32 $0x4  }
.LBB2_1:
0x17: {  	s8 =	simm.s32 $0x40;
	s9 =	simm.s32 $0x0  }
.LBB2_2:
0x18: {  	p0 =	sne.s32 s8, $0x9FC0;
	[tilespmem:s9+$0x14820] =	vst v0;
	s9 =	smov.u32 s8;
	s8 =	sadd.s32 $0x40, s8  }
.Ltmp0:
0x19: {  	(pc) =	sbr.rel @p0 .LBB2_2-.Ltmp0, $2  }
0x1a: {  	_ =	sdelay $0x2  }
0x1b: {  	s9 =	sshra.s32 s9, $0x2  }
0x1c: {  	[tilespmem:s9+$0x14820] =	vst v0;
	s8 =	simm.s32 $0x14820  }
0x1d: {  	[spmem:s5] =	stream.linear.scatter [tilespmem:s8], [sflag:$0x5], $0x2800, $0x38;
	[tilespmem:$0x19820] =	vst v63  }
0x1e: {  	_ =	swait.ge [sflag:s19], $0x2800  }
0x1f: {  	[sflag:s19] =	ssyncset.done $0x0  }
0x20: {  	s9 =	rddreg [dreg:$0x4];
	[sflag:s19] =	ssyncadd.s32 $0xFFFFD800  }
0x21: {  	[tilespmem:s4], [sflag:$0x5] =	stream.linear.gather [hbm4b:s9+s4], $0x7D0, $0x38;
	[tilespmem:$0x19820] =	vst v63  }
0x22: {  	_ =	swait.ge [sflag:s19], $0x7D0  }
0x23: {  	[sflag:s19] =	ssyncset.done $0x0  }
0x24: {  	s9 =	rddreg [dreg:$0x5];
	[sflag:s19] =	ssyncadd.s32 $0xFFFFF830  }
0x25: {  	[tilespmem:s20], [sflag:$0x5] =	stream.linear.gather [hbm4b:s9+s4], $0x7D0, $0x38;
	[tilespmem:$0x19820] =	vst v63  }
0x26: {  	_ =	swait.ge [sflag:s19], $0x7D0  }
0x27: {  	[sflag:s19] =	ssyncset.done $0x0  }
0x28: {  	s9 =	rddreg [dreg:$0x6];
	[sflag:s19] =	ssyncadd.s32 $0xFFFFF830  }
0x29: {  	[tilespmem:s21], [sflag:$0x5] =	stream.linear.gather [hbm4b:s9+s4], $0x7D0, $0x38;
	[tilespmem:$0x19820] =	vst v63  }
0x2a: {  	_ =	swait.ge [sflag:s19], $0x7D0  }
0x2b: {  	[sflag:s19] =	ssyncset.done $0x0  }
0x2c: {  	s9 =	rddreg [dreg:$0x7];
	[sflag:s19] =	ssyncadd.s32 $0xFFFFF830  }
0x2d: {  	[tilespmem:s22], [sflag:$0x5] =	stream.linear.gather [hbm4b:s9+s4], $0x7D0, $0x38;
	[tilespmem:$0x19820] =	vst v63  }
0x2e: {  	_ =	swait.ge [sflag:s19], $0x7D0  }
0x2f: {  	[sflag:s19] =	ssyncset.done $0x0  }
0x30: {  	[sflag:s19] =	ssyncadd.s32 $0xFFFFF830  }
0x31: {  	[tilespmem:s23], [sflag:$0x5] =	stream.linear.gather [hbm4b:s10+s4], $0x7D0, $0x38;
	[tilespmem:$0x19820] =	vst v63  }
0x32: {  	_ =	swait.ge [sflag:s19], $0x7D0  }
0x33: {  	[sflag:s19] =	ssyncset.done $0x0  }
0x34: {  	[sflag:s19] =	ssyncadd.s32 $0xFFFFF830  }
0x35: {  	[tilespmem:s24], [sflag:$0x5] =	stream.linear.gather [hbm4b:s11+s4], $0x7D0, $0x38;
	[tilespmem:$0x19820] =	vst v63  }
0x36: {  	_ =	swait.ge [sflag:s19], $0x7D0  }
0x37: {  	[sflag:s19] =	ssyncset.done $0x0  }
0x38: {  	[sflag:s19] =	ssyncadd.s32 $0xFFFFF830  }
0x39: {  	[tilespmem:s25], [sflag:$0x5] =	stream.linear.gather [hbm4b:s12+s4], $0x7D0, $0x38;
	[tilespmem:$0x19820] =	vst v63  }
0x3a: {  	_ =	swait.ge [sflag:s19], $0x7D0  }
0x3b: {  	[sflag:s19] =	ssyncset.done $0x0  }
0x3c: {  	[sflag:s19] =	ssyncadd.s32 $0xFFFFF830  }
0x3d: {  	[tilespmem:s26], [sflag:$0x5] =	stream.linear.gather [hbm4b:s13+s4], $0x7D0, $0x38;
	[tilespmem:$0x19820] =	vst v63  }
0x3e: {  	_ =	swait.ge [sflag:s19], $0x7D0  }
0x3f: {  	[sflag:s19] =	ssyncset.done $0x0  }
0x40: {  	[sflag:s19] =	ssyncadd.s32 $0xFFFFF830  }
0x41: {  	[tilespmem:s28], [sflag:$0x5] =	stream.linear.gather [hbm4b:s14+s4], $0x7D0, $0x38;
	[tilespmem:$0x19820] =	vst v63  }
0x42: {  	_ =	swait.ge [sflag:s19], $0x7D0  }
0x43: {  	[sflag:s19] =	ssyncset.done $0x0  }
0x44: {  	[sflag:s19] =	ssyncadd.s32 $0xFFFFF830  }
0x45: {  	[tilespmem:s29], [sflag:$0x5] =	stream.linear.gather [hbm4b:s15+s4], $0x7D0, $0x38;
	[tilespmem:$0x19820] =	vst v63  }
0x46: {  	_ =	swait.ge [sflag:s19], $0x7D0  }
0x47: {  	[sflag:s19] =	ssyncset.done $0x0  }
0x48: {  	[sflag:s19] =	ssyncadd.s32 $0xFFFFF830  }
0x49: {  	[bflag:$0x0] =	sbarrier.arrive $0xFFFF  }
0x4a: {  	[tilespmem:s30], [sflag:$0x1] =	stream.indirect.gather [hbm4b:s2+s21], $0x10, s4, s21, $0xb8;
	[tilespmem:$0x19820] =	vst v63  }
0x4b: {  	_ = 	snop  }
0x4c: {  	[tilespmem:s31], [sflag:$0x2] =	stream.indirect.gather [hbm4b:s2+s21], $0x10, s21, s21, $0xb8;
	[tilespmem:$0x19820] =	vst v63  }
0x4d: {  	_ =	swait.ge [sflag:s0], $0x7D00  }
0x4e: {  	[sflag:s0] =	ssyncset.done $0x0  }
0x4f: {  	[sflag:s0] =	ssyncadd.s32 $0xFFFF8300  }
0x50: {  	[spmem:s3] =	stream.indirect.scatter.add.f32 [tilespmem:s30], [sflag:$0x3], $0x10, s20, s21, $0xb8;
	[tilespmem:$0x19820] =	vst v63  }
0x51: {  	_ =	swait.ge [sflag:s1], $0x7D00  }
0x52: {  	[sflag:s1] =	ssyncset.done $0x0  }
0x53: {  	[sflag:s1] =	ssyncadd.s32 $0xFFFF8300  }
0x54: {  	[tilespmem:s30], [sflag:$0x1] =	stream.indirect.gather [hbm4b:s2+s21], $0x10, s23, s21, $0xb8;
	[tilespmem:$0x19820] =	vst v63  }
0x55: {  	_ =	swait.ge [sflag:s18], $0x7D00  }
0x56: {  	[sflag:s18] =	ssyncset.done $0x0  }
0x57: {  	[sflag:s18] =	ssyncadd.s32 $0xFFFF8300  }
0x58: {  	[spmem:s3] =	stream.indirect.scatter.add.f32 [tilespmem:s31], [sflag:$0x4], $0x10, s22, s21, $0xb8;
	[tilespmem:$0x19820] =	vst v63  }
0x59: {  	_ =	swait.ge [sflag:s6], $0x7D00  }
0x5a: {  	[sflag:s6] =	ssyncset.done $0x0  }
0x5b: {  	[sflag:s6] =	ssyncadd.s32 $0xFFFF8300  }
0x5c: {  	[tilespmem:s31], [sflag:$0x2] =	stream.indirect.gather [hbm4b:s2+s21], $0x10, s25, s21, $0xb8;
	[tilespmem:$0x19820] =	vst v63  }
0x5d: {  	_ =	swait.ge [sflag:s0], $0x7D00  }
0x5e: {  	[sflag:s0] =	ssyncset.done $0x0  }
0x5f: {  	[sflag:s0] =	ssyncadd.s32 $0xFFFF8300  }
0x60: {  	[spmem:s3] =	stream.indirect.scatter.add.f32 [tilespmem:s30], [sflag:$0x3], $0x10, s24, s21, $0xb8;
	[tilespmem:$0x19820] =	vst v63  }
0x61: {  	_ =	swait.ge [sflag:s1], $0x7D00  }
0x62: {  	[sflag:s1] =	ssyncset.done $0x0  }
0x63: {  	[sflag:s1] =	ssyncadd.s32 $0xFFFF8300  }
0x64: {  	[tilespmem:s30], [sflag:$0x1] =	stream.indirect.gather [hbm4b:s2+s21], $0x10, s28, s21, $0xb8;
	[tilespmem:$0x19820] =	vst v63  }
0x65: {  	_ =	swait.ge [sflag:s18], $0x7D00  }
0x66: {  	[sflag:s18] =	ssyncset.done $0x0  }
0x67: {  	[sflag:s18] =	ssyncadd.s32 $0xFFFF8300  }
0x68: {  	[spmem:s3] =	stream.indirect.scatter.add.f32 [tilespmem:s31], [sflag:$0x4], $0x10, s26, s21, $0xb8;
	[tilespmem:$0x19820] =	vst v63  }
0x69: {  	_ =	swait.ge [sflag:s0], $0x7D00  }
0x6a: {  	[sflag:s0] =	ssyncset.done $0x0  }
0x6b: {  	[sflag:s0] =	ssyncadd.s32 $0xFFFF8300  }
0x6c: {  	[spmem:s3] =	stream.indirect.scatter.add.f32 [tilespmem:s30], [sflag:$0x3], $0x10, s29, s21, $0xb8;
	[tilespmem:$0x19820] =	vst v63  }
0x6d: {  	_ =	swait.ge [sflag:s1], $0x7D00  }
0x6e: {  	[sflag:s1] =	ssyncset.done $0x0  }
0x6f: {  	[sflag:s1] =	ssyncadd.s32 $0xFFFF8300  }
0x70: {  	s7 =	sadd.s32 $0x1, s7;
	_ =	swait.ge [sflag:s6], $0x7D00  }
0x71: {  	p0 =	sne.s32 s7, s17;
	s9 =	stileid.u32;
	[sflag:s6] =	ssyncset.done $0x0  }
0x72: {  	s8 =	sshll.u32 s9, $0x6;
	s9 =	sshrl.u32 s5, $0x3;
	[sflag:s6] =	ssyncadd.s32 $0xFFFF8300  }
.Ltmp1:
0x73: {  	s8 =	sor.u32 $0x1C05, s8;
	[bflag:$0x0] =	sbarrier.arrive $0xFFFF;
	(pc) =	sbr.rel @p0 .LBB2_1-.Ltmp1, $4  }
0x74: {  	[hbm:s16], [sflag:s8] =	dma.local [spmem:s9], $0x500  }
0x75: {  	_ =	swait.ge [sflag:s19], $0x500  }
0x76: {  	[sflag:s19] =	ssyncset.done $0x0  }
0x77: {  	[sflag:s19] =	ssyncadd.s32 $0xFFFFFB00  }
0x78: {  	_ =	sfence.sel $0x180000  }
0x79: {  	[bflag:$0x0] =	sbarrier.arrive $0xFFFF  }
0x7a: {  	_ =	strace $0x9000004A  }
0x7b: {  	s0 =	stileid.u32;
	[bflag:$0x2] =	sbarrier.arrive $0xFFFF  }
0x7c: {  	p0 =	sne.s32 s0, $0x0;
	s0 =	rddreg [dreg:$0x3]  }
0x7d: {  	s0 =	sadd.s32 @!p0 $0x100000, s0  }
0x7e: {  	[sflag:s0] =	ssyncadd.tile.s32 @!p0 $0x1;
	_ =	shalt  }
.Lfunc_end2:
_tile_overlayer_lowered:
.L_overlay_start_2:
0x7f: {  	(tag) =	ssettag $0x2  }
0x80: {  	s0 =	rddreg [dreg:$0x0];
	s2 =	stileid.u32  }
0x81: {  	s1 =	rddreg [dreg:$0x1];
	p0 =	sne.s32 s2, $0x0  }
0x82: {  	s3 =	rddreg [dreg:$0x2];
	[bflag:$0x3] =	sbarrier.arrive $0xFFFF;
	s2 =	simm.s32 @!p0 $0x1C05  }
0x83: {  	[timem:s3], [sflag:s2] =	dma.local @!p0 [hbm:s0], s1  }
0x84: {  	s0 =	simm.s32 @!p0 $0x5  }
0x85: {  	_ =	swait.ge @!p0 [sflag:s0], s1  }
0x86: {  	s1 =	ssub.s32 @!p0 $0x0, s1;
	[sflag:s0] =	ssyncset.done @!p0 $0x0  }
0x87: {  	[sflag:s0] =	ssyncadd.s32 @!p0 s1  }
0x88: {  	[bflag:$0x3] =	sbarrier.arrive $0xFFFF  }
0x89: {  	_ =	shalt  }

</sc_bundles>
